<compile_context>
chip_gen: v7x
topology: tpu7x:2x2x1
jax: 0.10.2.dev20260603
libtpu: 0.0.44.dev20260713+nightly
codegen_flags: <defaults>
</compile_context>

<pallas_src>
import functools

import jax
import jax.numpy as jnp
from jax import lax
from jax.experimental import pallas as pl
from jax.experimental.pallas import tpu as pltpu
from jax.experimental.pallas import tpu_sc as plsc

N = 10000
E = 320000
D = 128
NPAD = 10240
DUMMY = N
NC, NS = 2, 16
NW = NC * NS
CHUNK = 128
CPT = 80
G = 40
EPT = CPT * CHUNK
EPAD = NW * EPT
RPT = NPAD // NS
RB = 1280

@functools.cache
def _sc_kernels():
    mesh = plsc.VectorSubcoreMesh(
        core_axis_name="c", subcore_axis_name="s", num_cores=NC, num_subcores=NS)
    deg = _make_deg(mesh)
    spmv = _make_spmv(mesh)
    return deg, spmv



def _make_deg(mesh):
  @functools.partial(
    pl.kernel,
    out_type=jax.ShapeDtypeStruct((2 * NPAD, D), jnp.float32),
    mesh=mesh,
    scratch_types=[
        pltpu.VMEM((G, CHUNK), jnp.int32),
        pltpu.VMEM((CHUNK, D), jnp.float32),
        pltpu.VMEM_SHARED((NPAD, D), jnp.float32),
    ],
  )
  def _deg_kernel(dstI, ones128, zeros128, out, dst_v, buf, acc):
        c = lax.axis_index("c")
        s = lax.axis_index("s")
        wid = s * NC + c
        base = s * RPT
        pltpu.sync_copy(zeros128, buf)
        for k in range(RPT // CHUNK):
            pltpu.sync_copy(buf, acc.at[pl.ds(base + k * CHUNK, CHUNK)])
        pltpu.sync_copy(ones128, buf)
        plsc.subcore_barrier()

        def super_chunk(g, carry):
            pltpu.sync_copy(dstI.at[wid].at[pl.ds(g * G, G)], dst_v)

            def body(j, carry2):
                pltpu.sync_copy(buf, acc.at[dst_v.at[j]], add=True)
                return carry2

            lax.fori_loop(0, G, body, 0)
            return carry

        lax.fori_loop(0, CPT // G, super_chunk, 0)
        plsc.subcore_barrier()
        for k in range(RPT // CHUNK):
            pltpu.sync_copy(acc.at[pl.ds(base + k * CHUNK, CHUNK)], buf)
            pltpu.sync_copy(buf, out.at[pl.ds(c * NPAD + base + k * CHUNK, CHUNK)])

  return _deg_kernel



def _make_spmv(mesh):
  @functools.partial(
    pl.kernel,
    out_type=jax.ShapeDtypeStruct((2 * NPAD, D), jnp.float32),
    mesh=mesh,
    scratch_types=[
        pltpu.VMEM((G, CHUNK), jnp.int32),
        pltpu.VMEM((G, CHUNK), jnp.int32),
        pltpu.VMEM((CHUNK, D), jnp.float32),
        pltpu.VMEM((CHUNK, D), jnp.float32),
        pltpu.SemaphoreType.DMA,
        pltpu.SemaphoreType.DMA,
        pltpu.SemaphoreType.DMA,
        pltpu.SemaphoreType.DMA,
        pltpu.VMEM_SHARED((NPAD, D), jnp.float32),
    ],
  )
  def _spmv_kernel(hs, srcI, dstI, zeros128, out, src_v, dst_v, rb0, rb1,
                   semg0, semg1, sems0, sems1, acc):
        c = lax.axis_index("c")
        s = lax.axis_index("s")
        wid = s * NC + c
        base = s * RPT
        pltpu.sync_copy(zeros128, rb0)
        for k in range(RPT // CHUNK):
            pltpu.sync_copy(rb0, acc.at[pl.ds(base + k * CHUNK, CHUNK)])
        plsc.subcore_barrier()

        def super_chunk(g, carry):
            pltpu.sync_copy(srcI.at[wid].at[pl.ds(g * G, G)], src_v)
            pltpu.sync_copy(dstI.at[wid].at[pl.ds(g * G, G)], dst_v)
            pltpu.async_copy(hs.at[src_v.at[0]], rb0, semg0)

            def body(i, carry2):
                j0 = i * 2
                pltpu.make_async_copy(hs.at[src_v.at[j0]], rb0, semg0).wait()

                @pl.when(i > 0)
                def _():
                    pltpu.make_async_copy(rb1, acc.at[dst_v.at[j0 - 1]], sems1).wait()

                pltpu.async_copy(hs.at[src_v.at[j0 + 1]], rb1, semg1)
                pltpu.async_copy(rb0, acc.at[dst_v.at[j0]], sems0, add=True)
                pltpu.make_async_copy(hs.at[src_v.at[j0 + 1]], rb1, semg1).wait()
                pltpu.make_async_copy(rb0, acc.at[dst_v.at[j0]], sems0).wait()

                @pl.when(j0 + 2 < G)
                def _():
                    pltpu.async_copy(hs.at[src_v.at[j0 + 2]], rb0, semg0)

                pltpu.async_copy(rb1, acc.at[dst_v.at[j0 + 1]], sems1, add=True)
                return carry2

            lax.fori_loop(0, G // 2, body, 0)
            pltpu.make_async_copy(rb1, acc.at[dst_v.at[G - 1]], sems1).wait()
            return carry

        lax.fori_loop(0, CPT // G, super_chunk, 0)
        plsc.subcore_barrier()
        for k in range(RPT // CHUNK):
            pltpu.sync_copy(acc.at[pl.ds(base + k * CHUNK, CHUNK)], rb0)
            pltpu.sync_copy(rb0, out.at[pl.ds(c * NPAD + base + k * CHUNK, CHUNK)])

  return _spmv_kernel



def _t1_body(x_ref, a_ref, w1a_ref, w1b_ref, dp0_ref, dp1_ref, hs1_ref, dis_ref):
    xa = x_ref[...] - a_ref[...]
    h1 = jnp.dot(xa, w1a_ref[...], preferred_element_type=jnp.float32)
    h1 = h1 + jnp.dot(a_ref[...], w1b_ref[...], preferred_element_type=jnp.float32)
    deg = dp0_ref[...] + dp1_ref[...] + 1.0
    dis = lax.rsqrt(deg)
    dis_ref[...] = dis
    hs1_ref[...] = h1 * dis


def _t1(xp, ap, w1a, w1b, dp0, dp1):
    return pl.pallas_call(
        _t1_body,
        grid=(NPAD // RB,),
        in_specs=[
            pl.BlockSpec((RB, D), lambda i: (i, 0)),
            pl.BlockSpec((RB, D), lambda i: (i, 0)),
            pl.BlockSpec((D, D), lambda i: (0, 0)),
            pl.BlockSpec((D, D), lambda i: (0, 0)),
            pl.BlockSpec((RB, D), lambda i: (i, 0)),
            pl.BlockSpec((RB, D), lambda i: (i, 0)),
        ],
        out_specs=[
            pl.BlockSpec((RB, D), lambda i: (i, 0)),
            pl.BlockSpec((RB, D), lambda i: (i, 0)),
        ],
        out_shape=[
            jax.ShapeDtypeStruct((NPAD, D), jnp.float32),
            jax.ShapeDtypeStruct((NPAD, D), jnp.float32),
        ],
    )(xp, ap, w1a, w1b, dp0, dp1)


def _t2_body(p0_ref, p1_ref, hs1_ref, dis_ref, w2_ref, b1_ref, hs2_ref):
    d = dis_ref[...]
    agg = d * (p0_ref[...] + p1_ref[...] + hs1_ref[...]) + b1_ref[...]
    x2 = jnp.maximum(agg, 0.0)
    h2 = jnp.dot(x2, w2_ref[...], preferred_element_type=jnp.float32)
    hs2_ref[...] = h2 * d


def _t2(p0, p1, hs1, dis, w2, b1):
    return pl.pallas_call(
        _t2_body,
        grid=(NPAD // RB,),
        in_specs=[
            pl.BlockSpec((RB, D), lambda i: (i, 0)),
            pl.BlockSpec((RB, D), lambda i: (i, 0)),
            pl.BlockSpec((RB, D), lambda i: (i, 0)),
            pl.BlockSpec((RB, D), lambda i: (i, 0)),
            pl.BlockSpec((D, D), lambda i: (0, 0)),
            pl.BlockSpec((1, D), lambda i: (0, 0)),
        ],
        out_specs=pl.BlockSpec((RB, D), lambda i: (i, 0)),
        out_shape=jax.ShapeDtypeStruct((NPAD, D), jnp.float32),
    )(p0, p1, hs1, dis, w2, b1)


def _t3_body(p0_ref, p1_ref, hs2_ref, dis_ref, b2_ref, out_ref):
    d = dis_ref[...]
    out_ref[...] = d * (p0_ref[...] + p1_ref[...] + hs2_ref[...]) + b2_ref[...]


def _t3(p0, p1, hs2, dis, b2):
    return pl.pallas_call(
        _t3_body,
        grid=(NPAD // RB,),
        in_specs=[
            pl.BlockSpec((RB, D), lambda i: (i, 0)),
            pl.BlockSpec((RB, D), lambda i: (i, 0)),
            pl.BlockSpec((RB, D), lambda i: (i, 0)),
            pl.BlockSpec((RB, D), lambda i: (i, 0)),
            pl.BlockSpec((1, D), lambda i: (0, 0)),
        ],
        out_specs=pl.BlockSpec((RB, D), lambda i: (i, 0)),
        out_shape=jax.ShapeDtypeStruct((NPAD, D), jnp.float32),
    )(p0, p1, hs2, dis, b2)



def kernel(x, edge_index, inferenz_anchors, W1, b1, W2, b2):
    src = edge_index[0].astype(jnp.int32)
    dst = edge_index[1].astype(jnp.int32)
    ept_real = E // NW
    npad_e = EPT - ept_real
    pad_src = jnp.zeros((NW, npad_e), jnp.int32)
    pad_dst = jnp.broadcast_to(
        jnp.arange(DUMMY, DUMMY + npad_e, dtype=jnp.int32)[None], (NW, npad_e))
    src_p = jnp.concatenate(
        [src.reshape(NW, ept_real), pad_src], axis=1).reshape(NW, CPT, CHUNK)
    dst_p = jnp.concatenate(
        [dst.reshape(NW, ept_real), pad_dst], axis=1).reshape(NW, CPT, CHUNK)
    xp = jnp.zeros((NPAD, D), jnp.float32).at[:N].set(x)
    ap = jnp.zeros((NPAD, D), jnp.float32).at[:N].set(inferenz_anchors)
    zeros128 = jnp.zeros((CHUNK, D), jnp.float32)
    ones128 = jnp.ones((CHUNK, D), jnp.float32)
    w1a, w1b = W1[:D], W1[D:]

    deg_kernel, spmv_kernel = _sc_kernels()
    degp = deg_kernel(dst_p, ones128, zeros128)
    hs1, dis = _t1(xp, ap, w1a, w1b, degp[:NPAD], degp[NPAD:])
    p1 = spmv_kernel(hs1, src_p, dst_p, zeros128)
    hs2 = _t2(p1[:NPAD], p1[NPAD:], hs1, dis, W2, b1.reshape(1, D))
    p2 = spmv_kernel(hs2, src_p, dst_p, zeros128)
    outp = _t3(p2[:NPAD], p2[NPAD:], hs2, dis, b2.reshape(1, D))
    return outp[:N]

# --- scband reference (transcript-rebuilt; emitter-appended) ---
"""Pipeline reference for scband-gcn-feature-anchored-29643864277069 (READ-ONLY COPY).

The authoritative reference and input builder live on the scoring server;
editing this copy changes nothing except your own understanding.
"""

import jax, jax.numpy as jnp
import numpy as np

N = 10000
E = 320000
D = 128
HIDDEN = 128
OUT = 128


def _gcn_conv(x, src, dst, W, b, n):
    # symmetric-normalized GCN conv (self-loops already appended to src/dst)
    deg = jax.ops.segment_sum(jnp.ones(src.shape[0], dtype=x.dtype), dst, num_segments=n)
    deg_inv_sqrt = jnp.where(deg > 0, 1.0 / jnp.sqrt(deg), 0.0)
    norm = deg_inv_sqrt[src] * deg_inv_sqrt[dst]
    h = x @ W
    msgs = h[src] * norm[:, None]
    out = jax.ops.segment_sum(msgs, dst, num_segments=n)
    return out + b


def setup_inputs(seed: int = 0) -> dict:
    key = jax.random.key(seed)
    k1, k2, k3, k4, k5, k6 = jax.random.split(key, 6)
    x = jax.random.normal(k1, (N, D), dtype=jnp.float32)
    edge_index = jax.random.randint(k2, (2, E), 0, N, dtype=jnp.int64)
    inferenz_anchors = jax.random.normal(k3, (N, D), dtype=jnp.float32)
    # conv1: in = 2*D -> HIDDEN ; conv2: HIDDEN -> OUT
    W1 = jax.random.normal(k4, (2 * D, HIDDEN), dtype=jnp.float32) * (1.0 / np.sqrt(2 * D))
    b1 = jnp.zeros((HIDDEN,), dtype=jnp.float32)
    W2 = jax.random.normal(k5, (HIDDEN, OUT), dtype=jnp.float32) * (1.0 / np.sqrt(HIDDEN))
    b2 = jnp.zeros((OUT,), dtype=jnp.float32)
    return {"x": x, "edge_index": edge_index, "inferenz_anchors": inferenz_anchors,
            "W1": W1, "b1": b1, "W2": W2, "b2": b2}


def reference(x, edge_index, inferenz_anchors, W1, b1, W2, b2):
    n = x.shape[0]
    loops = jnp.arange(n, dtype=edge_index.dtype)
    src = jnp.concatenate([edge_index[0], loops])
    dst = jnp.concatenate([edge_index[1], loops])
    # feature anchoring: concat(x - anchors, anchors)
    h = jnp.concatenate([x - inferenz_anchors, inferenz_anchors], axis=1)
    h = _gcn_conv(h, src, dst, W1, b1, n)
    h = jax.nn.relu(h)
    h = _gcn_conv(h, src, dst, W2, b2, n)
    return h

if __name__ == "__main__":
    import jax
    _d = setup_inputs()
    print(jax.jit(kernel)(*tuple(_d.values())))

</pallas_src>

<mosaic_0001>
#map = affine_map<(d0, d1) -> (0, 0, 0)>
#map1 = affine_map<(d0, d1) -> (0, 0)>
module attributes {stable_mosaic.version = 14 : i64} {
  func.func @_deg_kernel(%arg0: i32, %arg1: i32, %arg2: memref<32x80x128xi32, #tpu.memory_space<hbm>>, %arg3: memref<128x128xf32, #tpu.memory_space<hbm>>, %arg4: memref<128x128xf32, #tpu.memory_space<hbm>>, %arg5: memref<20480x128xf32, #tpu.memory_space<hbm>>, %arg6: memref<40x128xi32, #tpu.memory_space<vmem>>, %arg7: memref<128x128xf32, #tpu.memory_space<vmem>>, %arg8: memref<10240x128xf32, #tpu.memory_space<vmem_shared>>) attributes {dimension_semantics = [#tpu.dimension_semantics<core_parallel>, #tpu.dimension_semantics<subcore_parallel>], iteration_bounds = array<i64: 2, 16>, scalar_prefetch = 0 : i64, scratch_operands = 3 : i64, tpu.core_type = #tpu.core_type<sc_vector_subcore>, window_params = [{transform_indices = #map}, {transform_indices = #map1}, {transform_indices = #map1}, {transform_indices = #map1}]} {
    %mul3A = arith.constant 2 : i32
    %mul3A_0 = arith.muli %arg1, %mul3A : i32
    %add3A = arith.addi %mul3A_0, %arg0 : i32
    %mul3A_1 = arith.constant 640 : i32
    %mul3A_2 = arith.muli %arg1, %mul3A_1 : i32
    "tpu.region"() ({
      %run_scoped3A = tpu.sem_alloc : memref<!tpu.dma_semaphore, #tpu.memory_space<semaphore_mem>>
      tpu.enqueue_dma source(%arg4 : memref<128x128xf32, #tpu.memory_space<hbm>>) target(%arg7 : memref<128x128xf32, #tpu.memory_space<vmem>>) target_semaphore(%run_scoped3A : memref<!tpu.dma_semaphore, #tpu.memory_space<semaphore_mem>>)
      tpu.wait_dma2 semaphore(%run_scoped3A : memref<!tpu.dma_semaphore, #tpu.memory_space<semaphore_mem>>) src(%arg4 : memref<128x128xf32, #tpu.memory_space<hbm>>) dst(%arg7 : memref<128x128xf32, #tpu.memory_space<vmem>>)
      tpu.yield
    }) : () -> ()
    %add3A_3 = arith.constant 0 : i32
    %add3A_4 = arith.addi %mul3A_2, %add3A_3 : i32
    "tpu.region"() ({
      %run_scoped3A = tpu.sem_alloc : memref<!tpu.dma_semaphore, #tpu.memory_space<semaphore_mem>>
      %dma_start3A = arith.constant 0 : i32
      %dma_start3A_54 = tpu.memref_slice %arg8[%add3A_4, %dma_start3A] : memref<10240x128xf32, #tpu.memory_space<vmem_shared>> -> memref<128x128xf32, #tpu.memory_space<vmem_shared>>
      %dma_start3A_55 = arith.constant 0 : i32
      %dma_start3A_56 = tpu.memref_slice %arg8[%add3A_4, %dma_start3A_55] : memref<10240x128xf32, #tpu.memory_space<vmem_shared>> -> memref<128x128xf32, #tpu.memory_space<vmem_shared>>
      tpu.enqueue_dma source(%arg7 : memref<128x128xf32, #tpu.memory_space<vmem>>) target(%dma_start3A_56 : memref<128x128xf32, #tpu.memory_space<vmem_shared>>) target_semaphore(%run_scoped3A : memref<!tpu.dma_semaphore, #tpu.memory_space<semaphore_mem>>)
      %dma_wait3A = arith.constant 0 : i32
      %dma_wait3A_57 = tpu.memref_slice %arg8[%add3A_4, %dma_wait3A] : memref<10240x128xf32, #tpu.memory_space<vmem_shared>> -> memref<128x128xf32, #tpu.memory_space<vmem_shared>>
      %dma_wait3A_58 = arith.constant 0 : i32
      %dma_wait3A_59 = tpu.memref_slice %arg8[%add3A_4, %dma_wait3A_58] : memref<10240x128xf32, #tpu.memory_space<vmem_shared>> -> memref<128x128xf32, #tpu.memory_space<vmem_shared>>
      tpu.wait_dma2 semaphore(%run_scoped3A : memref<!tpu.dma_semaphore, #tpu.memory_space<semaphore_mem>>) src(%arg7 : memref<128x128xf32, #tpu.memory_space<vmem>>) dst(%dma_wait3A_59 : memref<128x128xf32, #tpu.memory_space<vmem_shared>>)
      tpu.yield
    }) : () -> ()
    %add3A_5 = arith.constant 128 : i32
    %add3A_6 = arith.addi %mul3A_2, %add3A_5 : i32
    "tpu.region"() ({
      %run_scoped3A = tpu.sem_alloc : memref<!tpu.dma_semaphore, #tpu.memory_space<semaphore_mem>>
      %dma_start3A = arith.constant 0 : i32
      %dma_start3A_54 = tpu.memref_slice %arg8[%add3A_6, %dma_start3A] : memref<10240x128xf32, #tpu.memory_space<vmem_shared>> -> memref<128x128xf32, #tpu.memory_space<vmem_shared>>
      %dma_start3A_55 = arith.constant 0 : i32
      %dma_start3A_56 = tpu.memref_slice %arg8[%add3A_6, %dma_start3A_55] : memref<10240x128xf32, #tpu.memory_space<vmem_shared>> -> memref<128x128xf32, #tpu.memory_space<vmem_shared>>
      tpu.enqueue_dma source(%arg7 : memref<128x128xf32, #tpu.memory_space<vmem>>) target(%dma_start3A_56 : memref<128x128xf32, #tpu.memory_space<vmem_shared>>) target_semaphore(%run_scoped3A : memref<!tpu.dma_semaphore, #tpu.memory_space<semaphore_mem>>)
      %dma_wait3A = arith.constant 0 : i32
      %dma_wait3A_57 = tpu.memref_slice %arg8[%add3A_6, %dma_wait3A] : memref<10240x128xf32, #tpu.memory_space<vmem_shared>> -> memref<128x128xf32, #tpu.memory_space<vmem_shared>>
      %dma_wait3A_58 = arith.constant 0 : i32
      %dma_wait3A_59 = tpu.memref_slice %arg8[%add3A_6, %dma_wait3A_58] : memref<10240x128xf32, #tpu.memory_space<vmem_shared>> -> memref<128x128xf32, #tpu.memory_space<vmem_shared>>
      tpu.wait_dma2 semaphore(%run_scoped3A : memref<!tpu.dma_semaphore, #tpu.memory_space<semaphore_mem>>) src(%arg7 : memref<128x128xf32, #tpu.memory_space<vmem>>) dst(%dma_wait3A_59 : memref<128x128xf32, #tpu.memory_space<vmem_shared>>)
      tpu.yield
    }) : () -> ()
    %add3A_7 = arith.constant 256 : i32
    %add3A_8 = arith.addi %mul3A_2, %add3A_7 : i32
    "tpu.region"() ({
      %run_scoped3A = tpu.sem_alloc : memref<!tpu.dma_semaphore, #tpu.memory_space<semaphore_mem>>
      %dma_start3A = arith.constant 0 : i32
      %dma_start3A_54 = tpu.memref_slice %arg8[%add3A_8, %dma_start3A] : memref<10240x128xf32, #tpu.memory_space<vmem_shared>> -> memref<128x128xf32, #tpu.memory_space<vmem_shared>>
      %dma_start3A_55 = arith.constant 0 : i32
      %dma_start3A_56 = tpu.memref_slice %arg8[%add3A_8, %dma_start3A_55] : memref<10240x128xf32, #tpu.memory_space<vmem_shared>> -> memref<128x128xf32, #tpu.memory_space<vmem_shared>>
      tpu.enqueue_dma source(%arg7 : memref<128x128xf32, #tpu.memory_space<vmem>>) target(%dma_start3A_56 : memref<128x128xf32, #tpu.memory_space<vmem_shared>>) target_semaphore(%run_scoped3A : memref<!tpu.dma_semaphore, #tpu.memory_space<semaphore_mem>>)
      %dma_wait3A = arith.constant 0 : i32
      %dma_wait3A_57 = tpu.memref_slice %arg8[%add3A_8, %dma_wait3A] : memref<10240x128xf32, #tpu.memory_space<vmem_shared>> -> memref<128x128xf32, #tpu.memory_space<vmem_shared>>
      %dma_wait3A_58 = arith.constant 0 : i32
      %dma_wait3A_59 = tpu.memref_slice %arg8[%add3A_8, %dma_wait3A_58] : memref<10240x128xf32, #tpu.memory_space<vmem_shared>> -> memref<128x128xf32, #tpu.memory_space<vmem_shared>>
      tpu.wait_dma2 semaphore(%run_scoped3A : memref<!tpu.dma_semaphore, #tpu.memory_space<semaphore_mem>>) src(%arg7 : memref<128x128xf32, #tpu.memory_space<vmem>>) dst(%dma_wait3A_59 : memref<128x128xf32, #tpu.memory_space<vmem_shared>>)
      tpu.yield
    }) : () -> ()
    %add3A_9 = arith.constant 384 : i32
    %add3A_10 = arith.addi %mul3A_2, %add3A_9 : i32
    "tpu.region"() ({
      %run_scoped3A = tpu.sem_alloc : memref<!tpu.dma_semaphore, #tpu.memory_space<semaphore_mem>>
      %dma_start3A = arith.constant 0 : i32
      %dma_start3A_54 = tpu.memref_slice %arg8[%add3A_10, %dma_start3A] : memref<10240x128xf32, #tpu.memory_space<vmem_shared>> -> memref<128x128xf32, #tpu.memory_space<vmem_shared>>
      %dma_start3A_55 = arith.constant 0 : i32
      %dma_start3A_56 = tpu.memref_slice %arg8[%add3A_10, %dma_start3A_55] : memref<10240x128xf32, #tpu.memory_space<vmem_shared>> -> memref<128x128xf32, #tpu.memory_space<vmem_shared>>
      tpu.enqueue_dma source(%arg7 : memref<128x128xf32, #tpu.memory_space<vmem>>) target(%dma_start3A_56 : memref<128x128xf32, #tpu.memory_space<vmem_shared>>) target_semaphore(%run_scoped3A : memref<!tpu.dma_semaphore, #tpu.memory_space<semaphore_mem>>)
      %dma_wait3A = arith.constant 0 : i32
      %dma_wait3A_57 = tpu.memref_slice %arg8[%add3A_10, %dma_wait3A] : memref<10240x128xf32, #tpu.memory_space<vmem_shared>> -> memref<128x128xf32, #tpu.memory_space<vmem_shared>>
      %dma_wait3A_58 = arith.constant 0 : i32
      %dma_wait3A_59 = tpu.memref_slice %arg8[%add3A_10, %dma_wait3A_58] : memref<10240x128xf32, #tpu.memory_space<vmem_shared>> -> memref<128x128xf32, #tpu.memory_space<vmem_shared>>
      tpu.wait_dma2 semaphore(%run_scoped3A : memref<!tpu.dma_semaphore, #tpu.memory_space<semaphore_mem>>) src(%arg7 : memref<128x128xf32, #tpu.memory_space<vmem>>) dst(%dma_wait3A_59 : memref<128x128xf32, #tpu.memory_space<vmem_shared>>)
      tpu.yield
    }) : () -> ()
    %add3A_11 = arith.constant 512 : i32
    %add3A_12 = arith.addi %mul3A_2, %add3A_11 : i32
    "tpu.region"() ({
      %run_scoped3A = tpu.sem_alloc : memref<!tpu.dma_semaphore, #tpu.memory_space<semaphore_mem>>
      %dma_start3A = arith.constant 0 : i32
      %dma_start3A_54 = tpu.memref_slice %arg8[%add3A_12, %dma_start3A] : memref<10240x128xf32, #tpu.memory_space<vmem_shared>> -> memref<128x128xf32, #tpu.memory_space<vmem_shared>>
      %dma_start3A_55 = arith.constant 0 : i32
      %dma_start3A_56 = tpu.memref_slice %arg8[%add3A_12, %dma_start3A_55] : memref<10240x128xf32, #tpu.memory_space<vmem_shared>> -> memref<128x128xf32, #tpu.memory_space<vmem_shared>>
      tpu.enqueue_dma source(%arg7 : memref<128x128xf32, #tpu.memory_space<vmem>>) target(%dma_start3A_56 : memref<128x128xf32, #tpu.memory_space<vmem_shared>>) target_semaphore(%run_scoped3A : memref<!tpu.dma_semaphore, #tpu.memory_space<semaphore_mem>>)
      %dma_wait3A = arith.constant 0 : i32
      %dma_wait3A_57 = tpu.memref_slice %arg8[%add3A_12, %dma_wait3A] : memref<10240x128xf32, #tpu.memory_space<vmem_shared>> -> memref<128x128xf32, #tpu.memory_space<vmem_shared>>
      %dma_wait3A_58 = arith.constant 0 : i32
      %dma_wait3A_59 = tpu.memref_slice %arg8[%add3A_12, %dma_wait3A_58] : memref<10240x128xf32, #tpu.memory_space<vmem_shared>> -> memref<128x128xf32, #tpu.memory_space<vmem_shared>>
      tpu.wait_dma2 semaphore(%run_scoped3A : memref<!tpu.dma_semaphore, #tpu.memory_space<semaphore_mem>>) src(%arg7 : memref<128x128xf32, #tpu.memory_space<vmem>>) dst(%dma_wait3A_59 : memref<128x128xf32, #tpu.memory_space<vmem_shared>>)
      tpu.yield
    }) : () -> ()
    "tpu.region"() ({
      %run_scoped3A = tpu.sem_alloc : memref<!tpu.dma_semaphore, #tpu.memory_space<semaphore_mem>>
      tpu.enqueue_dma source(%arg3 : memref<128x128xf32, #tpu.memory_space<hbm>>) target(%arg7 : memref<128x128xf32, #tpu.memory_space<vmem>>) target_semaphore(%run_scoped3A : memref<!tpu.dma_semaphore, #tpu.memory_space<semaphore_mem>>)
      tpu.wait_dma2 semaphore(%run_scoped3A : memref<!tpu.dma_semaphore, #tpu.memory_space<semaphore_mem>>) src(%arg3 : memref<128x128xf32, #tpu.memory_space<hbm>>) dst(%arg7 : memref<128x128xf32, #tpu.memory_space<vmem>>)
      tpu.yield
    }) : () -> ()
    %barrier3A = arith.constant 0 : index
    tpu.barrier barrier_id(%barrier3A)
    %scan3A = arith.constant 0 : i32
    %scan3A_13 = arith.constant 0 : i32
    %scan3A_14 = arith.constant 2 : i32
    %scan3A_15 = arith.addi %scan3A_13, %scan3A_14 : i32
    %scan3A_16 = arith.constant 1 : i32
    scf.for %scan3A_54 = %scan3A_13 to %scan3A_15 step %scan3A_16  : i32 {
      %mul3A_55 = arith.constant 40 : i32
      %mul3A_56 = arith.muli %scan3A_54, %mul3A_55 : i32
      "tpu.region"() ({
        %run_scoped3A = tpu.sem_alloc : memref<!tpu.dma_semaphore, #tpu.memory_space<semaphore_mem>>
        %dma_start3A = arith.constant 0 : i32
        %dma_start3A_63 = arith.constant 0 : i32
        %dma_start3A_64 = tpu.memref_slice %arg2[%add3A, %dma_start3A, %dma_start3A_63] : memref<32x80x128xi32, #tpu.memory_space<hbm>> -> memref<1x80x128xi32, #tpu.memory_space<hbm>>
        %dma_start3A_65 = tpu.memref_squeeze %dma_start3A_64 : memref<1x80x128xi32, #tpu.memory_space<hbm>> -> memref<80x128xi32, #tpu.memory_space<hbm>>
        %dma_start3A_66 = arith.constant 0 : i32
        %dma_start3A_67 = tpu.memref_slice %dma_start3A_65[%mul3A_56, %dma_start3A_66] : memref<80x128xi32, #tpu.memory_space<hbm>> -> memref<40x128xi32, #tpu.memory_space<hbm>>
        %dma_start3A_68 = arith.constant 0 : i32
        %dma_start3A_69 = arith.constant 0 : i32
        %dma_start3A_70 = tpu.memref_slice %arg2[%add3A, %dma_start3A_68, %dma_start3A_69] : memref<32x80x128xi32, #tpu.memory_space<hbm>> -> memref<1x80x128xi32, #tpu.memory_space<hbm>>
        %dma_start3A_71 = tpu.memref_squeeze %dma_start3A_70 : memref<1x80x128xi32, #tpu.memory_space<hbm>> -> memref<80x128xi32, #tpu.memory_space<hbm>>
        %dma_start3A_72 = arith.constant 0 : i32
        %dma_start3A_73 = tpu.memref_slice %dma_start3A_71[%mul3A_56, %dma_start3A_72] : memref<80x128xi32, #tpu.memory_space<hbm>> -> memref<40x128xi32, #tpu.memory_space<hbm>>
        tpu.enqueue_dma source(%dma_start3A_73 : memref<40x128xi32, #tpu.memory_space<hbm>>) target(%arg6 : memref<40x128xi32, #tpu.memory_space<vmem>>) target_semaphore(%run_scoped3A : memref<!tpu.dma_semaphore, #tpu.memory_space<semaphore_mem>>)
        %dma_wait3A = arith.constant 0 : i32
        %dma_wait3A_74 = arith.constant 0 : i32
        %dma_wait3A_75 = tpu.memref_slice %arg2[%add3A, %dma_wait3A, %dma_wait3A_74] : memref<32x80x128xi32, #tpu.memory_space<hbm>> -> memref<1x80x128xi32, #tpu.memory_space<hbm>>
        %dma_wait3A_76 = tpu.memref_squeeze %dma_wait3A_75 : memref<1x80x128xi32, #tpu.memory_space<hbm>> -> memref<80x128xi32, #tpu.memory_space<hbm>>
        %dma_wait3A_77 = arith.constant 0 : i32
        %dma_wait3A_78 = tpu.memref_slice %dma_wait3A_76[%mul3A_56, %dma_wait3A_77] : memref<80x128xi32, #tpu.memory_space<hbm>> -> memref<40x128xi32, #tpu.memory_space<hbm>>
        %dma_wait3A_79 = arith.constant 0 : i32
        %dma_wait3A_80 = arith.constant 0 : i32
        %dma_wait3A_81 = tpu.memref_slice %arg2[%add3A, %dma_wait3A_79, %dma_wait3A_80] : memref<32x80x128xi32, #tpu.memory_space<hbm>> -> memref<1x80x128xi32, #tpu.memory_space<hbm>>
        %dma_wait3A_82 = tpu.memref_squeeze %dma_wait3A_81 : memref<1x80x128xi32, #tpu.memory_space<hbm>> -> memref<80x128xi32, #tpu.memory_space<hbm>>
        %dma_wait3A_83 = arith.constant 0 : i32
        %dma_wait3A_84 = tpu.memref_slice %dma_wait3A_82[%mul3A_56, %dma_wait3A_83] : memref<80x128xi32, #tpu.memory_space<hbm>> -> memref<40x128xi32, #tpu.memory_space<hbm>>
        tpu.wait_dma2 semaphore(%run_scoped3A : memref<!tpu.dma_semaphore, #tpu.memory_space<semaphore_mem>>) src(%dma_wait3A_84 : memref<40x128xi32, #tpu.memory_space<hbm>>) dst(%arg6 : memref<40x128xi32, #tpu.memory_space<vmem>>)
        tpu.yield
      }) : () -> ()
      %scan3A_57 = arith.constant 0 : i32
      %scan3A_58 = arith.constant 0 : i32
      %scan3A_59 = arith.constant 40 : i32
      %scan3A_60 = arith.addi %scan3A_58, %scan3A_59 : i32
      %scan3A_61 = arith.constant 1 : i32
      scf.for %scan3A_63 = %scan3A_58 to %scan3A_60 step %scan3A_61  : i32 {
        "tpu.region"() ({
          %run_scoped3A = tpu.sem_alloc : memref<!tpu.dma_semaphore, #tpu.memory_space<semaphore_mem>>
          %dma_start3A = arith.constant 0 : i32
          %dma_start3A_64 = tpu.memref_slice %arg6[%scan3A_63, %dma_start3A] : memref<40x128xi32, #tpu.memory_space<vmem>> -> memref<1x128xi32, #tpu.memory_space<vmem>>
          %dma_start3A_65 = tpu.memref_squeeze %dma_start3A_64 : memref<1x128xi32, #tpu.memory_space<vmem>> -> memref<128xi32, #tpu.memory_space<vmem>>
          %dma_start3A_66 = arith.constant 0 : i32
          %dma_start3A_67 = arith.constant 0 : i32
          %dma_start3A_68 = tpu.memref_slice %arg8[%dma_start3A_66, %dma_start3A_67] : memref<10240x128xf32, #tpu.memory_space<vmem_shared>> -> memref<10240x128xf32, #tpu.memory_space<vmem_shared>>
          tpu.enqueue_indirect_dma source(%arg7 : memref<128x128xf32, #tpu.memory_space<vmem>>) target(%dma_start3A_68 : memref<10240x128xf32, #tpu.memory_space<vmem_shared>>) offsets(%dma_start3A_65 : memref<128xi32, #tpu.memory_space<vmem>>) semaphore(%run_scoped3A : memref<!tpu.dma_semaphore, #tpu.memory_space<semaphore_mem>>) {add = true}
          %dma_wait3A = arith.constant 0 : i32
          %dma_wait3A_69 = tpu.memref_slice %arg6[%scan3A_63, %dma_wait3A] : memref<40x128xi32, #tpu.memory_space<vmem>> -> memref<1x128xi32, #tpu.memory_space<vmem>>
          %dma_wait3A_70 = tpu.memref_squeeze %dma_wait3A_69 : memref<1x128xi32, #tpu.memory_space<vmem>> -> memref<128xi32, #tpu.memory_space<vmem>>
          %dma_wait3A_71 = arith.constant 0 : i32
          %dma_wait3A_72 = arith.constant 0 : i32
          %dma_wait3A_73 = tpu.memref_slice %arg8[%dma_wait3A_71, %dma_wait3A_72] : memref<10240x128xf32, #tpu.memory_space<vmem_shared>> -> memref<10240x128xf32, #tpu.memory_space<vmem_shared>>
          tpu.wait_indirect_dma semaphore(%run_scoped3A : memref<!tpu.dma_semaphore, #tpu.memory_space<semaphore_mem>>) src(%arg7 : memref<128x128xf32, #tpu.memory_space<vmem>>) dst(%dma_wait3A_73 : memref<10240x128xf32, #tpu.memory_space<vmem_shared>>)
          tpu.yield
        }) : () -> ()
      }
      %scan3A_62 = arith.constant 40 : i32
    }
    %scan3A_17 = arith.constant 2 : i32
    %barrier3A_18 = arith.constant 0 : index
    tpu.barrier barrier_id(%barrier3A_18)
    %add3A_19 = arith.constant 0 : i32
    %add3A_20 = arith.addi %mul3A_2, %add3A_19 : i32
    "tpu.region"() ({
      %run_scoped3A = tpu.sem_alloc : memref<!tpu.dma_semaphore, #tpu.memory_space<semaphore_mem>>
      %dma_start3A = arith.constant 0 : i32
      %dma_start3A_54 = tpu.memref_slice %arg8[%add3A_20, %dma_start3A] : memref<10240x128xf32, #tpu.memory_space<vmem_shared>> -> memref<128x128xf32, #tpu.memory_space<vmem_shared>>
      %dma_start3A_55 = arith.constant 0 : i32
      %dma_start3A_56 = tpu.memref_slice %arg8[%add3A_20, %dma_start3A_55] : memref<10240x128xf32, #tpu.memory_space<vmem_shared>> -> memref<128x128xf32, #tpu.memory_space<vmem_shared>>
      tpu.enqueue_dma source(%dma_start3A_56 : memref<128x128xf32, #tpu.memory_space<vmem_shared>>) target(%arg7 : memref<128x128xf32, #tpu.memory_space<vmem>>) target_semaphore(%run_scoped3A : memref<!tpu.dma_semaphore, #tpu.memory_space<semaphore_mem>>)
      %dma_wait3A = arith.constant 0 : i32
      %dma_wait3A_57 = tpu.memref_slice %arg8[%add3A_20, %dma_wait3A] : memref<10240x128xf32, #tpu.memory_space<vmem_shared>> -> memref<128x128xf32, #tpu.memory_space<vmem_shared>>
      %dma_wait3A_58 = arith.constant 0 : i32
      %dma_wait3A_59 = tpu.memref_slice %arg8[%add3A_20, %dma_wait3A_58] : memref<10240x128xf32, #tpu.memory_space<vmem_shared>> -> memref<128x128xf32, #tpu.memory_space<vmem_shared>>
      tpu.wait_dma2 semaphore(%run_scoped3A : memref<!tpu.dma_semaphore, #tpu.memory_space<semaphore_mem>>) src(%dma_wait3A_59 : memref<128x128xf32, #tpu.memory_space<vmem_shared>>) dst(%arg7 : memref<128x128xf32, #tpu.memory_space<vmem>>)
      tpu.yield
    }) : () -> ()
    %mul3A_21 = arith.constant 10240 : i32
    %mul3A_22 = arith.muli %arg0, %mul3A_21 : i32
    %add3A_23 = arith.addi %mul3A_22, %mul3A_2 : i32
    %add3A_24 = arith.constant 0 : i32
    %add3A_25 = arith.addi %add3A_23, %add3A_24 : i32
    "tpu.region"() ({
      %run_scoped3A = tpu.sem_alloc : memref<!tpu.dma_semaphore, #tpu.memory_space<semaphore_mem>>
      %dma_start3A = arith.constant 0 : i32
      %dma_start3A_54 = tpu.memref_slice %arg5[%add3A_25, %dma_start3A] : memref<20480x128xf32, #tpu.memory_space<hbm>> -> memref<128x128xf32, #tpu.memory_space<hbm>>
      %dma_start3A_55 = arith.constant 0 : i32
      %dma_start3A_56 = tpu.memref_slice %arg5[%add3A_25, %dma_start3A_55] : memref<20480x128xf32, #tpu.memory_space<hbm>> -> memref<128x128xf32, #tpu.memory_space<hbm>>
      tpu.enqueue_dma source(%arg7 : memref<128x128xf32, #tpu.memory_space<vmem>>) target(%dma_start3A_56 : memref<128x128xf32, #tpu.memory_space<hbm>>) target_semaphore(%run_scoped3A : memref<!tpu.dma_semaphore, #tpu.memory_space<semaphore_mem>>)
      %dma_wait3A = arith.constant 0 : i32
      %dma_wait3A_57 = tpu.memref_slice %arg5[%add3A_25, %dma_wait3A] : memref<20480x128xf32, #tpu.memory_space<hbm>> -> memref<128x128xf32, #tpu.memory_space<hbm>>
      %dma_wait3A_58 = arith.constant 0 : i32
      %dma_wait3A_59 = tpu.memref_slice %arg5[%add3A_25, %dma_wait3A_58] : memref<20480x128xf32, #tpu.memory_space<hbm>> -> memref<128x128xf32, #tpu.memory_space<hbm>>
      tpu.wait_dma2 semaphore(%run_scoped3A : memref<!tpu.dma_semaphore, #tpu.memory_space<semaphore_mem>>) src(%arg7 : memref<128x128xf32, #tpu.memory_space<vmem>>) dst(%dma_wait3A_59 : memref<128x128xf32, #tpu.memory_space<hbm>>)
      tpu.yield
    }) : () -> ()
    %add3A_26 = arith.constant 128 : i32
    %add3A_27 = arith.addi %mul3A_2, %add3A_26 : i32
    "tpu.region"() ({
      %run_scoped3A = tpu.sem_alloc : memref<!tpu.dma_semaphore, #tpu.memory_space<semaphore_mem>>
      %dma_start3A = arith.constant 0 : i32
      %dma_start3A_54 = tpu.memref_slice %arg8[%add3A_27, %dma_start3A] : memref<10240x128xf32, #tpu.memory_space<vmem_shared>> -> memref<128x128xf32, #tpu.memory_space<vmem_shared>>
      %dma_start3A_55 = arith.constant 0 : i32
      %dma_start3A_56 = tpu.memref_slice %arg8[%add3A_27, %dma_start3A_55] : memref<10240x128xf32, #tpu.memory_space<vmem_shared>> -> memref<128x128xf32, #tpu.memory_space<vmem_shared>>
      tpu.enqueue_dma source(%dma_start3A_56 : memref<128x128xf32, #tpu.memory_space<vmem_shared>>) target(%arg7 : memref<128x128xf32, #tpu.memory_space<vmem>>) target_semaphore(%run_scoped3A : memref<!tpu.dma_semaphore, #tpu.memory_space<semaphore_mem>>)
      %dma_wait3A = arith.constant 0 : i32
      %dma_wait3A_57 = tpu.memref_slice %arg8[%add3A_27, %dma_wait3A] : memref<10240x128xf32, #tpu.memory_space<vmem_shared>> -> memref<128x128xf32, #tpu.memory_space<vmem_shared>>
      %dma_wait3A_58 = arith.constant 0 : i32
      %dma_wait3A_59 = tpu.memref_slice %arg8[%add3A_27, %dma_wait3A_58] : memref<10240x128xf32, #tpu.memory_space<vmem_shared>> -> memref<128x128xf32, #tpu.memory_space<vmem_shared>>
      tpu.wait_dma2 semaphore(%run_scoped3A : memref<!tpu.dma_semaphore, #tpu.memory_space<semaphore_mem>>) src(%dma_wait3A_59 : memref<128x128xf32, #tpu.memory_space<vmem_shared>>) dst(%arg7 : memref<128x128xf32, #tpu.memory_space<vmem>>)
      tpu.yield
    }) : () -> ()
    %mul3A_28 = arith.constant 10240 : i32
    %mul3A_29 = arith.muli %arg0, %mul3A_28 : i32
    %add3A_30 = arith.addi %mul3A_29, %mul3A_2 : i32
    %add3A_31 = arith.constant 128 : i32
    %add3A_32 = arith.addi %add3A_30, %add3A_31 : i32
    "tpu.region"() ({
      %run_scoped3A = tpu.sem_alloc : memref<!tpu.dma_semaphore, #tpu.memory_space<semaphore_mem>>
      %dma_start3A = arith.constant 0 : i32
      %dma_start3A_54 = tpu.memref_slice %arg5[%add3A_32, %dma_start3A] : memref<20480x128xf32, #tpu.memory_space<hbm>> -> memref<128x128xf32, #tpu.memory_space<hbm>>
      %dma_start3A_55 = arith.constant 0 : i32
      %dma_start3A_56 = tpu.memref_slice %arg5[%add3A_32, %dma_start3A_55] : memref<20480x128xf32, #tpu.memory_space<hbm>> -> memref<128x128xf32, #tpu.memory_space<hbm>>
      tpu.enqueue_dma source(%arg7 : memref<128x128xf32, #tpu.memory_space<vmem>>) target(%dma_start3A_56 : memref<128x128xf32, #tpu.memory_space<hbm>>) target_semaphore(%run_scoped3A : memref<!tpu.dma_semaphore, #tpu.memory_space<semaphore_mem>>)
      %dma_wait3A = arith.constant 0 : i32
      %dma_wait3A_57 = tpu.memref_slice %arg5[%add3A_32, %dma_wait3A] : memref<20480x128xf32, #tpu.memory_space<hbm>> -> memref<128x128xf32, #tpu.memory_space<hbm>>
      %dma_wait3A_58 = arith.constant 0 : i32
      %dma_wait3A_59 = tpu.memref_slice %arg5[%add3A_32, %dma_wait3A_58] : memref<20480x128xf32, #tpu.memory_space<hbm>> -> memref<128x128xf32, #tpu.memory_space<hbm>>
      tpu.wait_dma2 semaphore(%run_scoped3A : memref<!tpu.dma_semaphore, #tpu.memory_space<semaphore_mem>>) src(%arg7 : memref<128x128xf32, #tpu.memory_space<vmem>>) dst(%dma_wait3A_59 : memref<128x128xf32, #tpu.memory_space<hbm>>)
      tpu.yield
    }) : () -> ()
    %add3A_33 = arith.constant 256 : i32
    %add3A_34 = arith.addi %mul3A_2, %add3A_33 : i32
    "tpu.region"() ({
      %run_scoped3A = tpu.sem_alloc : memref<!tpu.dma_semaphore, #tpu.memory_space<semaphore_mem>>
      %dma_start3A = arith.constant 0 : i32
      %dma_start3A_54 = tpu.memref_slice %arg8[%add3A_34, %dma_start3A] : memref<10240x128xf32, #tpu.memory_space<vmem_shared>> -> memref<128x128xf32, #tpu.memory_space<vmem_shared>>
      %dma_start3A_55 = arith.constant 0 : i32
      %dma_start3A_56 = tpu.memref_slice %arg8[%add3A_34, %dma_start3A_55] : memref<10240x128xf32, #tpu.memory_space<vmem_shared>> -> memref<128x128xf32, #tpu.memory_space<vmem_shared>>
      tpu.enqueue_dma source(%dma_start3A_56 : memref<128x128xf32, #tpu.memory_space<vmem_shared>>) target(%arg7 : memref<128x128xf32, #tpu.memory_space<vmem>>) target_semaphore(%run_scoped3A : memref<!tpu.dma_semaphore, #tpu.memory_space<semaphore_mem>>)
      %dma_wait3A = arith.constant 0 : i32
      %dma_wait3A_57 = tpu.memref_slice %arg8[%add3A_34, %dma_wait3A] : memref<10240x128xf32, #tpu.memory_space<vmem_shared>> -> memref<128x128xf32, #tpu.memory_space<vmem_shared>>
      %dma_wait3A_58 = arith.constant 0 : i32
      %dma_wait3A_59 = tpu.memref_slice %arg8[%add3A_34, %dma_wait3A_58] : memref<10240x128xf32, #tpu.memory_space<vmem_shared>> -> memref<128x128xf32, #tpu.memory_space<vmem_shared>>
      tpu.wait_dma2 semaphore(%run_scoped3A : memref<!tpu.dma_semaphore, #tpu.memory_space<semaphore_mem>>) src(%dma_wait3A_59 : memref<128x128xf32, #tpu.memory_space<vmem_shared>>) dst(%arg7 : memref<128x128xf32, #tpu.memory_space<vmem>>)
      tpu.yield
    }) : () -> ()
    %mul3A_35 = arith.constant 10240 : i32
    %mul3A_36 = arith.muli %arg0, %mul3A_35 : i32
    %add3A_37 = arith.addi %mul3A_36, %mul3A_2 : i32
    %add3A_38 = arith.constant 256 : i32
    %add3A_39 = arith.addi %add3A_37, %add3A_38 : i32
    "tpu.region"() ({
      %run_scoped3A = tpu.sem_alloc : memref<!tpu.dma_semaphore, #tpu.memory_space<semaphore_mem>>
      %dma_start3A = arith.constant 0 : i32
      %dma_start3A_54 = tpu.memref_slice %arg5[%add3A_39, %dma_start3A] : memref<20480x128xf32, #tpu.memory_space<hbm>> -> memref<128x128xf32, #tpu.memory_space<hbm>>
      %dma_start3A_55 = arith.constant 0 : i32
      %dma_start3A_56 = tpu.memref_slice %arg5[%add3A_39, %dma_start3A_55] : memref<20480x128xf32, #tpu.memory_space<hbm>> -> memref<128x128xf32, #tpu.memory_space<hbm>>
      tpu.enqueue_dma source(%arg7 : memref<128x128xf32, #tpu.memory_space<vmem>>) target(%dma_start3A_56 : memref<128x128xf32, #tpu.memory_space<hbm>>) target_semaphore(%run_scoped3A : memref<!tpu.dma_semaphore, #tpu.memory_space<semaphore_mem>>)
      %dma_wait3A = arith.constant 0 : i32
      %dma_wait3A_57 = tpu.memref_slice %arg5[%add3A_39, %dma_wait3A] : memref<20480x128xf32, #tpu.memory_space<hbm>> -> memref<128x128xf32, #tpu.memory_space<hbm>>
      %dma_wait3A_58 = arith.constant 0 : i32
      %dma_wait3A_59 = tpu.memref_slice %arg5[%add3A_39, %dma_wait3A_58] : memref<20480x128xf32, #tpu.memory_space<hbm>> -> memref<128x128xf32, #tpu.memory_space<hbm>>
      tpu.wait_dma2 semaphore(%run_scoped3A : memref<!tpu.dma_semaphore, #tpu.memory_space<semaphore_mem>>) src(%arg7 : memref<128x128xf32, #tpu.memory_space<vmem>>) dst(%dma_wait3A_59 : memref<128x128xf32, #tpu.memory_space<hbm>>)
      tpu.yield
    }) : () -> ()
    %add3A_40 = arith.constant 384 : i32
    %add3A_41 = arith.addi %mul3A_2, %add3A_40 : i32
    "tpu.region"() ({
      %run_scoped3A = tpu.sem_alloc : memref<!tpu.dma_semaphore, #tpu.memory_space<semaphore_mem>>
      %dma_start3A = arith.constant 0 : i32
      %dma_start3A_54 = tpu.memref_slice %arg8[%add3A_41, %dma_start3A] : memref<10240x128xf32, #tpu.memory_space<vmem_shared>> -> memref<128x128xf32, #tpu.memory_space<vmem_shared>>
      %dma_start3A_55 = arith.constant 0 : i32
      %dma_start3A_56 = tpu.memref_slice %arg8[%add3A_41, %dma_start3A_55] : memref<10240x128xf32, #tpu.memory_space<vmem_shared>> -> memref<128x128xf32, #tpu.memory_space<vmem_shared>>
      tpu.enqueue_dma source(%dma_start3A_56 : memref<128x128xf32, #tpu.memory_space<vmem_shared>>) target(%arg7 : memref<128x128xf32, #tpu.memory_space<vmem>>) target_semaphore(%run_scoped3A : memref<!tpu.dma_semaphore, #tpu.memory_space<semaphore_mem>>)
      %dma_wait3A = arith.constant 0 : i32
      %dma_wait3A_57 = tpu.memref_slice %arg8[%add3A_41, %dma_wait3A] : memref<10240x128xf32, #tpu.memory_space<vmem_shared>> -> memref<128x128xf32, #tpu.memory_space<vmem_shared>>
      %dma_wait3A_58 = arith.constant 0 : i32
      %dma_wait3A_59 = tpu.memref_slice %arg8[%add3A_41, %dma_wait3A_58] : memref<10240x128xf32, #tpu.memory_space<vmem_shared>> -> memref<128x128xf32, #tpu.memory_space<vmem_shared>>
      tpu.wait_dma2 semaphore(%run_scoped3A : memref<!tpu.dma_semaphore, #tpu.memory_space<semaphore_mem>>) src(%dma_wait3A_59 : memref<128x128xf32, #tpu.memory_space<vmem_shared>>) dst(%arg7 : memref<128x128xf32, #tpu.memory_space<vmem>>)
      tpu.yield
    }) : () -> ()
    %mul3A_42 = arith.constant 10240 : i32
    %mul3A_43 = arith.muli %arg0, %mul3A_42 : i32
    %add3A_44 = arith.addi %mul3A_43, %mul3A_2 : i32
    %add3A_45 = arith.constant 384 : i32
    %add3A_46 = arith.addi %add3A_44, %add3A_45 : i32
    "tpu.region"() ({
      %run_scoped3A = tpu.sem_alloc : memref<!tpu.dma_semaphore, #tpu.memory_space<semaphore_mem>>
      %dma_start3A = arith.constant 0 : i32
      %dma_start3A_54 = tpu.memref_slice %arg5[%add3A_46, %dma_start3A] : memref<20480x128xf32, #tpu.memory_space<hbm>> -> memref<128x128xf32, #tpu.memory_space<hbm>>
      %dma_start3A_55 = arith.constant 0 : i32
      %dma_start3A_56 = tpu.memref_slice %arg5[%add3A_46, %dma_start3A_55] : memref<20480x128xf32, #tpu.memory_space<hbm>> -> memref<128x128xf32, #tpu.memory_space<hbm>>
      tpu.enqueue_dma source(%arg7 : memref<128x128xf32, #tpu.memory_space<vmem>>) target(%dma_start3A_56 : memref<128x128xf32, #tpu.memory_space<hbm>>) target_semaphore(%run_scoped3A : memref<!tpu.dma_semaphore, #tpu.memory_space<semaphore_mem>>)
      %dma_wait3A = arith.constant 0 : i32
      %dma_wait3A_57 = tpu.memref_slice %arg5[%add3A_46, %dma_wait3A] : memref<20480x128xf32, #tpu.memory_space<hbm>> -> memref<128x128xf32, #tpu.memory_space<hbm>>
      %dma_wait3A_58 = arith.constant 0 : i32
      %dma_wait3A_59 = tpu.memref_slice %arg5[%add3A_46, %dma_wait3A_58] : memref<20480x128xf32, #tpu.memory_space<hbm>> -> memref<128x128xf32, #tpu.memory_space<hbm>>
      tpu.wait_dma2 semaphore(%run_scoped3A : memref<!tpu.dma_semaphore, #tpu.memory_space<semaphore_mem>>) src(%arg7 : memref<128x128xf32, #tpu.memory_space<vmem>>) dst(%dma_wait3A_59 : memref<128x128xf32, #tpu.memory_space<hbm>>)
      tpu.yield
    }) : () -> ()
    %add3A_47 = arith.constant 512 : i32
    %add3A_48 = arith.addi %mul3A_2, %add3A_47 : i32
    "tpu.region"() ({
      %run_scoped3A = tpu.sem_alloc : memref<!tpu.dma_semaphore, #tpu.memory_space<semaphore_mem>>
      %dma_start3A = arith.constant 0 : i32
      %dma_start3A_54 = tpu.memref_slice %arg8[%add3A_48, %dma_start3A] : memref<10240x128xf32, #tpu.memory_space<vmem_shared>> -> memref<128x128xf32, #tpu.memory_space<vmem_shared>>
      %dma_start3A_55 = arith.constant 0 : i32
      %dma_start3A_56 = tpu.memref_slice %arg8[%add3A_48, %dma_start3A_55] : memref<10240x128xf32, #tpu.memory_space<vmem_shared>> -> memref<128x128xf32, #tpu.memory_space<vmem_shared>>
      tpu.enqueue_dma source(%dma_start3A_56 : memref<128x128xf32, #tpu.memory_space<vmem_shared>>) target(%arg7 : memref<128x128xf32, #tpu.memory_space<vmem>>) target_semaphore(%run_scoped3A : memref<!tpu.dma_semaphore, #tpu.memory_space<semaphore_mem>>)
      %dma_wait3A = arith.constant 0 : i32
      %dma_wait3A_57 = tpu.memref_slice %arg8[%add3A_48, %dma_wait3A] : memref<10240x128xf32, #tpu.memory_space<vmem_shared>> -> memref<128x128xf32, #tpu.memory_space<vmem_shared>>
      %dma_wait3A_58 = arith.constant 0 : i32
      %dma_wait3A_59 = tpu.memref_slice %arg8[%add3A_48, %dma_wait3A_58] : memref<10240x128xf32, #tpu.memory_space<vmem_shared>> -> memref<128x128xf32, #tpu.memory_space<vmem_shared>>
      tpu.wait_dma2 semaphore(%run_scoped3A : memref<!tpu.dma_semaphore, #tpu.memory_space<semaphore_mem>>) src(%dma_wait3A_59 : memref<128x128xf32, #tpu.memory_space<vmem_shared>>) dst(%arg7 : memref<128x128xf32, #tpu.memory_space<vmem>>)
      tpu.yield
    }) : () -> ()
    %mul3A_49 = arith.constant 10240 : i32
    %mul3A_50 = arith.muli %arg0, %mul3A_49 : i32
    %add3A_51 = arith.addi %mul3A_50, %mul3A_2 : i32
    %add3A_52 = arith.constant 512 : i32
    %add3A_53 = arith.addi %add3A_51, %add3A_52 : i32
    "tpu.region"() ({
      %run_scoped3A = tpu.sem_alloc : memref<!tpu.dma_semaphore, #tpu.memory_space<semaphore_mem>>
      %dma_start3A = arith.constant 0 : i32
      %dma_start3A_54 = tpu.memref_slice %arg5[%add3A_53, %dma_start3A] : memref<20480x128xf32, #tpu.memory_space<hbm>> -> memref<128x128xf32, #tpu.memory_space<hbm>>
      %dma_start3A_55 = arith.constant 0 : i32
      %dma_start3A_56 = tpu.memref_slice %arg5[%add3A_53, %dma_start3A_55] : memref<20480x128xf32, #tpu.memory_space<hbm>> -> memref<128x128xf32, #tpu.memory_space<hbm>>
      tpu.enqueue_dma source(%arg7 : memref<128x128xf32, #tpu.memory_space<vmem>>) target(%dma_start3A_56 : memref<128x128xf32, #tpu.memory_space<hbm>>) target_semaphore(%run_scoped3A : memref<!tpu.dma_semaphore, #tpu.memory_space<semaphore_mem>>)
      %dma_wait3A = arith.constant 0 : i32
      %dma_wait3A_57 = tpu.memref_slice %arg5[%add3A_53, %dma_wait3A] : memref<20480x128xf32, #tpu.memory_space<hbm>> -> memref<128x128xf32, #tpu.memory_space<hbm>>
      %dma_wait3A_58 = arith.constant 0 : i32
      %dma_wait3A_59 = tpu.memref_slice %arg5[%add3A_53, %dma_wait3A_58] : memref<20480x128xf32, #tpu.memory_space<hbm>> -> memref<128x128xf32, #tpu.memory_space<hbm>>
      tpu.wait_dma2 semaphore(%run_scoped3A : memref<!tpu.dma_semaphore, #tpu.memory_space<semaphore_mem>>) src(%arg7 : memref<128x128xf32, #tpu.memory_space<vmem>>) dst(%dma_wait3A_59 : memref<128x128xf32, #tpu.memory_space<hbm>>)
      tpu.yield
    }) : () -> ()
    return
  }
}

#map = affine_map<(d0, d1) -> (0, 0)>
#map1 = affine_map<(d0, d1) -> (0, 0, 0)>
module attributes {stable_mosaic.version = 14 : i64} {
  func.func @_spmv_kernel(%arg0: i32, %arg1: i32, %arg2: memref<10240x128xf32, #tpu.memory_space<hbm>>, %arg3: memref<32x80x128xi32, #tpu.memory_space<hbm>>, %arg4: memref<32x80x128xi32, #tpu.memory_space<hbm>>, %arg5: memref<128x128xf32, #tpu.memory_space<hbm>>, %arg6: memref<20480x128xf32, #tpu.memory_space<hbm>>, %arg7: memref<40x128xi32, #tpu.memory_space<vmem>>, %arg8: memref<40x128xi32, #tpu.memory_space<vmem>>, %arg9: memref<128x128xf32, #tpu.memory_space<vmem>>, %arg10: memref<128x128xf32, #tpu.memory_space<vmem>>, %arg11: memref<!tpu.dma_semaphore, #tpu.memory_space<semaphore_mem>>, %arg12: memref<!tpu.dma_semaphore, #tpu.memory_space<semaphore_mem>>, %arg13: memref<!tpu.dma_semaphore, #tpu.memory_space<semaphore_mem>>, %arg14: memref<!tpu.dma_semaphore, #tpu.memory_space<semaphore_mem>>, %arg15: memref<10240x128xf32, #tpu.memory_space<vmem_shared>>) attributes {dimension_semantics = [#tpu.dimension_semantics<core_parallel>, #tpu.dimension_semantics<subcore_parallel>], iteration_bounds = array<i64: 2, 16>, scalar_prefetch = 0 : i64, scratch_operands = 9 : i64, tpu.core_type = #tpu.core_type<sc_vector_subcore>, window_params = [{transform_indices = #map}, {transform_indices = #map1}, {transform_indices = #map1}, {transform_indices = #map}, {transform_indices = #map}]} {
    %mul3A = arith.constant 2 : i32
    %mul3A_0 = arith.muli %arg1, %mul3A : i32
    %add3A = arith.addi %mul3A_0, %arg0 : i32
    %mul3A_1 = arith.constant 640 : i32
    %mul3A_2 = arith.muli %arg1, %mul3A_1 : i32
    "tpu.region"() ({
      %run_scoped3A = tpu.sem_alloc : memref<!tpu.dma_semaphore, #tpu.memory_space<semaphore_mem>>
      tpu.enqueue_dma source(%arg5 : memref<128x128xf32, #tpu.memory_space<hbm>>) target(%arg9 : memref<128x128xf32, #tpu.memory_space<vmem>>) target_semaphore(%run_scoped3A : memref<!tpu.dma_semaphore, #tpu.memory_space<semaphore_mem>>)
      tpu.wait_dma2 semaphore(%run_scoped3A : memref<!tpu.dma_semaphore, #tpu.memory_space<semaphore_mem>>) src(%arg5 : memref<128x128xf32, #tpu.memory_space<hbm>>) dst(%arg9 : memref<128x128xf32, #tpu.memory_space<vmem>>)
      tpu.yield
    }) : () -> ()
    %add3A_3 = arith.constant 0 : i32
    %add3A_4 = arith.addi %mul3A_2, %add3A_3 : i32
    "tpu.region"() ({
      %run_scoped3A = tpu.sem_alloc : memref<!tpu.dma_semaphore, #tpu.memory_space<semaphore_mem>>
      %dma_start3A = arith.constant 0 : i32
      %dma_start3A_54 = tpu.memref_slice %arg15[%add3A_4, %dma_start3A] : memref<10240x128xf32, #tpu.memory_space<vmem_shared>> -> memref<128x128xf32, #tpu.memory_space<vmem_shared>>
      %dma_start3A_55 = arith.constant 0 : i32
      %dma_start3A_56 = tpu.memref_slice %arg15[%add3A_4, %dma_start3A_55] : memref<10240x128xf32, #tpu.memory_space<vmem_shared>> -> memref<128x128xf32, #tpu.memory_space<vmem_shared>>
      tpu.enqueue_dma source(%arg9 : memref<128x128xf32, #tpu.memory_space<vmem>>) target(%dma_start3A_56 : memref<128x128xf32, #tpu.memory_space<vmem_shared>>) target_semaphore(%run_scoped3A : memref<!tpu.dma_semaphore, #tpu.memory_space<semaphore_mem>>)
      %dma_wait3A = arith.constant 0 : i32
      %dma_wait3A_57 = tpu.memref_slice %arg15[%add3A_4, %dma_wait3A] : memref<10240x128xf32, #tpu.memory_space<vmem_shared>> -> memref<128x128xf32, #tpu.memory_space<vmem_shared>>
      %dma_wait3A_58 = arith.constant 0 : i32
      %dma_wait3A_59 = tpu.memref_slice %arg15[%add3A_4, %dma_wait3A_58] : memref<10240x128xf32, #tpu.memory_space<vmem_shared>> -> memref<128x128xf32, #tpu.memory_space<vmem_shared>>
      tpu.wait_dma2 semaphore(%run_scoped3A : memref<!tpu.dma_semaphore, #tpu.memory_space<semaphore_mem>>) src(%arg9 : memref<128x128xf32, #tpu.memory_space<vmem>>) dst(%dma_wait3A_59 : memref<128x128xf32, #tpu.memory_space<vmem_shared>>)
      tpu.yield
    }) : () -> ()
    %add3A_5 = arith.constant 128 : i32
    %add3A_6 = arith.addi %mul3A_2, %add3A_5 : i32
    "tpu.region"() ({
      %run_scoped3A = tpu.sem_alloc : memref<!tpu.dma_semaphore, #tpu.memory_space<semaphore_mem>>
      %dma_start3A = arith.constant 0 : i32
      %dma_start3A_54 = tpu.memref_slice %arg15[%add3A_6, %dma_start3A] : memref<10240x128xf32, #tpu.memory_space<vmem_shared>> -> memref<128x128xf32, #tpu.memory_space<vmem_shared>>
      %dma_start3A_55 = arith.constant 0 : i32
      %dma_start3A_56 = tpu.memref_slice %arg15[%add3A_6, %dma_start3A_55] : memref<10240x128xf32, #tpu.memory_space<vmem_shared>> -> memref<128x128xf32, #tpu.memory_space<vmem_shared>>
      tpu.enqueue_dma source(%arg9 : memref<128x128xf32, #tpu.memory_space<vmem>>) target(%dma_start3A_56 : memref<128x128xf32, #tpu.memory_space<vmem_shared>>) target_semaphore(%run_scoped3A : memref<!tpu.dma_semaphore, #tpu.memory_space<semaphore_mem>>)
      %dma_wait3A = arith.constant 0 : i32
      %dma_wait3A_57 = tpu.memref_slice %arg15[%add3A_6, %dma_wait3A] : memref<10240x128xf32, #tpu.memory_space<vmem_shared>> -> memref<128x128xf32, #tpu.memory_space<vmem_shared>>
      %dma_wait3A_58 = arith.constant 0 : i32
      %dma_wait3A_59 = tpu.memref_slice %arg15[%add3A_6, %dma_wait3A_58] : memref<10240x128xf32, #tpu.memory_space<vmem_shared>> -> memref<128x128xf32, #tpu.memory_space<vmem_shared>>
      tpu.wait_dma2 semaphore(%run_scoped3A : memref<!tpu.dma_semaphore, #tpu.memory_space<semaphore_mem>>) src(%arg9 : memref<128x128xf32, #tpu.memory_space<vmem>>) dst(%dma_wait3A_59 : memref<128x128xf32, #tpu.memory_space<vmem_shared>>)
      tpu.yield
    }) : () -> ()
    %add3A_7 = arith.constant 256 : i32
    %add3A_8 = arith.addi %mul3A_2, %add3A_7 : i32
    "tpu.region"() ({
      %run_scoped3A = tpu.sem_alloc : memref<!tpu.dma_semaphore, #tpu.memory_space<semaphore_mem>>
      %dma_start3A = arith.constant 0 : i32
      %dma_start3A_54 = tpu.memref_slice %arg15[%add3A_8, %dma_start3A] : memref<10240x128xf32, #tpu.memory_space<vmem_shared>> -> memref<128x128xf32, #tpu.memory_space<vmem_shared>>
      %dma_start3A_55 = arith.constant 0 : i32
      %dma_start3A_56 = tpu.memref_slice %arg15[%add3A_8, %dma_start3A_55] : memref<10240x128xf32, #tpu.memory_space<vmem_shared>> -> memref<128x128xf32, #tpu.memory_space<vmem_shared>>
      tpu.enqueue_dma source(%arg9 : memref<128x128xf32, #tpu.memory_space<vmem>>) target(%dma_start3A_56 : memref<128x128xf32, #tpu.memory_space<vmem_shared>>) target_semaphore(%run_scoped3A : memref<!tpu.dma_semaphore, #tpu.memory_space<semaphore_mem>>)
      %dma_wait3A = arith.constant 0 : i32
      %dma_wait3A_57 = tpu.memref_slice %arg15[%add3A_8, %dma_wait3A] : memref<10240x128xf32, #tpu.memory_space<vmem_shared>> -> memref<128x128xf32, #tpu.memory_space<vmem_shared>>
      %dma_wait3A_58 = arith.constant 0 : i32
      %dma_wait3A_59 = tpu.memref_slice %arg15[%add3A_8, %dma_wait3A_58] : memref<10240x128xf32, #tpu.memory_space<vmem_shared>> -> memref<128x128xf32, #tpu.memory_space<vmem_shared>>
      tpu.wait_dma2 semaphore(%run_scoped3A : memref<!tpu.dma_semaphore, #tpu.memory_space<semaphore_mem>>) src(%arg9 : memref<128x128xf32, #tpu.memory_space<vmem>>) dst(%dma_wait3A_59 : memref<128x128xf32, #tpu.memory_space<vmem_shared>>)
      tpu.yield
    }) : () -> ()
    %add3A_9 = arith.constant 384 : i32
    %add3A_10 = arith.addi %mul3A_2, %add3A_9 : i32
    "tpu.region"() ({
      %run_scoped3A = tpu.sem_alloc : memref<!tpu.dma_semaphore, #tpu.memory_space<semaphore_mem>>
      %dma_start3A = arith.constant 0 : i32
      %dma_start3A_54 = tpu.memref_slice %arg15[%add3A_10, %dma_start3A] : memref<10240x128xf32, #tpu.memory_space<vmem_shared>> -> memref<128x128xf32, #tpu.memory_space<vmem_shared>>
      %dma_start3A_55 = arith.constant 0 : i32
      %dma_start3A_56 = tpu.memref_slice %arg15[%add3A_10, %dma_start3A_55] : memref<10240x128xf32, #tpu.memory_space<vmem_shared>> -> memref<128x128xf32, #tpu.memory_space<vmem_shared>>
      tpu.enqueue_dma source(%arg9 : memref<128x128xf32, #tpu.memory_space<vmem>>) target(%dma_start3A_56 : memref<128x128xf32, #tpu.memory_space<vmem_shared>>) target_semaphore(%run_scoped3A : memref<!tpu.dma_semaphore, #tpu.memory_space<semaphore_mem>>)
      %dma_wait3A = arith.constant 0 : i32
      %dma_wait3A_57 = tpu.memref_slice %arg15[%add3A_10, %dma_wait3A] : memref<10240x128xf32, #tpu.memory_space<vmem_shared>> -> memref<128x128xf32, #tpu.memory_space<vmem_shared>>
      %dma_wait3A_58 = arith.constant 0 : i32
      %dma_wait3A_59 = tpu.memref_slice %arg15[%add3A_10, %dma_wait3A_58] : memref<10240x128xf32, #tpu.memory_space<vmem_shared>> -> memref<128x128xf32, #tpu.memory_space<vmem_shared>>
      tpu.wait_dma2 semaphore(%run_scoped3A : memref<!tpu.dma_semaphore, #tpu.memory_space<semaphore_mem>>) src(%arg9 : memref<128x128xf32, #tpu.memory_space<vmem>>) dst(%dma_wait3A_59 : memref<128x128xf32, #tpu.memory_space<vmem_shared>>)
      tpu.yield
    }) : () -> ()
    %add3A_11 = arith.constant 512 : i32
    %add3A_12 = arith.addi %mul3A_2, %add3A_11 : i32
    "tpu.region"() ({
      %run_scoped3A = tpu.sem_alloc : memref<!tpu.dma_semaphore, #tpu.memory_space<semaphore_mem>>
      %dma_start3A = arith.constant 0 : i32
      %dma_start3A_54 = tpu.memref_slice %arg15[%add3A_12, %dma_start3A] : memref<10240x128xf32, #tpu.memory_space<vmem_shared>> -> memref<128x128xf32, #tpu.memory_space<vmem_shared>>
      %dma_start3A_55 = arith.constant 0 : i32
      %dma_start3A_56 = tpu.memref_slice %arg15[%add3A_12, %dma_start3A_55] : memref<10240x128xf32, #tpu.memory_space<vmem_shared>> -> memref<128x128xf32, #tpu.memory_space<vmem_shared>>
      tpu.enqueue_dma source(%arg9 : memref<128x128xf32, #tpu.memory_space<vmem>>) target(%dma_start3A_56 : memref<128x128xf32, #tpu.memory_space<vmem_shared>>) target_semaphore(%run_scoped3A : memref<!tpu.dma_semaphore, #tpu.memory_space<semaphore_mem>>)
      %dma_wait3A = arith.constant 0 : i32
      %dma_wait3A_57 = tpu.memref_slice %arg15[%add3A_12, %dma_wait3A] : memref<10240x128xf32, #tpu.memory_space<vmem_shared>> -> memref<128x128xf32, #tpu.memory_space<vmem_shared>>
      %dma_wait3A_58 = arith.constant 0 : i32
      %dma_wait3A_59 = tpu.memref_slice %arg15[%add3A_12, %dma_wait3A_58] : memref<10240x128xf32, #tpu.memory_space<vmem_shared>> -> memref<128x128xf32, #tpu.memory_space<vmem_shared>>
      tpu.wait_dma2 semaphore(%run_scoped3A : memref<!tpu.dma_semaphore, #tpu.memory_space<semaphore_mem>>) src(%arg9 : memref<128x128xf32, #tpu.memory_space<vmem>>) dst(%dma_wait3A_59 : memref<128x128xf32, #tpu.memory_space<vmem_shared>>)
      tpu.yield
    }) : () -> ()
    %barrier3A = arith.constant 0 : index
    tpu.barrier barrier_id(%barrier3A)
    %scan3A = arith.constant 0 : i32
    %scan3A_13 = arith.constant 0 : i32
    %scan3A_14 = arith.constant 2 : i32
    %scan3A_15 = arith.addi %scan3A_13, %scan3A_14 : i32
    %scan3A_16 = arith.constant 1 : i32
    scf.for %scan3A_54 = %scan3A_13 to %scan3A_15 step %scan3A_16  : i32 {
      %mul3A_55 = arith.constant 40 : i32
      %mul3A_56 = arith.muli %scan3A_54, %mul3A_55 : i32
      "tpu.region"() ({
        %run_scoped3A = tpu.sem_alloc : memref<!tpu.dma_semaphore, #tpu.memory_space<semaphore_mem>>
        %dma_start3A_77 = arith.constant 0 : i32
        %dma_start3A_78 = arith.constant 0 : i32
        %dma_start3A_79 = tpu.memref_slice %arg3[%add3A, %dma_start3A_77, %dma_start3A_78] : memref<32x80x128xi32, #tpu.memory_space<hbm>> -> memref<1x80x128xi32, #tpu.memory_space<hbm>>
        %dma_start3A_80 = tpu.memref_squeeze %dma_start3A_79 : memref<1x80x128xi32, #tpu.memory_space<hbm>> -> memref<80x128xi32, #tpu.memory_space<hbm>>
        %dma_start3A_81 = arith.constant 0 : i32
        %dma_start3A_82 = tpu.memref_slice %dma_start3A_80[%mul3A_56, %dma_start3A_81] : memref<80x128xi32, #tpu.memory_space<hbm>> -> memref<40x128xi32, #tpu.memory_space<hbm>>
        %dma_start3A_83 = arith.constant 0 : i32
        %dma_start3A_84 = arith.constant 0 : i32
        %dma_start3A_85 = tpu.memref_slice %arg3[%add3A, %dma_start3A_83, %dma_start3A_84] : memref<32x80x128xi32, #tpu.memory_space<hbm>> -> memref<1x80x128xi32, #tpu.memory_space<hbm>>
        %dma_start3A_86 = tpu.memref_squeeze %dma_start3A_85 : memref<1x80x128xi32, #tpu.memory_space<hbm>> -> memref<80x128xi32, #tpu.memory_space<hbm>>
        %dma_start3A_87 = arith.constant 0 : i32
        %dma_start3A_88 = tpu.memref_slice %dma_start3A_86[%mul3A_56, %dma_start3A_87] : memref<80x128xi32, #tpu.memory_space<hbm>> -> memref<40x128xi32, #tpu.memory_space<hbm>>
        tpu.enqueue_dma source(%dma_start3A_88 : memref<40x128xi32, #tpu.memory_space<hbm>>) target(%arg7 : memref<40x128xi32, #tpu.memory_space<vmem>>) target_semaphore(%run_scoped3A : memref<!tpu.dma_semaphore, #tpu.memory_space<semaphore_mem>>)
        %dma_wait3A_89 = arith.constant 0 : i32
        %dma_wait3A_90 = arith.constant 0 : i32
        %dma_wait3A_91 = tpu.memref_slice %arg3[%add3A, %dma_wait3A_89, %dma_wait3A_90] : memref<32x80x128xi32, #tpu.memory_space<hbm>> -> memref<1x80x128xi32, #tpu.memory_space<hbm>>
        %dma_wait3A_92 = tpu.memref_squeeze %dma_wait3A_91 : memref<1x80x128xi32, #tpu.memory_space<hbm>> -> memref<80x128xi32, #tpu.memory_space<hbm>>
        %dma_wait3A_93 = arith.constant 0 : i32
        %dma_wait3A_94 = tpu.memref_slice %dma_wait3A_92[%mul3A_56, %dma_wait3A_93] : memref<80x128xi32, #tpu.memory_space<hbm>> -> memref<40x128xi32, #tpu.memory_space<hbm>>
        %dma_wait3A_95 = arith.constant 0 : i32
        %dma_wait3A_96 = arith.constant 0 : i32
        %dma_wait3A_97 = tpu.memref_slice %arg3[%add3A, %dma_wait3A_95, %dma_wait3A_96] : memref<32x80x128xi32, #tpu.memory_space<hbm>> -> memref<1x80x128xi32, #tpu.memory_space<hbm>>
        %dma_wait3A_98 = tpu.memref_squeeze %dma_wait3A_97 : memref<1x80x128xi32, #tpu.memory_space<hbm>> -> memref<80x128xi32, #tpu.memory_space<hbm>>
        %dma_wait3A_99 = arith.constant 0 : i32
        %dma_wait3A_100 = tpu.memref_slice %dma_wait3A_98[%mul3A_56, %dma_wait3A_99] : memref<80x128xi32, #tpu.memory_space<hbm>> -> memref<40x128xi32, #tpu.memory_space<hbm>>
        tpu.wait_dma2 semaphore(%run_scoped3A : memref<!tpu.dma_semaphore, #tpu.memory_space<semaphore_mem>>) src(%dma_wait3A_100 : memref<40x128xi32, #tpu.memory_space<hbm>>) dst(%arg7 : memref<40x128xi32, #tpu.memory_space<vmem>>)
        tpu.yield
      }) : () -> ()
      %mul3A_57 = arith.constant 40 : i32
      %mul3A_58 = arith.muli %scan3A_54, %mul3A_57 : i32
      "tpu.region"() ({
        %run_scoped3A = tpu.sem_alloc : memref<!tpu.dma_semaphore, #tpu.memory_space<semaphore_mem>>
        %dma_start3A_77 = arith.constant 0 : i32
        %dma_start3A_78 = arith.constant 0 : i32
        %dma_start3A_79 = tpu.memref_slice %arg4[%add3A, %dma_start3A_77, %dma_start3A_78] : memref<32x80x128xi32, #tpu.memory_space<hbm>> -> memref<1x80x128xi32, #tpu.memory_space<hbm>>
        %dma_start3A_80 = tpu.memref_squeeze %dma_start3A_79 : memref<1x80x128xi32, #tpu.memory_space<hbm>> -> memref<80x128xi32, #tpu.memory_space<hbm>>
        %dma_start3A_81 = arith.constant 0 : i32
        %dma_start3A_82 = tpu.memref_slice %dma_start3A_80[%mul3A_58, %dma_start3A_81] : memref<80x128xi32, #tpu.memory_space<hbm>> -> memref<40x128xi32, #tpu.memory_space<hbm>>
        %dma_start3A_83 = arith.constant 0 : i32
        %dma_start3A_84 = arith.constant 0 : i32
        %dma_start3A_85 = tpu.memref_slice %arg4[%add3A, %dma_start3A_83, %dma_start3A_84] : memref<32x80x128xi32, #tpu.memory_space<hbm>> -> memref<1x80x128xi32, #tpu.memory_space<hbm>>
        %dma_start3A_86 = tpu.memref_squeeze %dma_start3A_85 : memref<1x80x128xi32, #tpu.memory_space<hbm>> -> memref<80x128xi32, #tpu.memory_space<hbm>>
        %dma_start3A_87 = arith.constant 0 : i32
        %dma_start3A_88 = tpu.memref_slice %dma_start3A_86[%mul3A_58, %dma_start3A_87] : memref<80x128xi32, #tpu.memory_space<hbm>> -> memref<40x128xi32, #tpu.memory_space<hbm>>
        tpu.enqueue_dma source(%dma_start3A_88 : memref<40x128xi32, #tpu.memory_space<hbm>>) target(%arg8 : memref<40x128xi32, #tpu.memory_space<vmem>>) target_semaphore(%run_scoped3A : memref<!tpu.dma_semaphore, #tpu.memory_space<semaphore_mem>>)
        %dma_wait3A_89 = arith.constant 0 : i32
        %dma_wait3A_90 = arith.constant 0 : i32
        %dma_wait3A_91 = tpu.memref_slice %arg4[%add3A, %dma_wait3A_89, %dma_wait3A_90] : memref<32x80x128xi32, #tpu.memory_space<hbm>> -> memref<1x80x128xi32, #tpu.memory_space<hbm>>
        %dma_wait3A_92 = tpu.memref_squeeze %dma_wait3A_91 : memref<1x80x128xi32, #tpu.memory_space<hbm>> -> memref<80x128xi32, #tpu.memory_space<hbm>>
        %dma_wait3A_93 = arith.constant 0 : i32
        %dma_wait3A_94 = tpu.memref_slice %dma_wait3A_92[%mul3A_58, %dma_wait3A_93] : memref<80x128xi32, #tpu.memory_space<hbm>> -> memref<40x128xi32, #tpu.memory_space<hbm>>
        %dma_wait3A_95 = arith.constant 0 : i32
        %dma_wait3A_96 = arith.constant 0 : i32
        %dma_wait3A_97 = tpu.memref_slice %arg4[%add3A, %dma_wait3A_95, %dma_wait3A_96] : memref<32x80x128xi32, #tpu.memory_space<hbm>> -> memref<1x80x128xi32, #tpu.memory_space<hbm>>
        %dma_wait3A_98 = tpu.memref_squeeze %dma_wait3A_97 : memref<1x80x128xi32, #tpu.memory_space<hbm>> -> memref<80x128xi32, #tpu.memory_space<hbm>>
        %dma_wait3A_99 = arith.constant 0 : i32
        %dma_wait3A_100 = tpu.memref_slice %dma_wait3A_98[%mul3A_58, %dma_wait3A_99] : memref<80x128xi32, #tpu.memory_space<hbm>> -> memref<40x128xi32, #tpu.memory_space<hbm>>
        tpu.wait_dma2 semaphore(%run_scoped3A : memref<!tpu.dma_semaphore, #tpu.memory_space<semaphore_mem>>) src(%dma_wait3A_100 : memref<40x128xi32, #tpu.memory_space<hbm>>) dst(%arg8 : memref<40x128xi32, #tpu.memory_space<vmem>>)
        tpu.yield
      }) : () -> ()
      %dma_start3A = arith.constant 0 : i32
      %dma_start3A_59 = arith.constant 0 : i32
      %dma_start3A_60 = tpu.memref_slice %arg7[%dma_start3A, %dma_start3A_59] : memref<40x128xi32, #tpu.memory_space<vmem>> -> memref<1x128xi32, #tpu.memory_space<vmem>>
      %dma_start3A_61 = tpu.memref_squeeze %dma_start3A_60 : memref<1x128xi32, #tpu.memory_space<vmem>> -> memref<128xi32, #tpu.memory_space<vmem>>
      %dma_start3A_62 = arith.constant 0 : i32
      %dma_start3A_63 = arith.constant 0 : i32
      %dma_start3A_64 = tpu.memref_slice %arg2[%dma_start3A_62, %dma_start3A_63] : memref<10240x128xf32, #tpu.memory_space<hbm>> -> memref<10240x128xf32, #tpu.memory_space<hbm>>
      tpu.enqueue_indirect_dma source(%dma_start3A_64 : memref<10240x128xf32, #tpu.memory_space<hbm>>) target(%arg9 : memref<128x128xf32, #tpu.memory_space<vmem>>) offsets(%dma_start3A_61 : memref<128xi32, #tpu.memory_space<vmem>>) semaphore(%arg11 : memref<!tpu.dma_semaphore, #tpu.memory_space<semaphore_mem>>)
      %scan3A_65 = arith.constant 0 : i32
      %scan3A_66 = arith.constant 0 : i32
      %scan3A_67 = arith.constant 20 : i32
      %scan3A_68 = arith.addi %scan3A_66, %scan3A_67 : i32
      %scan3A_69 = arith.constant 1 : i32
      scf.for %scan3A_77 = %scan3A_66 to %scan3A_68 step %scan3A_69  : i32 {
        %mul3A_78 = arith.constant 2 : i32
        %mul3A_79 = arith.muli %scan3A_77, %mul3A_78 : i32
        %dma_wait3A_80 = arith.constant 0 : i32
        %dma_wait3A_81 = tpu.memref_slice %arg7[%mul3A_79, %dma_wait3A_80] : memref<40x128xi32, #tpu.memory_space<vmem>> -> memref<1x128xi32, #tpu.memory_space<vmem>>
        %dma_wait3A_82 = tpu.memref_squeeze %dma_wait3A_81 : memref<1x128xi32, #tpu.memory_space<vmem>> -> memref<128xi32, #tpu.memory_space<vmem>>
        %dma_wait3A_83 = arith.constant 0 : i32
        %dma_wait3A_84 = arith.constant 0 : i32
        %dma_wait3A_85 = tpu.memref_slice %arg2[%dma_wait3A_83, %dma_wait3A_84] : memref<10240x128xf32, #tpu.memory_space<hbm>> -> memref<10240x128xf32, #tpu.memory_space<hbm>>
        tpu.wait_indirect_dma semaphore(%arg11 : memref<!tpu.dma_semaphore, #tpu.memory_space<semaphore_mem>>) src(%dma_wait3A_85 : memref<10240x128xf32, #tpu.memory_space<hbm>>) dst(%arg9 : memref<128x128xf32, #tpu.memory_space<vmem>>)
        %gt3A = arith.constant 0 : i32
        %gt3A_86 = arith.cmpi sgt, %scan3A_77, %gt3A : i32
        %convert_element_type3A = arith.extui %gt3A_86 : i1 to i32
        %cond3A = arith.constant 0 : i32
        %cond3A_87 = arith.cmpi ne, %convert_element_type3A, %cond3A : i32
        scf.if %cond3A_87 {
          %sub3A = arith.constant 1 : i32
          %sub3A_130 = arith.subi %mul3A_79, %sub3A : i32
          %dma_wait3A_131 = arith.constant 0 : i32
          %dma_wait3A_132 = tpu.memref_slice %arg8[%sub3A_130, %dma_wait3A_131] : memref<40x128xi32, #tpu.memory_space<vmem>> -> memref<1x128xi32, #tpu.memory_space<vmem>>
          %dma_wait3A_133 = tpu.memref_squeeze %dma_wait3A_132 : memref<1x128xi32, #tpu.memory_space<vmem>> -> memref<128xi32, #tpu.memory_space<vmem>>
          %dma_wait3A_134 = arith.constant 0 : i32
          %dma_wait3A_135 = arith.constant 0 : i32
          %dma_wait3A_136 = tpu.memref_slice %arg15[%dma_wait3A_134, %dma_wait3A_135] : memref<10240x128xf32, #tpu.memory_space<vmem_shared>> -> memref<10240x128xf32, #tpu.memory_space<vmem_shared>>
          tpu.wait_indirect_dma semaphore(%arg14 : memref<!tpu.dma_semaphore, #tpu.memory_space<semaphore_mem>>) src(%arg10 : memref<128x128xf32, #tpu.memory_space<vmem>>) dst(%dma_wait3A_136 : memref<10240x128xf32, #tpu.memory_space<vmem_shared>>)
        } else {
        }
        %add3A_88 = arith.constant 1 : i32
        %add3A_89 = arith.addi %mul3A_79, %add3A_88 : i32
        %dma_start3A_90 = arith.constant 0 : i32
        %dma_start3A_91 = tpu.memref_slice %arg7[%add3A_89, %dma_start3A_90] : memref<40x128xi32, #tpu.memory_space<vmem>> -> memref<1x128xi32, #tpu.memory_space<vmem>>
        %dma_start3A_92 = tpu.memref_squeeze %dma_start3A_91 : memref<1x128xi32, #tpu.memory_space<vmem>> -> memref<128xi32, #tpu.memory_space<vmem>>
        %dma_start3A_93 = arith.constant 0 : i32
        %dma_start3A_94 = arith.constant 0 : i32
        %dma_start3A_95 = tpu.memref_slice %arg2[%dma_start3A_93, %dma_start3A_94] : memref<10240x128xf32, #tpu.memory_space<hbm>> -> memref<10240x128xf32, #tpu.memory_space<hbm>>
        tpu.enqueue_indirect_dma source(%dma_start3A_95 : memref<10240x128xf32, #tpu.memory_space<hbm>>) target(%arg10 : memref<128x128xf32, #tpu.memory_space<vmem>>) offsets(%dma_start3A_92 : memref<128xi32, #tpu.memory_space<vmem>>) semaphore(%arg12 : memref<!tpu.dma_semaphore, #tpu.memory_space<semaphore_mem>>)
        %dma_start3A_96 = arith.constant 0 : i32
        %dma_start3A_97 = tpu.memref_slice %arg8[%mul3A_79, %dma_start3A_96] : memref<40x128xi32, #tpu.memory_space<vmem>> -> memref<1x128xi32, #tpu.memory_space<vmem>>
        %dma_start3A_98 = tpu.memref_squeeze %dma_start3A_97 : memref<1x128xi32, #tpu.memory_space<vmem>> -> memref<128xi32, #tpu.memory_space<vmem>>
        %dma_start3A_99 = arith.constant 0 : i32
        %dma_start3A_100 = arith.constant 0 : i32
        %dma_start3A_101 = tpu.memref_slice %arg15[%dma_start3A_99, %dma_start3A_100] : memref<10240x128xf32, #tpu.memory_space<vmem_shared>> -> memref<10240x128xf32, #tpu.memory_space<vmem_shared>>
        tpu.enqueue_indirect_dma source(%arg9 : memref<128x128xf32, #tpu.memory_space<vmem>>) target(%dma_start3A_101 : memref<10240x128xf32, #tpu.memory_space<vmem_shared>>) offsets(%dma_start3A_98 : memref<128xi32, #tpu.memory_space<vmem>>) semaphore(%arg13 : memref<!tpu.dma_semaphore, #tpu.memory_space<semaphore_mem>>) {add = true}
        %add3A_102 = arith.constant 1 : i32
        %add3A_103 = arith.addi %mul3A_79, %add3A_102 : i32
        %dma_wait3A_104 = arith.constant 0 : i32
        %dma_wait3A_105 = tpu.memref_slice %arg7[%add3A_103, %dma_wait3A_104] : memref<40x128xi32, #tpu.memory_space<vmem>> -> memref<1x128xi32, #tpu.memory_space<vmem>>
        %dma_wait3A_106 = tpu.memref_squeeze %dma_wait3A_105 : memref<1x128xi32, #tpu.memory_space<vmem>> -> memref<128xi32, #tpu.memory_space<vmem>>
        %dma_wait3A_107 = arith.constant 0 : i32
        %dma_wait3A_108 = arith.constant 0 : i32
        %dma_wait3A_109 = tpu.memref_slice %arg2[%dma_wait3A_107, %dma_wait3A_108] : memref<10240x128xf32, #tpu.memory_space<hbm>> -> memref<10240x128xf32, #tpu.memory_space<hbm>>
        tpu.wait_indirect_dma semaphore(%arg12 : memref<!tpu.dma_semaphore, #tpu.memory_space<semaphore_mem>>) src(%dma_wait3A_109 : memref<10240x128xf32, #tpu.memory_space<hbm>>) dst(%arg10 : memref<128x128xf32, #tpu.memory_space<vmem>>)
        %dma_wait3A_110 = arith.constant 0 : i32
        %dma_wait3A_111 = tpu.memref_slice %arg8[%mul3A_79, %dma_wait3A_110] : memref<40x128xi32, #tpu.memory_space<vmem>> -> memref<1x128xi32, #tpu.memory_space<vmem>>
        %dma_wait3A_112 = tpu.memref_squeeze %dma_wait3A_111 : memref<1x128xi32, #tpu.memory_space<vmem>> -> memref<128xi32, #tpu.memory_space<vmem>>
        %dma_wait3A_113 = arith.constant 0 : i32
        %dma_wait3A_114 = arith.constant 0 : i32
        %dma_wait3A_115 = tpu.memref_slice %arg15[%dma_wait3A_113, %dma_wait3A_114] : memref<10240x128xf32, #tpu.memory_space<vmem_shared>> -> memref<10240x128xf32, #tpu.memory_space<vmem_shared>>
        tpu.wait_indirect_dma semaphore(%arg13 : memref<!tpu.dma_semaphore, #tpu.memory_space<semaphore_mem>>) src(%arg9 : memref<128x128xf32, #tpu.memory_space<vmem>>) dst(%dma_wait3A_115 : memref<10240x128xf32, #tpu.memory_space<vmem_shared>>)
        %add3A_116 = arith.constant 2 : i32
        %add3A_117 = arith.addi %mul3A_79, %add3A_116 : i32
        %lt3A = arith.constant 40 : i32
        %lt3A_118 = arith.cmpi slt, %add3A_117, %lt3A : i32
        %convert_element_type3A_119 = arith.extui %lt3A_118 : i1 to i32
        %cond3A_120 = arith.constant 0 : i32
        %cond3A_121 = arith.cmpi ne, %convert_element_type3A_119, %cond3A_120 : i32
        scf.if %cond3A_121 {
          %add3A_130 = arith.constant 2 : i32
          %add3A_131 = arith.addi %mul3A_79, %add3A_130 : i32
          %dma_start3A_132 = arith.constant 0 : i32
          %dma_start3A_133 = tpu.memref_slice %arg7[%add3A_131, %dma_start3A_132] : memref<40x128xi32, #tpu.memory_space<vmem>> -> memref<1x128xi32, #tpu.memory_space<vmem>>
          %dma_start3A_134 = tpu.memref_squeeze %dma_start3A_133 : memref<1x128xi32, #tpu.memory_space<vmem>> -> memref<128xi32, #tpu.memory_space<vmem>>
          %dma_start3A_135 = arith.constant 0 : i32
          %dma_start3A_136 = arith.constant 0 : i32
          %dma_start3A_137 = tpu.memref_slice %arg2[%dma_start3A_135, %dma_start3A_136] : memref<10240x128xf32, #tpu.memory_space<hbm>> -> memref<10240x128xf32, #tpu.memory_space<hbm>>
          tpu.enqueue_indirect_dma source(%dma_start3A_137 : memref<10240x128xf32, #tpu.memory_space<hbm>>) target(%arg9 : memref<128x128xf32, #tpu.memory_space<vmem>>) offsets(%dma_start3A_134 : memref<128xi32, #tpu.memory_space<vmem>>) semaphore(%arg11 : memref<!tpu.dma_semaphore, #tpu.memory_space<semaphore_mem>>)
        } else {
        }
        %add3A_122 = arith.constant 1 : i32
        %add3A_123 = arith.addi %mul3A_79, %add3A_122 : i32
        %dma_start3A_124 = arith.constant 0 : i32
        %dma_start3A_125 = tpu.memref_slice %arg8[%add3A_123, %dma_start3A_124] : memref<40x128xi32, #tpu.memory_space<vmem>> -> memref<1x128xi32, #tpu.memory_space<vmem>>
        %dma_start3A_126 = tpu.memref_squeeze %dma_start3A_125 : memref<1x128xi32, #tpu.memory_space<vmem>> -> memref<128xi32, #tpu.memory_space<vmem>>
        %dma_start3A_127 = arith.constant 0 : i32
        %dma_start3A_128 = arith.constant 0 : i32
        %dma_start3A_129 = tpu.memref_slice %arg15[%dma_start3A_127, %dma_start3A_128] : memref<10240x128xf32, #tpu.memory_space<vmem_shared>> -> memref<10240x128xf32, #tpu.memory_space<vmem_shared>>
        tpu.enqueue_indirect_dma source(%arg10 : memref<128x128xf32, #tpu.memory_space<vmem>>) target(%dma_start3A_129 : memref<10240x128xf32, #tpu.memory_space<vmem_shared>>) offsets(%dma_start3A_126 : memref<128xi32, #tpu.memory_space<vmem>>) semaphore(%arg14 : memref<!tpu.dma_semaphore, #tpu.memory_space<semaphore_mem>>) {add = true}
      }
      %scan3A_70 = arith.constant 20 : i32
      %dma_wait3A = arith.constant 39 : i32
      %dma_wait3A_71 = arith.constant 0 : i32
      %dma_wait3A_72 = tpu.memref_slice %arg8[%dma_wait3A, %dma_wait3A_71] : memref<40x128xi32, #tpu.memory_space<vmem>> -> memref<1x128xi32, #tpu.memory_space<vmem>>
      %dma_wait3A_73 = tpu.memref_squeeze %dma_wait3A_72 : memref<1x128xi32, #tpu.memory_space<vmem>> -> memref<128xi32, #tpu.memory_space<vmem>>
      %dma_wait3A_74 = arith.constant 0 : i32
      %dma_wait3A_75 = arith.constant 0 : i32
      %dma_wait3A_76 = tpu.memref_slice %arg15[%dma_wait3A_74, %dma_wait3A_75] : memref<10240x128xf32, #tpu.memory_space<vmem_shared>> -> memref<10240x128xf32, #tpu.memory_space<vmem_shared>>
      tpu.wait_indirect_dma semaphore(%arg14 : memref<!tpu.dma_semaphore, #tpu.memory_space<semaphore_mem>>) src(%arg10 : memref<128x128xf32, #tpu.memory_space<vmem>>) dst(%dma_wait3A_76 : memref<10240x128xf32, #tpu.memory_space<vmem_shared>>)
    }
    %scan3A_17 = arith.constant 2 : i32
    %barrier3A_18 = arith.constant 0 : index
    tpu.barrier barrier_id(%barrier3A_18)
    %add3A_19 = arith.constant 0 : i32
    %add3A_20 = arith.addi %mul3A_2, %add3A_19 : i32
    "tpu.region"() ({
      %run_scoped3A = tpu.sem_alloc : memref<!tpu.dma_semaphore, #tpu.memory_space<semaphore_mem>>
      %dma_start3A = arith.constant 0 : i32
      %dma_start3A_54 = tpu.memref_slice %arg15[%add3A_20, %dma_start3A] : memref<10240x128xf32, #tpu.memory_space<vmem_shared>> -> memref<128x128xf32, #tpu.memory_space<vmem_shared>>
      %dma_start3A_55 = arith.constant 0 : i32
      %dma_start3A_56 = tpu.memref_slice %arg15[%add3A_20, %dma_start3A_55] : memref<10240x128xf32, #tpu.memory_space<vmem_shared>> -> memref<128x128xf32, #tpu.memory_space<vmem_shared>>
      tpu.enqueue_dma source(%dma_start3A_56 : memref<128x128xf32, #tpu.memory_space<vmem_shared>>) target(%arg9 : memref<128x128xf32, #tpu.memory_space<vmem>>) target_semaphore(%run_scoped3A : memref<!tpu.dma_semaphore, #tpu.memory_space<semaphore_mem>>)
      %dma_wait3A = arith.constant 0 : i32
      %dma_wait3A_57 = tpu.memref_slice %arg15[%add3A_20, %dma_wait3A] : memref<10240x128xf32, #tpu.memory_space<vmem_shared>> -> memref<128x128xf32, #tpu.memory_space<vmem_shared>>
      %dma_wait3A_58 = arith.constant 0 : i32
      %dma_wait3A_59 = tpu.memref_slice %arg15[%add3A_20, %dma_wait3A_58] : memref<10240x128xf32, #tpu.memory_space<vmem_shared>> -> memref<128x128xf32, #tpu.memory_space<vmem_shared>>
      tpu.wait_dma2 semaphore(%run_scoped3A : memref<!tpu.dma_semaphore, #tpu.memory_space<semaphore_mem>>) src(%dma_wait3A_59 : memref<128x128xf32, #tpu.memory_space<vmem_shared>>) dst(%arg9 : memref<128x128xf32, #tpu.memory_space<vmem>>)
      tpu.yield
    }) : () -> ()
    %mul3A_21 = arith.constant 10240 : i32
    %mul3A_22 = arith.muli %arg0, %mul3A_21 : i32
    %add3A_23 = arith.addi %mul3A_22, %mul3A_2 : i32
    %add3A_24 = arith.constant 0 : i32
    %add3A_25 = arith.addi %add3A_23, %add3A_24 : i32
    "tpu.region"() ({
      %run_scoped3A = tpu.sem_alloc : memref<!tpu.dma_semaphore, #tpu.memory_space<semaphore_mem>>
      %dma_start3A = arith.constant 0 : i32
      %dma_start3A_54 = tpu.memref_slice %arg6[%add3A_25, %dma_start3A] : memref<20480x128xf32, #tpu.memory_space<hbm>> -> memref<128x128xf32, #tpu.memory_space<hbm>>
      %dma_start3A_55 = arith.constant 0 : i32
      %dma_start3A_56 = tpu.memref_slice %arg6[%add3A_25, %dma_start3A_55] : memref<20480x128xf32, #tpu.memory_space<hbm>> -> memref<128x128xf32, #tpu.memory_space<hbm>>
      tpu.enqueue_dma source(%arg9 : memref<128x128xf32, #tpu.memory_space<vmem>>) target(%dma_start3A_56 : memref<128x128xf32, #tpu.memory_space<hbm>>) target_semaphore(%run_scoped3A : memref<!tpu.dma_semaphore, #tpu.memory_space<semaphore_mem>>)
      %dma_wait3A = arith.constant 0 : i32
      %dma_wait3A_57 = tpu.memref_slice %arg6[%add3A_25, %dma_wait3A] : memref<20480x128xf32, #tpu.memory_space<hbm>> -> memref<128x128xf32, #tpu.memory_space<hbm>>
      %dma_wait3A_58 = arith.constant 0 : i32
      %dma_wait3A_59 = tpu.memref_slice %arg6[%add3A_25, %dma_wait3A_58] : memref<20480x128xf32, #tpu.memory_space<hbm>> -> memref<128x128xf32, #tpu.memory_space<hbm>>
      tpu.wait_dma2 semaphore(%run_scoped3A : memref<!tpu.dma_semaphore, #tpu.memory_space<semaphore_mem>>) src(%arg9 : memref<128x128xf32, #tpu.memory_space<vmem>>) dst(%dma_wait3A_59 : memref<128x128xf32, #tpu.memory_space<hbm>>)
      tpu.yield
    }) : () -> ()
    %add3A_26 = arith.constant 128 : i32
    %add3A_27 = arith.addi %mul3A_2, %add3A_26 : i32
    "tpu.region"() ({
      %run_scoped3A = tpu.sem_alloc : memref<!tpu.dma_semaphore, #tpu.memory_space<semaphore_mem>>
      %dma_start3A = arith.constant 0 : i32
      %dma_start3A_54 = tpu.memref_slice %arg15[%add3A_27, %dma_start3A] : memref<10240x128xf32, #tpu.memory_space<vmem_shared>> -> memref<128x128xf32, #tpu.memory_space<vmem_shared>>
      %dma_start3A_55 = arith.constant 0 : i32
      %dma_start3A_56 = tpu.memref_slice %arg15[%add3A_27, %dma_start3A_55] : memref<10240x128xf32, #tpu.memory_space<vmem_shared>> -> memref<128x128xf32, #tpu.memory_space<vmem_shared>>
      tpu.enqueue_dma source(%dma_start3A_56 : memref<128x128xf32, #tpu.memory_space<vmem_shared>>) target(%arg9 : memref<128x128xf32, #tpu.memory_space<vmem>>) target_semaphore(%run_scoped3A : memref<!tpu.dma_semaphore, #tpu.memory_space<semaphore_mem>>)
      %dma_wait3A = arith.constant 0 : i32
      %dma_wait3A_57 = tpu.memref_slice %arg15[%add3A_27, %dma_wait3A] : memref<10240x128xf32, #tpu.memory_space<vmem_shared>> -> memref<128x128xf32, #tpu.memory_space<vmem_shared>>
      %dma_wait3A_58 = arith.constant 0 : i32
      %dma_wait3A_59 = tpu.memref_slice %arg15[%add3A_27, %dma_wait3A_58] : memref<10240x128xf32, #tpu.memory_space<vmem_shared>> -> memref<128x128xf32, #tpu.memory_space<vmem_shared>>
      tpu.wait_dma2 semaphore(%run_scoped3A : memref<!tpu.dma_semaphore, #tpu.memory_space<semaphore_mem>>) src(%dma_wait3A_59 : memref<128x128xf32, #tpu.memory_space<vmem_shared>>) dst(%arg9 : memref<128x128xf32, #tpu.memory_space<vmem>>)
      tpu.yield
    }) : () -> ()
    %mul3A_28 = arith.constant 10240 : i32
    %mul3A_29 = arith.muli %arg0, %mul3A_28 : i32
    %add3A_30 = arith.addi %mul3A_29, %mul3A_2 : i32
    %add3A_31 = arith.constant 128 : i32
    %add3A_32 = arith.addi %add3A_30, %add3A_31 : i32
    "tpu.region"() ({
      %run_scoped3A = tpu.sem_alloc : memref<!tpu.dma_semaphore, #tpu.memory_space<semaphore_mem>>
      %dma_start3A = arith.constant 0 : i32
      %dma_start3A_54 = tpu.memref_slice %arg6[%add3A_32, %dma_start3A] : memref<20480x128xf32, #tpu.memory_space<hbm>> -> memref<128x128xf32, #tpu.memory_space<hbm>>
      %dma_start3A_55 = arith.constant 0 : i32
      %dma_start3A_56 = tpu.memref_slice %arg6[%add3A_32, %dma_start3A_55] : memref<20480x128xf32, #tpu.memory_space<hbm>> -> memref<128x128xf32, #tpu.memory_space<hbm>>
      tpu.enqueue_dma source(%arg9 : memref<128x128xf32, #tpu.memory_space<vmem>>) target(%dma_start3A_56 : memref<128x128xf32, #tpu.memory_space<hbm>>) target_semaphore(%run_scoped3A : memref<!tpu.dma_semaphore, #tpu.memory_space<semaphore_mem>>)
      %dma_wait3A = arith.constant 0 : i32
      %dma_wait3A_57 = tpu.memref_slice %arg6[%add3A_32, %dma_wait3A] : memref<20480x128xf32, #tpu.memory_space<hbm>> -> memref<128x128xf32, #tpu.memory_space<hbm>>
      %dma_wait3A_58 = arith.constant 0 : i32
      %dma_wait3A_59 = tpu.memref_slice %arg6[%add3A_32, %dma_wait3A_58] : memref<20480x128xf32, #tpu.memory_space<hbm>> -> memref<128x128xf32, #tpu.memory_space<hbm>>
      tpu.wait_dma2 semaphore(%run_scoped3A : memref<!tpu.dma_semaphore, #tpu.memory_space<semaphore_mem>>) src(%arg9 : memref<128x128xf32, #tpu.memory_space<vmem>>) dst(%dma_wait3A_59 : memref<128x128xf32, #tpu.memory_space<hbm>>)
      tpu.yield
    }) : () -> ()
    %add3A_33 = arith.constant 256 : i32
    %add3A_34 = arith.addi %mul3A_2, %add3A_33 : i32
    "tpu.region"() ({
      %run_scoped3A = tpu.sem_alloc : memref<!tpu.dma_semaphore, #tpu.memory_space<semaphore_mem>>
      %dma_start3A = arith.constant 0 : i32
      %dma_start3A_54 = tpu.memref_slice %arg15[%add3A_34, %dma_start3A] : memref<10240x128xf32, #tpu.memory_space<vmem_shared>> -> memref<128x128xf32, #tpu.memory_space<vmem_shared>>
      %dma_start3A_55 = arith.constant 0 : i32
      %dma_start3A_56 = tpu.memref_slice %arg15[%add3A_34, %dma_start3A_55] : memref<10240x128xf32, #tpu.memory_space<vmem_shared>> -> memref<128x128xf32, #tpu.memory_space<vmem_shared>>
      tpu.enqueue_dma source(%dma_start3A_56 : memref<128x128xf32, #tpu.memory_space<vmem_shared>>) target(%arg9 : memref<128x128xf32, #tpu.memory_space<vmem>>) target_semaphore(%run_scoped3A : memref<!tpu.dma_semaphore, #tpu.memory_space<semaphore_mem>>)
      %dma_wait3A = arith.constant 0 : i32
      %dma_wait3A_57 = tpu.memref_slice %arg15[%add3A_34, %dma_wait3A] : memref<10240x128xf32, #tpu.memory_space<vmem_shared>> -> memref<128x128xf32, #tpu.memory_space<vmem_shared>>
      %dma_wait3A_58 = arith.constant 0 : i32
      %dma_wait3A_59 = tpu.memref_slice %arg15[%add3A_34, %dma_wait3A_58] : memref<10240x128xf32, #tpu.memory_space<vmem_shared>> -> memref<128x128xf32, #tpu.memory_space<vmem_shared>>
      tpu.wait_dma2 semaphore(%run_scoped3A : memref<!tpu.dma_semaphore, #tpu.memory_space<semaphore_mem>>) src(%dma_wait3A_59 : memref<128x128xf32, #tpu.memory_space<vmem_shared>>) dst(%arg9 : memref<128x128xf32, #tpu.memory_space<vmem>>)
      tpu.yield
    }) : () -> ()
    %mul3A_35 = arith.constant 10240 : i32
    %mul3A_36 = arith.muli %arg0, %mul3A_35 : i32
    %add3A_37 = arith.addi %mul3A_36, %mul3A_2 : i32
    %add3A_38 = arith.constant 256 : i32
    %add3A_39 = arith.addi %add3A_37, %add3A_38 : i32
    "tpu.region"() ({
      %run_scoped3A = tpu.sem_alloc : memref<!tpu.dma_semaphore, #tpu.memory_space<semaphore_mem>>
      %dma_start3A = arith.constant 0 : i32
      %dma_start3A_54 = tpu.memref_slice %arg6[%add3A_39, %dma_start3A] : memref<20480x128xf32, #tpu.memory_space<hbm>> -> memref<128x128xf32, #tpu.memory_space<hbm>>
      %dma_start3A_55 = arith.constant 0 : i32
      %dma_start3A_56 = tpu.memref_slice %arg6[%add3A_39, %dma_start3A_55] : memref<20480x128xf32, #tpu.memory_space<hbm>> -> memref<128x128xf32, #tpu.memory_space<hbm>>
      tpu.enqueue_dma source(%arg9 : memref<128x128xf32, #tpu.memory_space<vmem>>) target(%dma_start3A_56 : memref<128x128xf32, #tpu.memory_space<hbm>>) target_semaphore(%run_scoped3A : memref<!tpu.dma_semaphore, #tpu.memory_space<semaphore_mem>>)
      %dma_wait3A = arith.constant 0 : i32
      %dma_wait3A_57 = tpu.memref_slice %arg6[%add3A_39, %dma_wait3A] : memref<20480x128xf32, #tpu.memory_space<hbm>> -> memref<128x128xf32, #tpu.memory_space<hbm>>
      %dma_wait3A_58 = arith.constant 0 : i32
      %dma_wait3A_59 = tpu.memref_slice %arg6[%add3A_39, %dma_wait3A_58] : memref<20480x128xf32, #tpu.memory_space<hbm>> -> memref<128x128xf32, #tpu.memory_space<hbm>>
      tpu.wait_dma2 semaphore(%run_scoped3A : memref<!tpu.dma_semaphore, #tpu.memory_space<semaphore_mem>>) src(%arg9 : memref<128x128xf32, #tpu.memory_space<vmem>>) dst(%dma_wait3A_59 : memref<128x128xf32, #tpu.memory_space<hbm>>)
      tpu.yield
    }) : () -> ()
    %add3A_40 = arith.constant 384 : i32
    %add3A_41 = arith.addi %mul3A_2, %add3A_40 : i32
    "tpu.region"() ({
      %run_scoped3A = tpu.sem_alloc : memref<!tpu.dma_semaphore, #tpu.memory_space<semaphore_mem>>
      %dma_start3A = arith.constant 0 : i32
      %dma_start3A_54 = tpu.memref_slice %arg15[%add3A_41, %dma_start3A] : memref<10240x128xf32, #tpu.memory_space<vmem_shared>> -> memref<128x128xf32, #tpu.memory_space<vmem_shared>>
      %dma_start3A_55 = arith.constant 0 : i32
      %dma_start3A_56 = tpu.memref_slice %arg15[%add3A_41, %dma_start3A_55] : memref<10240x128xf32, #tpu.memory_space<vmem_shared>> -> memref<128x128xf32, #tpu.memory_space<vmem_shared>>
      tpu.enqueue_dma source(%dma_start3A_56 : memref<128x128xf32, #tpu.memory_space<vmem_shared>>) target(%arg9 : memref<128x128xf32, #tpu.memory_space<vmem>>) target_semaphore(%run_scoped3A : memref<!tpu.dma_semaphore, #tpu.memory_space<semaphore_mem>>)
      %dma_wait3A = arith.constant 0 : i32
      %dma_wait3A_57 = tpu.memref_slice %arg15[%add3A_41, %dma_wait3A] : memref<10240x128xf32, #tpu.memory_space<vmem_shared>> -> memref<128x128xf32, #tpu.memory_space<vmem_shared>>
      %dma_wait3A_58 = arith.constant 0 : i32
      %dma_wait3A_59 = tpu.memref_slice %arg15[%add3A_41, %dma_wait3A_58] : memref<10240x128xf32, #tpu.memory_space<vmem_shared>> -> memref<128x128xf32, #tpu.memory_space<vmem_shared>>
      tpu.wait_dma2 semaphore(%run_scoped3A : memref<!tpu.dma_semaphore, #tpu.memory_space<semaphore_mem>>) src(%dma_wait3A_59 : memref<128x128xf32, #tpu.memory_space<vmem_shared>>) dst(%arg9 : memref<128x128xf32, #tpu.memory_space<vmem>>)
      tpu.yield
    }) : () -> ()
    %mul3A_42 = arith.constant 10240 : i32
    %mul3A_43 = arith.muli %arg0, %mul3A_42 : i32
    %add3A_44 = arith.addi %mul3A_43, %mul3A_2 : i32
    %add3A_45 = arith.constant 384 : i32
    %add3A_46 = arith.addi %add3A_44, %add3A_45 : i32
    "tpu.region"() ({
      %run_scoped3A = tpu.sem_alloc : memref<!tpu.dma_semaphore, #tpu.memory_space<semaphore_mem>>
      %dma_start3A = arith.constant 0 : i32
      %dma_start3A_54 = tpu.memref_slice %arg6[%add3A_46, %dma_start3A] : memref<20480x128xf32, #tpu.memory_space<hbm>> -> memref<128x128xf32, #tpu.memory_space<hbm>>
      %dma_start3A_55 = arith.constant 0 : i32
      %dma_start3A_56 = tpu.memref_slice %arg6[%add3A_46, %dma_start3A_55] : memref<20480x128xf32, #tpu.memory_space<hbm>> -> memref<128x128xf32, #tpu.memory_space<hbm>>
      tpu.enqueue_dma source(%arg9 : memref<128x128xf32, #tpu.memory_space<vmem>>) target(%dma_start3A_56 : memref<128x128xf32, #tpu.memory_space<hbm>>) target_semaphore(%run_scoped3A : memref<!tpu.dma_semaphore, #tpu.memory_space<semaphore_mem>>)
      %dma_wait3A = arith.constant 0 : i32
      %dma_wait3A_57 = tpu.memref_slice %arg6[%add3A_46, %dma_wait3A] : memref<20480x128xf32, #tpu.memory_space<hbm>> -> memref<128x128xf32, #tpu.memory_space<hbm>>
      %dma_wait3A_58 = arith.constant 0 : i32
      %dma_wait3A_59 = tpu.memref_slice %arg6[%add3A_46, %dma_wait3A_58] : memref<20480x128xf32, #tpu.memory_space<hbm>> -> memref<128x128xf32, #tpu.memory_space<hbm>>
      tpu.wait_dma2 semaphore(%run_scoped3A : memref<!tpu.dma_semaphore, #tpu.memory_space<semaphore_mem>>) src(%arg9 : memref<128x128xf32, #tpu.memory_space<vmem>>) dst(%dma_wait3A_59 : memref<128x128xf32, #tpu.memory_space<hbm>>)
      tpu.yield
    }) : () -> ()
    %add3A_47 = arith.constant 512 : i32
    %add3A_48 = arith.addi %mul3A_2, %add3A_47 : i32
    "tpu.region"() ({
      %run_scoped3A = tpu.sem_alloc : memref<!tpu.dma_semaphore, #tpu.memory_space<semaphore_mem>>
      %dma_start3A = arith.constant 0 : i32
      %dma_start3A_54 = tpu.memref_slice %arg15[%add3A_48, %dma_start3A] : memref<10240x128xf32, #tpu.memory_space<vmem_shared>> -> memref<128x128xf32, #tpu.memory_space<vmem_shared>>
      %dma_start3A_55 = arith.constant 0 : i32
      %dma_start3A_56 = tpu.memref_slice %arg15[%add3A_48, %dma_start3A_55] : memref<10240x128xf32, #tpu.memory_space<vmem_shared>> -> memref<128x128xf32, #tpu.memory_space<vmem_shared>>
      tpu.enqueue_dma source(%dma_start3A_56 : memref<128x128xf32, #tpu.memory_space<vmem_shared>>) target(%arg9 : memref<128x128xf32, #tpu.memory_space<vmem>>) target_semaphore(%run_scoped3A : memref<!tpu.dma_semaphore, #tpu.memory_space<semaphore_mem>>)
      %dma_wait3A = arith.constant 0 : i32
      %dma_wait3A_57 = tpu.memref_slice %arg15[%add3A_48, %dma_wait3A] : memref<10240x128xf32, #tpu.memory_space<vmem_shared>> -> memref<128x128xf32, #tpu.memory_space<vmem_shared>>
      %dma_wait3A_58 = arith.constant 0 : i32
      %dma_wait3A_59 = tpu.memref_slice %arg15[%add3A_48, %dma_wait3A_58] : memref<10240x128xf32, #tpu.memory_space<vmem_shared>> -> memref<128x128xf32, #tpu.memory_space<vmem_shared>>
      tpu.wait_dma2 semaphore(%run_scoped3A : memref<!tpu.dma_semaphore, #tpu.memory_space<semaphore_mem>>) src(%dma_wait3A_59 : memref<128x128xf32, #tpu.memory_space<vmem_shared>>) dst(%arg9 : memref<128x128xf32, #tpu.memory_space<vmem>>)
      tpu.yield
    }) : () -> ()
    %mul3A_49 = arith.constant 10240 : i32
    %mul3A_50 = arith.muli %arg0, %mul3A_49 : i32
    %add3A_51 = arith.addi %mul3A_50, %mul3A_2 : i32
    %add3A_52 = arith.constant 512 : i32
    %add3A_53 = arith.addi %add3A_51, %add3A_52 : i32
    "tpu.region"() ({
      %run_scoped3A = tpu.sem_alloc : memref<!tpu.dma_semaphore, #tpu.memory_space<semaphore_mem>>
      %dma_start3A = arith.constant 0 : i32
      %dma_start3A_54 = tpu.memref_slice %arg6[%add3A_53, %dma_start3A] : memref<20480x128xf32, #tpu.memory_space<hbm>> -> memref<128x128xf32, #tpu.memory_space<hbm>>
      %dma_start3A_55 = arith.constant 0 : i32
      %dma_start3A_56 = tpu.memref_slice %arg6[%add3A_53, %dma_start3A_55] : memref<20480x128xf32, #tpu.memory_space<hbm>> -> memref<128x128xf32, #tpu.memory_space<hbm>>
      tpu.enqueue_dma source(%arg9 : memref<128x128xf32, #tpu.memory_space<vmem>>) target(%dma_start3A_56 : memref<128x128xf32, #tpu.memory_space<hbm>>) target_semaphore(%run_scoped3A : memref<!tpu.dma_semaphore, #tpu.memory_space<semaphore_mem>>)
      %dma_wait3A = arith.constant 0 : i32
      %dma_wait3A_57 = tpu.memref_slice %arg6[%add3A_53, %dma_wait3A] : memref<20480x128xf32, #tpu.memory_space<hbm>> -> memref<128x128xf32, #tpu.memory_space<hbm>>
      %dma_wait3A_58 = arith.constant 0 : i32
      %dma_wait3A_59 = tpu.memref_slice %arg6[%add3A_53, %dma_wait3A_58] : memref<20480x128xf32, #tpu.memory_space<hbm>> -> memref<128x128xf32, #tpu.memory_space<hbm>>
      tpu.wait_dma2 semaphore(%run_scoped3A : memref<!tpu.dma_semaphore, #tpu.memory_space<semaphore_mem>>) src(%arg9 : memref<128x128xf32, #tpu.memory_space<vmem>>) dst(%dma_wait3A_59 : memref<128x128xf32, #tpu.memory_space<hbm>>)
      tpu.yield
    }) : () -> ()
    return
  }
}

#map = affine_map<(d0, d1) -> (0, 0)>
#map1 = affine_map<(d0, d1) -> (0, 0, 0)>
module attributes {stable_mosaic.version = 14 : i64} {
  func.func @_spmv_kernel(%arg0: i32, %arg1: i32, %arg2: memref<10240x128xf32, #tpu.memory_space<hbm>>, %arg3: memref<32x80x128xi32, #tpu.memory_space<hbm>>, %arg4: memref<32x80x128xi32, #tpu.memory_space<hbm>>, %arg5: memref<128x128xf32, #tpu.memory_space<hbm>>, %arg6: memref<20480x128xf32, #tpu.memory_space<hbm>>, %arg7: memref<40x128xi32, #tpu.memory_space<vmem>>, %arg8: memref<40x128xi32, #tpu.memory_space<vmem>>, %arg9: memref<128x128xf32, #tpu.memory_space<vmem>>, %arg10: memref<128x128xf32, #tpu.memory_space<vmem>>, %arg11: memref<!tpu.dma_semaphore, #tpu.memory_space<semaphore_mem>>, %arg12: memref<!tpu.dma_semaphore, #tpu.memory_space<semaphore_mem>>, %arg13: memref<!tpu.dma_semaphore, #tpu.memory_space<semaphore_mem>>, %arg14: memref<!tpu.dma_semaphore, #tpu.memory_space<semaphore_mem>>, %arg15: memref<10240x128xf32, #tpu.memory_space<vmem_shared>>) attributes {dimension_semantics = [#tpu.dimension_semantics<core_parallel>, #tpu.dimension_semantics<subcore_parallel>], iteration_bounds = array<i64: 2, 16>, scalar_prefetch = 0 : i64, scratch_operands = 9 : i64, tpu.core_type = #tpu.core_type<sc_vector_subcore>, window_params = [{transform_indices = #map}, {transform_indices = #map1}, {transform_indices = #map1}, {transform_indices = #map}, {transform_indices = #map}]} {
    %mul3A = arith.constant 2 : i32
    %mul3A_0 = arith.muli %arg1, %mul3A : i32
    %add3A = arith.addi %mul3A_0, %arg0 : i32
    %mul3A_1 = arith.constant 640 : i32
    %mul3A_2 = arith.muli %arg1, %mul3A_1 : i32
    "tpu.region"() ({
      %run_scoped3A = tpu.sem_alloc : memref<!tpu.dma_semaphore, #tpu.memory_space<semaphore_mem>>
      tpu.enqueue_dma source(%arg5 : memref<128x128xf32, #tpu.memory_space<hbm>>) target(%arg9 : memref<128x128xf32, #tpu.memory_space<vmem>>) target_semaphore(%run_scoped3A : memref<!tpu.dma_semaphore, #tpu.memory_space<semaphore_mem>>)
      tpu.wait_dma2 semaphore(%run_scoped3A : memref<!tpu.dma_semaphore, #tpu.memory_space<semaphore_mem>>) src(%arg5 : memref<128x128xf32, #tpu.memory_space<hbm>>) dst(%arg9 : memref<128x128xf32, #tpu.memory_space<vmem>>)
      tpu.yield
    }) : () -> ()
    %add3A_3 = arith.constant 0 : i32
    %add3A_4 = arith.addi %mul3A_2, %add3A_3 : i32
    "tpu.region"() ({
      %run_scoped3A = tpu.sem_alloc : memref<!tpu.dma_semaphore, #tpu.memory_space<semaphore_mem>>
      %dma_start3A = arith.constant 0 : i32
      %dma_start3A_54 = tpu.memref_slice %arg15[%add3A_4, %dma_start3A] : memref<10240x128xf32, #tpu.memory_space<vmem_shared>> -> memref<128x128xf32, #tpu.memory_space<vmem_shared>>
      %dma_start3A_55 = arith.constant 0 : i32
      %dma_start3A_56 = tpu.memref_slice %arg15[%add3A_4, %dma_start3A_55] : memref<10240x128xf32, #tpu.memory_space<vmem_shared>> -> memref<128x128xf32, #tpu.memory_space<vmem_shared>>
      tpu.enqueue_dma source(%arg9 : memref<128x128xf32, #tpu.memory_space<vmem>>) target(%dma_start3A_56 : memref<128x128xf32, #tpu.memory_space<vmem_shared>>) target_semaphore(%run_scoped3A : memref<!tpu.dma_semaphore, #tpu.memory_space<semaphore_mem>>)
      %dma_wait3A = arith.constant 0 : i32
      %dma_wait3A_57 = tpu.memref_slice %arg15[%add3A_4, %dma_wait3A] : memref<10240x128xf32, #tpu.memory_space<vmem_shared>> -> memref<128x128xf32, #tpu.memory_space<vmem_shared>>
      %dma_wait3A_58 = arith.constant 0 : i32
      %dma_wait3A_59 = tpu.memref_slice %arg15[%add3A_4, %dma_wait3A_58] : memref<10240x128xf32, #tpu.memory_space<vmem_shared>> -> memref<128x128xf32, #tpu.memory_space<vmem_shared>>
      tpu.wait_dma2 semaphore(%run_scoped3A : memref<!tpu.dma_semaphore, #tpu.memory_space<semaphore_mem>>) src(%arg9 : memref<128x128xf32, #tpu.memory_space<vmem>>) dst(%dma_wait3A_59 : memref<128x128xf32, #tpu.memory_space<vmem_shared>>)
      tpu.yield
    }) : () -> ()
    %add3A_5 = arith.constant 128 : i32
    %add3A_6 = arith.addi %mul3A_2, %add3A_5 : i32
    "tpu.region"() ({
      %run_scoped3A = tpu.sem_alloc : memref<!tpu.dma_semaphore, #tpu.memory_space<semaphore_mem>>
      %dma_start3A = arith.constant 0 : i32
      %dma_start3A_54 = tpu.memref_slice %arg15[%add3A_6, %dma_start3A] : memref<10240x128xf32, #tpu.memory_space<vmem_shared>> -> memref<128x128xf32, #tpu.memory_space<vmem_shared>>
      %dma_start3A_55 = arith.constant 0 : i32
      %dma_start3A_56 = tpu.memref_slice %arg15[%add3A_6, %dma_start3A_55] : memref<10240x128xf32, #tpu.memory_space<vmem_shared>> -> memref<128x128xf32, #tpu.memory_space<vmem_shared>>
      tpu.enqueue_dma source(%arg9 : memref<128x128xf32, #tpu.memory_space<vmem>>) target(%dma_start3A_56 : memref<128x128xf32, #tpu.memory_space<vmem_shared>>) target_semaphore(%run_scoped3A : memref<!tpu.dma_semaphore, #tpu.memory_space<semaphore_mem>>)
      %dma_wait3A = arith.constant 0 : i32
      %dma_wait3A_57 = tpu.memref_slice %arg15[%add3A_6, %dma_wait3A] : memref<10240x128xf32, #tpu.memory_space<vmem_shared>> -> memref<128x128xf32, #tpu.memory_space<vmem_shared>>
      %dma_wait3A_58 = arith.constant 0 : i32
      %dma_wait3A_59 = tpu.memref_slice %arg15[%add3A_6, %dma_wait3A_58] : memref<10240x128xf32, #tpu.memory_space<vmem_shared>> -> memref<128x128xf32, #tpu.memory_space<vmem_shared>>
      tpu.wait_dma2 semaphore(%run_scoped3A : memref<!tpu.dma_semaphore, #tpu.memory_space<semaphore_mem>>) src(%arg9 : memref<128x128xf32, #tpu.memory_space<vmem>>) dst(%dma_wait3A_59 : memref<128x128xf32, #tpu.memory_space<vmem_shared>>)
      tpu.yield
    }) : () -> ()
    %add3A_7 = arith.constant 256 : i32
    %add3A_8 = arith.addi %mul3A_2, %add3A_7 : i32
    "tpu.region"() ({
      %run_scoped3A = tpu.sem_alloc : memref<!tpu.dma_semaphore, #tpu.memory_space<semaphore_mem>>
      %dma_start3A = arith.constant 0 : i32
      %dma_start3A_54 = tpu.memref_slice %arg15[%add3A_8, %dma_start3A] : memref<10240x128xf32, #tpu.memory_space<vmem_shared>> -> memref<128x128xf32, #tpu.memory_space<vmem_shared>>
      %dma_start3A_55 = arith.constant 0 : i32
      %dma_start3A_56 = tpu.memref_slice %arg15[%add3A_8, %dma_start3A_55] : memref<10240x128xf32, #tpu.memory_space<vmem_shared>> -> memref<128x128xf32, #tpu.memory_space<vmem_shared>>
      tpu.enqueue_dma source(%arg9 : memref<128x128xf32, #tpu.memory_space<vmem>>) target(%dma_start3A_56 : memref<128x128xf32, #tpu.memory_space<vmem_shared>>) target_semaphore(%run_scoped3A : memref<!tpu.dma_semaphore, #tpu.memory_space<semaphore_mem>>)
      %dma_wait3A = arith.constant 0 : i32
      %dma_wait3A_57 = tpu.memref_slice %arg15[%add3A_8, %dma_wait3A] : memref<10240x128xf32, #tpu.memory_space<vmem_shared>> -> memref<128x128xf32, #tpu.memory_space<vmem_shared>>
      %dma_wait3A_58 = arith.constant 0 : i32
      %dma_wait3A_59 = tpu.memref_slice %arg15[%add3A_8, %dma_wait3A_58] : memref<10240x128xf32, #tpu.memory_space<vmem_shared>> -> memref<128x128xf32, #tpu.memory_space<vmem_shared>>
      tpu.wait_dma2 semaphore(%run_scoped3A : memref<!tpu.dma_semaphore, #tpu.memory_space<semaphore_mem>>) src(%arg9 : memref<128x128xf32, #tpu.memory_space<vmem>>) dst(%dma_wait3A_59 : memref<128x128xf32, #tpu.memory_space<vmem_shared>>)
      tpu.yield
    }) : () -> ()
    %add3A_9 = arith.constant 384 : i32
    %add3A_10 = arith.addi %mul3A_2, %add3A_9 : i32
    "tpu.region"() ({
      %run_scoped3A = tpu.sem_alloc : memref<!tpu.dma_semaphore, #tpu.memory_space<semaphore_mem>>
      %dma_start3A = arith.constant 0 : i32
      %dma_start3A_54 = tpu.memref_slice %arg15[%add3A_10, %dma_start3A] : memref<10240x128xf32, #tpu.memory_space<vmem_shared>> -> memref<128x128xf32, #tpu.memory_space<vmem_shared>>
      %dma_start3A_55 = arith.constant 0 : i32
      %dma_start3A_56 = tpu.memref_slice %arg15[%add3A_10, %dma_start3A_55] : memref<10240x128xf32, #tpu.memory_space<vmem_shared>> -> memref<128x128xf32, #tpu.memory_space<vmem_shared>>
      tpu.enqueue_dma source(%arg9 : memref<128x128xf32, #tpu.memory_space<vmem>>) target(%dma_start3A_56 : memref<128x128xf32, #tpu.memory_space<vmem_shared>>) target_semaphore(%run_scoped3A : memref<!tpu.dma_semaphore, #tpu.memory_space<semaphore_mem>>)
      %dma_wait3A = arith.constant 0 : i32
      %dma_wait3A_57 = tpu.memref_slice %arg15[%add3A_10, %dma_wait3A] : memref<10240x128xf32, #tpu.memory_space<vmem_shared>> -> memref<128x128xf32, #tpu.memory_space<vmem_shared>>
      %dma_wait3A_58 = arith.constant 0 : i32
      %dma_wait3A_59 = tpu.memref_slice %arg15[%add3A_10, %dma_wait3A_58] : memref<10240x128xf32, #tpu.memory_space<vmem_shared>> -> memref<128x128xf32, #tpu.memory_space<vmem_shared>>
      tpu.wait_dma2 semaphore(%run_scoped3A : memref<!tpu.dma_semaphore, #tpu.memory_space<semaphore_mem>>) src(%arg9 : memref<128x128xf32, #tpu.memory_space<vmem>>) dst(%dma_wait3A_59 : memref<128x128xf32, #tpu.memory_space<vmem_shared>>)
      tpu.yield
    }) : () -> ()
    %add3A_11 = arith.constant 512 : i32
    %add3A_12 = arith.addi %mul3A_2, %add3A_11 : i32
    "tpu.region"() ({
      %run_scoped3A = tpu.sem_alloc : memref<!tpu.dma_semaphore, #tpu.memory_space<semaphore_mem>>
      %dma_start3A = arith.constant 0 : i32
      %dma_start3A_54 = tpu.memref_slice %arg15[%add3A_12, %dma_start3A] : memref<10240x128xf32, #tpu.memory_space<vmem_shared>> -> memref<128x128xf32, #tpu.memory_space<vmem_shared>>
      %dma_start3A_55 = arith.constant 0 : i32
      %dma_start3A_56 = tpu.memref_slice %arg15[%add3A_12, %dma_start3A_55] : memref<10240x128xf32, #tpu.memory_space<vmem_shared>> -> memref<128x128xf32, #tpu.memory_space<vmem_shared>>
      tpu.enqueue_dma source(%arg9 : memref<128x128xf32, #tpu.memory_space<vmem>>) target(%dma_start3A_56 : memref<128x128xf32, #tpu.memory_space<vmem_shared>>) target_semaphore(%run_scoped3A : memref<!tpu.dma_semaphore, #tpu.memory_space<semaphore_mem>>)
      %dma_wait3A = arith.constant 0 : i32
      %dma_wait3A_57 = tpu.memref_slice %arg15[%add3A_12, %dma_wait3A] : memref<10240x128xf32, #tpu.memory_space<vmem_shared>> -> memref<128x128xf32, #tpu.memory_space<vmem_shared>>
      %dma_wait3A_58 = arith.constant 0 : i32
      %dma_wait3A_59 = tpu.memref_slice %arg15[%add3A_12, %dma_wait3A_58] : memref<10240x128xf32, #tpu.memory_space<vmem_shared>> -> memref<128x128xf32, #tpu.memory_space<vmem_shared>>
      tpu.wait_dma2 semaphore(%run_scoped3A : memref<!tpu.dma_semaphore, #tpu.memory_space<semaphore_mem>>) src(%arg9 : memref<128x128xf32, #tpu.memory_space<vmem>>) dst(%dma_wait3A_59 : memref<128x128xf32, #tpu.memory_space<vmem_shared>>)
      tpu.yield
    }) : () -> ()
    %barrier3A = arith.constant 0 : index
    tpu.barrier barrier_id(%barrier3A)
    %scan3A = arith.constant 0 : i32
    %scan3A_13 = arith.constant 0 : i32
    %scan3A_14 = arith.constant 2 : i32
    %scan3A_15 = arith.addi %scan3A_13, %scan3A_14 : i32
    %scan3A_16 = arith.constant 1 : i32
    scf.for %scan3A_54 = %scan3A_13 to %scan3A_15 step %scan3A_16  : i32 {
      %mul3A_55 = arith.constant 40 : i32
      %mul3A_56 = arith.muli %scan3A_54, %mul3A_55 : i32
      "tpu.region"() ({
        %run_scoped3A = tpu.sem_alloc : memref<!tpu.dma_semaphore, #tpu.memory_space<semaphore_mem>>
        %dma_start3A_77 = arith.constant 0 : i32
        %dma_start3A_78 = arith.constant 0 : i32
        %dma_start3A_79 = tpu.memref_slice %arg3[%add3A, %dma_start3A_77, %dma_start3A_78] : memref<32x80x128xi32, #tpu.memory_space<hbm>> -> memref<1x80x128xi32, #tpu.memory_space<hbm>>
        %dma_start3A_80 = tpu.memref_squeeze %dma_start3A_79 : memref<1x80x128xi32, #tpu.memory_space<hbm>> -> memref<80x128xi32, #tpu.memory_space<hbm>>
        %dma_start3A_81 = arith.constant 0 : i32
        %dma_start3A_82 = tpu.memref_slice %dma_start3A_80[%mul3A_56, %dma_start3A_81] : memref<80x128xi32, #tpu.memory_space<hbm>> -> memref<40x128xi32, #tpu.memory_space<hbm>>
        %dma_start3A_83 = arith.constant 0 : i32
        %dma_start3A_84 = arith.constant 0 : i32
        %dma_start3A_85 = tpu.memref_slice %arg3[%add3A, %dma_start3A_83, %dma_start3A_84] : memref<32x80x128xi32, #tpu.memory_space<hbm>> -> memref<1x80x128xi32, #tpu.memory_space<hbm>>
        %dma_start3A_86 = tpu.memref_squeeze %dma_start3A_85 : memref<1x80x128xi32, #tpu.memory_space<hbm>> -> memref<80x128xi32, #tpu.memory_space<hbm>>
        %dma_start3A_87 = arith.constant 0 : i32
        %dma_start3A_88 = tpu.memref_slice %dma_start3A_86[%mul3A_56, %dma_start3A_87] : memref<80x128xi32, #tpu.memory_space<hbm>> -> memref<40x128xi32, #tpu.memory_space<hbm>>
        tpu.enqueue_dma source(%dma_start3A_88 : memref<40x128xi32, #tpu.memory_space<hbm>>) target(%arg7 : memref<40x128xi32, #tpu.memory_space<vmem>>) target_semaphore(%run_scoped3A : memref<!tpu.dma_semaphore, #tpu.memory_space<semaphore_mem>>)
        %dma_wait3A_89 = arith.constant 0 : i32
        %dma_wait3A_90 = arith.constant 0 : i32
        %dma_wait3A_91 = tpu.memref_slice %arg3[%add3A, %dma_wait3A_89, %dma_wait3A_90] : memref<32x80x128xi32, #tpu.memory_space<hbm>> -> memref<1x80x128xi32, #tpu.memory_space<hbm>>
        %dma_wait3A_92 = tpu.memref_squeeze %dma_wait3A_91 : memref<1x80x128xi32, #tpu.memory_space<hbm>> -> memref<80x128xi32, #tpu.memory_space<hbm>>
        %dma_wait3A_93 = arith.constant 0 : i32
        %dma_wait3A_94 = tpu.memref_slice %dma_wait3A_92[%mul3A_56, %dma_wait3A_93] : memref<80x128xi32, #tpu.memory_space<hbm>> -> memref<40x128xi32, #tpu.memory_space<hbm>>
        %dma_wait3A_95 = arith.constant 0 : i32
        %dma_wait3A_96 = arith.constant 0 : i32
        %dma_wait3A_97 = tpu.memref_slice %arg3[%add3A, %dma_wait3A_95, %dma_wait3A_96] : memref<32x80x128xi32, #tpu.memory_space<hbm>> -> memref<1x80x128xi32, #tpu.memory_space<hbm>>
        %dma_wait3A_98 = tpu.memref_squeeze %dma_wait3A_97 : memref<1x80x128xi32, #tpu.memory_space<hbm>> -> memref<80x128xi32, #tpu.memory_space<hbm>>
        %dma_wait3A_99 = arith.constant 0 : i32
        %dma_wait3A_100 = tpu.memref_slice %dma_wait3A_98[%mul3A_56, %dma_wait3A_99] : memref<80x128xi32, #tpu.memory_space<hbm>> -> memref<40x128xi32, #tpu.memory_space<hbm>>
        tpu.wait_dma2 semaphore(%run_scoped3A : memref<!tpu.dma_semaphore, #tpu.memory_space<semaphore_mem>>) src(%dma_wait3A_100 : memref<40x128xi32, #tpu.memory_space<hbm>>) dst(%arg7 : memref<40x128xi32, #tpu.memory_space<vmem>>)
        tpu.yield
      }) : () -> ()
      %mul3A_57 = arith.constant 40 : i32
      %mul3A_58 = arith.muli %scan3A_54, %mul3A_57 : i32
      "tpu.region"() ({
        %run_scoped3A = tpu.sem_alloc : memref<!tpu.dma_semaphore, #tpu.memory_space<semaphore_mem>>
        %dma_start3A_77 = arith.constant 0 : i32
        %dma_start3A_78 = arith.constant 0 : i32
        %dma_start3A_79 = tpu.memref_slice %arg4[%add3A, %dma_start3A_77, %dma_start3A_78] : memref<32x80x128xi32, #tpu.memory_space<hbm>> -> memref<1x80x128xi32, #tpu.memory_space<hbm>>
        %dma_start3A_80 = tpu.memref_squeeze %dma_start3A_79 : memref<1x80x128xi32, #tpu.memory_space<hbm>> -> memref<80x128xi32, #tpu.memory_space<hbm>>
        %dma_start3A_81 = arith.constant 0 : i32
        %dma_start3A_82 = tpu.memref_slice %dma_start3A_80[%mul3A_58, %dma_start3A_81] : memref<80x128xi32, #tpu.memory_space<hbm>> -> memref<40x128xi32, #tpu.memory_space<hbm>>
        %dma_start3A_83 = arith.constant 0 : i32
        %dma_start3A_84 = arith.constant 0 : i32
        %dma_start3A_85 = tpu.memref_slice %arg4[%add3A, %dma_start3A_83, %dma_start3A_84] : memref<32x80x128xi32, #tpu.memory_space<hbm>> -> memref<1x80x128xi32, #tpu.memory_space<hbm>>
        %dma_start3A_86 = tpu.memref_squeeze %dma_start3A_85 : memref<1x80x128xi32, #tpu.memory_space<hbm>> -> memref<80x128xi32, #tpu.memory_space<hbm>>
        %dma_start3A_87 = arith.constant 0 : i32
        %dma_start3A_88 = tpu.memref_slice %dma_start3A_86[%mul3A_58, %dma_start3A_87] : memref<80x128xi32, #tpu.memory_space<hbm>> -> memref<40x128xi32, #tpu.memory_space<hbm>>
        tpu.enqueue_dma source(%dma_start3A_88 : memref<40x128xi32, #tpu.memory_space<hbm>>) target(%arg8 : memref<40x128xi32, #tpu.memory_space<vmem>>) target_semaphore(%run_scoped3A : memref<!tpu.dma_semaphore, #tpu.memory_space<semaphore_mem>>)
        %dma_wait3A_89 = arith.constant 0 : i32
        %dma_wait3A_90 = arith.constant 0 : i32
        %dma_wait3A_91 = tpu.memref_slice %arg4[%add3A, %dma_wait3A_89, %dma_wait3A_90] : memref<32x80x128xi32, #tpu.memory_space<hbm>> -> memref<1x80x128xi32, #tpu.memory_space<hbm>>
        %dma_wait3A_92 = tpu.memref_squeeze %dma_wait3A_91 : memref<1x80x128xi32, #tpu.memory_space<hbm>> -> memref<80x128xi32, #tpu.memory_space<hbm>>
        %dma_wait3A_93 = arith.constant 0 : i32
        %dma_wait3A_94 = tpu.memref_slice %dma_wait3A_92[%mul3A_58, %dma_wait3A_93] : memref<80x128xi32, #tpu.memory_space<hbm>> -> memref<40x128xi32, #tpu.memory_space<hbm>>
        %dma_wait3A_95 = arith.constant 0 : i32
        %dma_wait3A_96 = arith.constant 0 : i32
        %dma_wait3A_97 = tpu.memref_slice %arg4[%add3A, %dma_wait3A_95, %dma_wait3A_96] : memref<32x80x128xi32, #tpu.memory_space<hbm>> -> memref<1x80x128xi32, #tpu.memory_space<hbm>>
        %dma_wait3A_98 = tpu.memref_squeeze %dma_wait3A_97 : memref<1x80x128xi32, #tpu.memory_space<hbm>> -> memref<80x128xi32, #tpu.memory_space<hbm>>
        %dma_wait3A_99 = arith.constant 0 : i32
        %dma_wait3A_100 = tpu.memref_slice %dma_wait3A_98[%mul3A_58, %dma_wait3A_99] : memref<80x128xi32, #tpu.memory_space<hbm>> -> memref<40x128xi32, #tpu.memory_space<hbm>>
        tpu.wait_dma2 semaphore(%run_scoped3A : memref<!tpu.dma_semaphore, #tpu.memory_space<semaphore_mem>>) src(%dma_wait3A_100 : memref<40x128xi32, #tpu.memory_space<hbm>>) dst(%arg8 : memref<40x128xi32, #tpu.memory_space<vmem>>)
        tpu.yield
      }) : () -> ()
      %dma_start3A = arith.constant 0 : i32
      %dma_start3A_59 = arith.constant 0 : i32
      %dma_start3A_60 = tpu.memref_slice %arg7[%dma_start3A, %dma_start3A_59] : memref<40x128xi32, #tpu.memory_space<vmem>> -> memref<1x128xi32, #tpu.memory_space<vmem>>
      %dma_start3A_61 = tpu.memref_squeeze %dma_start3A_60 : memref<1x128xi32, #tpu.memory_space<vmem>> -> memref<128xi32, #tpu.memory_space<vmem>>
      %dma_start3A_62 = arith.constant 0 : i32
      %dma_start3A_63 = arith.constant 0 : i32
      %dma_start3A_64 = tpu.memref_slice %arg2[%dma_start3A_62, %dma_start3A_63] : memref<10240x128xf32, #tpu.memory_space<hbm>> -> memref<10240x128xf32, #tpu.memory_space<hbm>>
      tpu.enqueue_indirect_dma source(%dma_start3A_64 : memref<10240x128xf32, #tpu.memory_space<hbm>>) target(%arg9 : memref<128x128xf32, #tpu.memory_space<vmem>>) offsets(%dma_start3A_61 : memref<128xi32, #tpu.memory_space<vmem>>) semaphore(%arg11 : memref<!tpu.dma_semaphore, #tpu.memory_space<semaphore_mem>>)
      %scan3A_65 = arith.constant 0 : i32
      %scan3A_66 = arith.constant 0 : i32
      %scan3A_67 = arith.constant 20 : i32
      %scan3A_68 = arith.addi %scan3A_66, %scan3A_67 : i32
      %scan3A_69 = arith.constant 1 : i32
      scf.for %scan3A_77 = %scan3A_66 to %scan3A_68 step %scan3A_69  : i32 {
        %mul3A_78 = arith.constant 2 : i32
        %mul3A_79 = arith.muli %scan3A_77, %mul3A_78 : i32
        %dma_wait3A_80 = arith.constant 0 : i32
        %dma_wait3A_81 = tpu.memref_slice %arg7[%mul3A_79, %dma_wait3A_80] : memref<40x128xi32, #tpu.memory_space<vmem>> -> memref<1x128xi32, #tpu.memory_space<vmem>>
        %dma_wait3A_82 = tpu.memref_squeeze %dma_wait3A_81 : memref<1x128xi32, #tpu.memory_space<vmem>> -> memref<128xi32, #tpu.memory_space<vmem>>
        %dma_wait3A_83 = arith.constant 0 : i32
        %dma_wait3A_84 = arith.constant 0 : i32
        %dma_wait3A_85 = tpu.memref_slice %arg2[%dma_wait3A_83, %dma_wait3A_84] : memref<10240x128xf32, #tpu.memory_space<hbm>> -> memref<10240x128xf32, #tpu.memory_space<hbm>>
        tpu.wait_indirect_dma semaphore(%arg11 : memref<!tpu.dma_semaphore, #tpu.memory_space<semaphore_mem>>) src(%dma_wait3A_85 : memref<10240x128xf32, #tpu.memory_space<hbm>>) dst(%arg9 : memref<128x128xf32, #tpu.memory_space<vmem>>)
        %gt3A = arith.constant 0 : i32
        %gt3A_86 = arith.cmpi sgt, %scan3A_77, %gt3A : i32
        %convert_element_type3A = arith.extui %gt3A_86 : i1 to i32
        %cond3A = arith.constant 0 : i32
        %cond3A_87 = arith.cmpi ne, %convert_element_type3A, %cond3A : i32
        scf.if %cond3A_87 {
          %sub3A = arith.constant 1 : i32
          %sub3A_130 = arith.subi %mul3A_79, %sub3A : i32
          %dma_wait3A_131 = arith.constant 0 : i32
          %dma_wait3A_132 = tpu.memref_slice %arg8[%sub3A_130, %dma_wait3A_131] : memref<40x128xi32, #tpu.memory_space<vmem>> -> memref<1x128xi32, #tpu.memory_space<vmem>>
          %dma_wait3A_133 = tpu.memref_squeeze %dma_wait3A_132 : memref<1x128xi32, #tpu.memory_space<vmem>> -> memref<128xi32, #tpu.memory_space<vmem>>
          %dma_wait3A_134 = arith.constant 0 : i32
          %dma_wait3A_135 = arith.constant 0 : i32
          %dma_wait3A_136 = tpu.memref_slice %arg15[%dma_wait3A_134, %dma_wait3A_135] : memref<10240x128xf32, #tpu.memory_space<vmem_shared>> -> memref<10240x128xf32, #tpu.memory_space<vmem_shared>>
          tpu.wait_indirect_dma semaphore(%arg14 : memref<!tpu.dma_semaphore, #tpu.memory_space<semaphore_mem>>) src(%arg10 : memref<128x128xf32, #tpu.memory_space<vmem>>) dst(%dma_wait3A_136 : memref<10240x128xf32, #tpu.memory_space<vmem_shared>>)
        } else {
        }
        %add3A_88 = arith.constant 1 : i32
        %add3A_89 = arith.addi %mul3A_79, %add3A_88 : i32
        %dma_start3A_90 = arith.constant 0 : i32
        %dma_start3A_91 = tpu.memref_slice %arg7[%add3A_89, %dma_start3A_90] : memref<40x128xi32, #tpu.memory_space<vmem>> -> memref<1x128xi32, #tpu.memory_space<vmem>>
        %dma_start3A_92 = tpu.memref_squeeze %dma_start3A_91 : memref<1x128xi32, #tpu.memory_space<vmem>> -> memref<128xi32, #tpu.memory_space<vmem>>
        %dma_start3A_93 = arith.constant 0 : i32
        %dma_start3A_94 = arith.constant 0 : i32
        %dma_start3A_95 = tpu.memref_slice %arg2[%dma_start3A_93, %dma_start3A_94] : memref<10240x128xf32, #tpu.memory_space<hbm>> -> memref<10240x128xf32, #tpu.memory_space<hbm>>
        tpu.enqueue_indirect_dma source(%dma_start3A_95 : memref<10240x128xf32, #tpu.memory_space<hbm>>) target(%arg10 : memref<128x128xf32, #tpu.memory_space<vmem>>) offsets(%dma_start3A_92 : memref<128xi32, #tpu.memory_space<vmem>>) semaphore(%arg12 : memref<!tpu.dma_semaphore, #tpu.memory_space<semaphore_mem>>)
        %dma_start3A_96 = arith.constant 0 : i32
        %dma_start3A_97 = tpu.memref_slice %arg8[%mul3A_79, %dma_start3A_96] : memref<40x128xi32, #tpu.memory_space<vmem>> -> memref<1x128xi32, #tpu.memory_space<vmem>>
        %dma_start3A_98 = tpu.memref_squeeze %dma_start3A_97 : memref<1x128xi32, #tpu.memory_space<vmem>> -> memref<128xi32, #tpu.memory_space<vmem>>
        %dma_start3A_99 = arith.constant 0 : i32
        %dma_start3A_100 = arith.constant 0 : i32
        %dma_start3A_101 = tpu.memref_slice %arg15[%dma_start3A_99, %dma_start3A_100] : memref<10240x128xf32, #tpu.memory_space<vmem_shared>> -> memref<10240x128xf32, #tpu.memory_space<vmem_shared>>
        tpu.enqueue_indirect_dma source(%arg9 : memref<128x128xf32, #tpu.memory_space<vmem>>) target(%dma_start3A_101 : memref<10240x128xf32, #tpu.memory_space<vmem_shared>>) offsets(%dma_start3A_98 : memref<128xi32, #tpu.memory_space<vmem>>) semaphore(%arg13 : memref<!tpu.dma_semaphore, #tpu.memory_space<semaphore_mem>>) {add = true}
        %add3A_102 = arith.constant 1 : i32
        %add3A_103 = arith.addi %mul3A_79, %add3A_102 : i32
        %dma_wait3A_104 = arith.constant 0 : i32
        %dma_wait3A_105 = tpu.memref_slice %arg7[%add3A_103, %dma_wait3A_104] : memref<40x128xi32, #tpu.memory_space<vmem>> -> memref<1x128xi32, #tpu.memory_space<vmem>>
        %dma_wait3A_106 = tpu.memref_squeeze %dma_wait3A_105 : memref<1x128xi32, #tpu.memory_space<vmem>> -> memref<128xi32, #tpu.memory_space<vmem>>
        %dma_wait3A_107 = arith.constant 0 : i32
        %dma_wait3A_108 = arith.constant 0 : i32
        %dma_wait3A_109 = tpu.memref_slice %arg2[%dma_wait3A_107, %dma_wait3A_108] : memref<10240x128xf32, #tpu.memory_space<hbm>> -> memref<10240x128xf32, #tpu.memory_space<hbm>>
        tpu.wait_indirect_dma semaphore(%arg12 : memref<!tpu.dma_semaphore, #tpu.memory_space<semaphore_mem>>) src(%dma_wait3A_109 : memref<10240x128xf32, #tpu.memory_space<hbm>>) dst(%arg10 : memref<128x128xf32, #tpu.memory_space<vmem>>)
        %dma_wait3A_110 = arith.constant 0 : i32
        %dma_wait3A_111 = tpu.memref_slice %arg8[%mul3A_79, %dma_wait3A_110] : memref<40x128xi32, #tpu.memory_space<vmem>> -> memref<1x128xi32, #tpu.memory_space<vmem>>
        %dma_wait3A_112 = tpu.memref_squeeze %dma_wait3A_111 : memref<1x128xi32, #tpu.memory_space<vmem>> -> memref<128xi32, #tpu.memory_space<vmem>>
        %dma_wait3A_113 = arith.constant 0 : i32
        %dma_wait3A_114 = arith.constant 0 : i32
        %dma_wait3A_115 = tpu.memref_slice %arg15[%dma_wait3A_113, %dma_wait3A_114] : memref<10240x128xf32, #tpu.memory_space<vmem_shared>> -> memref<10240x128xf32, #tpu.memory_space<vmem_shared>>
        tpu.wait_indirect_dma semaphore(%arg13 : memref<!tpu.dma_semaphore, #tpu.memory_space<semaphore_mem>>) src(%arg9 : memref<128x128xf32, #tpu.memory_space<vmem>>) dst(%dma_wait3A_115 : memref<10240x128xf32, #tpu.memory_space<vmem_shared>>)
        %add3A_116 = arith.constant 2 : i32
        %add3A_117 = arith.addi %mul3A_79, %add3A_116 : i32
        %lt3A = arith.constant 40 : i32
        %lt3A_118 = arith.cmpi slt, %add3A_117, %lt3A : i32
        %convert_element_type3A_119 = arith.extui %lt3A_118 : i1 to i32
        %cond3A_120 = arith.constant 0 : i32
        %cond3A_121 = arith.cmpi ne, %convert_element_type3A_119, %cond3A_120 : i32
        scf.if %cond3A_121 {
          %add3A_130 = arith.constant 2 : i32
          %add3A_131 = arith.addi %mul3A_79, %add3A_130 : i32
          %dma_start3A_132 = arith.constant 0 : i32
          %dma_start3A_133 = tpu.memref_slice %arg7[%add3A_131, %dma_start3A_132] : memref<40x128xi32, #tpu.memory_space<vmem>> -> memref<1x128xi32, #tpu.memory_space<vmem>>
          %dma_start3A_134 = tpu.memref_squeeze %dma_start3A_133 : memref<1x128xi32, #tpu.memory_space<vmem>> -> memref<128xi32, #tpu.memory_space<vmem>>
          %dma_start3A_135 = arith.constant 0 : i32
          %dma_start3A_136 = arith.constant 0 : i32
          %dma_start3A_137 = tpu.memref_slice %arg2[%dma_start3A_135, %dma_start3A_136] : memref<10240x128xf32, #tpu.memory_space<hbm>> -> memref<10240x128xf32, #tpu.memory_space<hbm>>
          tpu.enqueue_indirect_dma source(%dma_start3A_137 : memref<10240x128xf32, #tpu.memory_space<hbm>>) target(%arg9 : memref<128x128xf32, #tpu.memory_space<vmem>>) offsets(%dma_start3A_134 : memref<128xi32, #tpu.memory_space<vmem>>) semaphore(%arg11 : memref<!tpu.dma_semaphore, #tpu.memory_space<semaphore_mem>>)
        } else {
        }
        %add3A_122 = arith.constant 1 : i32
        %add3A_123 = arith.addi %mul3A_79, %add3A_122 : i32
        %dma_start3A_124 = arith.constant 0 : i32
        %dma_start3A_125 = tpu.memref_slice %arg8[%add3A_123, %dma_start3A_124] : memref<40x128xi32, #tpu.memory_space<vmem>> -> memref<1x128xi32, #tpu.memory_space<vmem>>
        %dma_start3A_126 = tpu.memref_squeeze %dma_start3A_125 : memref<1x128xi32, #tpu.memory_space<vmem>> -> memref<128xi32, #tpu.memory_space<vmem>>
        %dma_start3A_127 = arith.constant 0 : i32
        %dma_start3A_128 = arith.constant 0 : i32
        %dma_start3A_129 = tpu.memref_slice %arg15[%dma_start3A_127, %dma_start3A_128] : memref<10240x128xf32, #tpu.memory_space<vmem_shared>> -> memref<10240x128xf32, #tpu.memory_space<vmem_shared>>
        tpu.enqueue_indirect_dma source(%arg10 : memref<128x128xf32, #tpu.memory_space<vmem>>) target(%dma_start3A_129 : memref<10240x128xf32, #tpu.memory_space<vmem_shared>>) offsets(%dma_start3A_126 : memref<128xi32, #tpu.memory_space<vmem>>) semaphore(%arg14 : memref<!tpu.dma_semaphore, #tpu.memory_space<semaphore_mem>>) {add = true}
      }
      %scan3A_70 = arith.constant 20 : i32
      %dma_wait3A = arith.constant 39 : i32
      %dma_wait3A_71 = arith.constant 0 : i32
      %dma_wait3A_72 = tpu.memref_slice %arg8[%dma_wait3A, %dma_wait3A_71] : memref<40x128xi32, #tpu.memory_space<vmem>> -> memref<1x128xi32, #tpu.memory_space<vmem>>
      %dma_wait3A_73 = tpu.memref_squeeze %dma_wait3A_72 : memref<1x128xi32, #tpu.memory_space<vmem>> -> memref<128xi32, #tpu.memory_space<vmem>>
      %dma_wait3A_74 = arith.constant 0 : i32
      %dma_wait3A_75 = arith.constant 0 : i32
      %dma_wait3A_76 = tpu.memref_slice %arg15[%dma_wait3A_74, %dma_wait3A_75] : memref<10240x128xf32, #tpu.memory_space<vmem_shared>> -> memref<10240x128xf32, #tpu.memory_space<vmem_shared>>
      tpu.wait_indirect_dma semaphore(%arg14 : memref<!tpu.dma_semaphore, #tpu.memory_space<semaphore_mem>>) src(%arg10 : memref<128x128xf32, #tpu.memory_space<vmem>>) dst(%dma_wait3A_76 : memref<10240x128xf32, #tpu.memory_space<vmem_shared>>)
    }
    %scan3A_17 = arith.constant 2 : i32
    %barrier3A_18 = arith.constant 0 : index
    tpu.barrier barrier_id(%barrier3A_18)
    %add3A_19 = arith.constant 0 : i32
    %add3A_20 = arith.addi %mul3A_2, %add3A_19 : i32
    "tpu.region"() ({
      %run_scoped3A = tpu.sem_alloc : memref<!tpu.dma_semaphore, #tpu.memory_space<semaphore_mem>>
      %dma_start3A = arith.constant 0 : i32
      %dma_start3A_54 = tpu.memref_slice %arg15[%add3A_20, %dma_start3A] : memref<10240x128xf32, #tpu.memory_space<vmem_shared>> -> memref<128x128xf32, #tpu.memory_space<vmem_shared>>
      %dma_start3A_55 = arith.constant 0 : i32
      %dma_start3A_56 = tpu.memref_slice %arg15[%add3A_20, %dma_start3A_55] : memref<10240x128xf32, #tpu.memory_space<vmem_shared>> -> memref<128x128xf32, #tpu.memory_space<vmem_shared>>
      tpu.enqueue_dma source(%dma_start3A_56 : memref<128x128xf32, #tpu.memory_space<vmem_shared>>) target(%arg9 : memref<128x128xf32, #tpu.memory_space<vmem>>) target_semaphore(%run_scoped3A : memref<!tpu.dma_semaphore, #tpu.memory_space<semaphore_mem>>)
      %dma_wait3A = arith.constant 0 : i32
      %dma_wait3A_57 = tpu.memref_slice %arg15[%add3A_20, %dma_wait3A] : memref<10240x128xf32, #tpu.memory_space<vmem_shared>> -> memref<128x128xf32, #tpu.memory_space<vmem_shared>>
      %dma_wait3A_58 = arith.constant 0 : i32
      %dma_wait3A_59 = tpu.memref_slice %arg15[%add3A_20, %dma_wait3A_58] : memref<10240x128xf32, #tpu.memory_space<vmem_shared>> -> memref<128x128xf32, #tpu.memory_space<vmem_shared>>
      tpu.wait_dma2 semaphore(%run_scoped3A : memref<!tpu.dma_semaphore, #tpu.memory_space<semaphore_mem>>) src(%dma_wait3A_59 : memref<128x128xf32, #tpu.memory_space<vmem_shared>>) dst(%arg9 : memref<128x128xf32, #tpu.memory_space<vmem>>)
      tpu.yield
    }) : () -> ()
    %mul3A_21 = arith.constant 10240 : i32
    %mul3A_22 = arith.muli %arg0, %mul3A_21 : i32
    %add3A_23 = arith.addi %mul3A_22, %mul3A_2 : i32
    %add3A_24 = arith.constant 0 : i32
    %add3A_25 = arith.addi %add3A_23, %add3A_24 : i32
    "tpu.region"() ({
      %run_scoped3A = tpu.sem_alloc : memref<!tpu.dma_semaphore, #tpu.memory_space<semaphore_mem>>
      %dma_start3A = arith.constant 0 : i32
      %dma_start3A_54 = tpu.memref_slice %arg6[%add3A_25, %dma_start3A] : memref<20480x128xf32, #tpu.memory_space<hbm>> -> memref<128x128xf32, #tpu.memory_space<hbm>>
      %dma_start3A_55 = arith.constant 0 : i32
      %dma_start3A_56 = tpu.memref_slice %arg6[%add3A_25, %dma_start3A_55] : memref<20480x128xf32, #tpu.memory_space<hbm>> -> memref<128x128xf32, #tpu.memory_space<hbm>>
      tpu.enqueue_dma source(%arg9 : memref<128x128xf32, #tpu.memory_space<vmem>>) target(%dma_start3A_56 : memref<128x128xf32, #tpu.memory_space<hbm>>) target_semaphore(%run_scoped3A : memref<!tpu.dma_semaphore, #tpu.memory_space<semaphore_mem>>)
      %dma_wait3A = arith.constant 0 : i32
      %dma_wait3A_57 = tpu.memref_slice %arg6[%add3A_25, %dma_wait3A] : memref<20480x128xf32, #tpu.memory_space<hbm>> -> memref<128x128xf32, #tpu.memory_space<hbm>>
      %dma_wait3A_58 = arith.constant 0 : i32
      %dma_wait3A_59 = tpu.memref_slice %arg6[%add3A_25, %dma_wait3A_58] : memref<20480x128xf32, #tpu.memory_space<hbm>> -> memref<128x128xf32, #tpu.memory_space<hbm>>
      tpu.wait_dma2 semaphore(%run_scoped3A : memref<!tpu.dma_semaphore, #tpu.memory_space<semaphore_mem>>) src(%arg9 : memref<128x128xf32, #tpu.memory_space<vmem>>) dst(%dma_wait3A_59 : memref<128x128xf32, #tpu.memory_space<hbm>>)
      tpu.yield
    }) : () -> ()
    %add3A_26 = arith.constant 128 : i32
    %add3A_27 = arith.addi %mul3A_2, %add3A_26 : i32
    "tpu.region"() ({
      %run_scoped3A = tpu.sem_alloc : memref<!tpu.dma_semaphore, #tpu.memory_space<semaphore_mem>>
      %dma_start3A = arith.constant 0 : i32
      %dma_start3A_54 = tpu.memref_slice %arg15[%add3A_27, %dma_start3A] : memref<10240x128xf32, #tpu.memory_space<vmem_shared>> -> memref<128x128xf32, #tpu.memory_space<vmem_shared>>
      %dma_start3A_55 = arith.constant 0 : i32
      %dma_start3A_56 = tpu.memref_slice %arg15[%add3A_27, %dma_start3A_55] : memref<10240x128xf32, #tpu.memory_space<vmem_shared>> -> memref<128x128xf32, #tpu.memory_space<vmem_shared>>
      tpu.enqueue_dma source(%dma_start3A_56 : memref<128x128xf32, #tpu.memory_space<vmem_shared>>) target(%arg9 : memref<128x128xf32, #tpu.memory_space<vmem>>) target_semaphore(%run_scoped3A : memref<!tpu.dma_semaphore, #tpu.memory_space<semaphore_mem>>)
      %dma_wait3A = arith.constant 0 : i32
      %dma_wait3A_57 = tpu.memref_slice %arg15[%add3A_27, %dma_wait3A] : memref<10240x128xf32, #tpu.memory_space<vmem_shared>> -> memref<128x128xf32, #tpu.memory_space<vmem_shared>>
      %dma_wait3A_58 = arith.constant 0 : i32
      %dma_wait3A_59 = tpu.memref_slice %arg15[%add3A_27, %dma_wait3A_58] : memref<10240x128xf32, #tpu.memory_space<vmem_shared>> -> memref<128x128xf32, #tpu.memory_space<vmem_shared>>
      tpu.wait_dma2 semaphore(%run_scoped3A : memref<!tpu.dma_semaphore, #tpu.memory_space<semaphore_mem>>) src(%dma_wait3A_59 : memref<128x128xf32, #tpu.memory_space<vmem_shared>>) dst(%arg9 : memref<128x128xf32, #tpu.memory_space<vmem>>)
      tpu.yield
    }) : () -> ()
    %mul3A_28 = arith.constant 10240 : i32
    %mul3A_29 = arith.muli %arg0, %mul3A_28 : i32
    %add3A_30 = arith.addi %mul3A_29, %mul3A_2 : i32
    %add3A_31 = arith.constant 128 : i32
    %add3A_32 = arith.addi %add3A_30, %add3A_31 : i32
    "tpu.region"() ({
      %run_scoped3A = tpu.sem_alloc : memref<!tpu.dma_semaphore, #tpu.memory_space<semaphore_mem>>
      %dma_start3A = arith.constant 0 : i32
      %dma_start3A_54 = tpu.memref_slice %arg6[%add3A_32, %dma_start3A] : memref<20480x128xf32, #tpu.memory_space<hbm>> -> memref<128x128xf32, #tpu.memory_space<hbm>>
      %dma_start3A_55 = arith.constant 0 : i32
      %dma_start3A_56 = tpu.memref_slice %arg6[%add3A_32, %dma_start3A_55] : memref<20480x128xf32, #tpu.memory_space<hbm>> -> memref<128x128xf32, #tpu.memory_space<hbm>>
      tpu.enqueue_dma source(%arg9 : memref<128x128xf32, #tpu.memory_space<vmem>>) target(%dma_start3A_56 : memref<128x128xf32, #tpu.memory_space<hbm>>) target_semaphore(%run_scoped3A : memref<!tpu.dma_semaphore, #tpu.memory_space<semaphore_mem>>)
      %dma_wait3A = arith.constant 0 : i32
      %dma_wait3A_57 = tpu.memref_slice %arg6[%add3A_32, %dma_wait3A] : memref<20480x128xf32, #tpu.memory_space<hbm>> -> memref<128x128xf32, #tpu.memory_space<hbm>>
      %dma_wait3A_58 = arith.constant 0 : i32
      %dma_wait3A_59 = tpu.memref_slice %arg6[%add3A_32, %dma_wait3A_58] : memref<20480x128xf32, #tpu.memory_space<hbm>> -> memref<128x128xf32, #tpu.memory_space<hbm>>
      tpu.wait_dma2 semaphore(%run_scoped3A : memref<!tpu.dma_semaphore, #tpu.memory_space<semaphore_mem>>) src(%arg9 : memref<128x128xf32, #tpu.memory_space<vmem>>) dst(%dma_wait3A_59 : memref<128x128xf32, #tpu.memory_space<hbm>>)
      tpu.yield
    }) : () -> ()
    %add3A_33 = arith.constant 256 : i32
    %add3A_34 = arith.addi %mul3A_2, %add3A_33 : i32
    "tpu.region"() ({
      %run_scoped3A = tpu.sem_alloc : memref<!tpu.dma_semaphore, #tpu.memory_space<semaphore_mem>>
      %dma_start3A = arith.constant 0 : i32
      %dma_start3A_54 = tpu.memref_slice %arg15[%add3A_34, %dma_start3A] : memref<10240x128xf32, #tpu.memory_space<vmem_shared>> -> memref<128x128xf32, #tpu.memory_space<vmem_shared>>
      %dma_start3A_55 = arith.constant 0 : i32
      %dma_start3A_56 = tpu.memref_slice %arg15[%add3A_34, %dma_start3A_55] : memref<10240x128xf32, #tpu.memory_space<vmem_shared>> -> memref<128x128xf32, #tpu.memory_space<vmem_shared>>
      tpu.enqueue_dma source(%dma_start3A_56 : memref<128x128xf32, #tpu.memory_space<vmem_shared>>) target(%arg9 : memref<128x128xf32, #tpu.memory_space<vmem>>) target_semaphore(%run_scoped3A : memref<!tpu.dma_semaphore, #tpu.memory_space<semaphore_mem>>)
      %dma_wait3A = arith.constant 0 : i32
      %dma_wait3A_57 = tpu.memref_slice %arg15[%add3A_34, %dma_wait3A] : memref<10240x128xf32, #tpu.memory_space<vmem_shared>> -> memref<128x128xf32, #tpu.memory_space<vmem_shared>>
      %dma_wait3A_58 = arith.constant 0 : i32
      %dma_wait3A_59 = tpu.memref_slice %arg15[%add3A_34, %dma_wait3A_58] : memref<10240x128xf32, #tpu.memory_space<vmem_shared>> -> memref<128x128xf32, #tpu.memory_space<vmem_shared>>
      tpu.wait_dma2 semaphore(%run_scoped3A : memref<!tpu.dma_semaphore, #tpu.memory_space<semaphore_mem>>) src(%dma_wait3A_59 : memref<128x128xf32, #tpu.memory_space<vmem_shared>>) dst(%arg9 : memref<128x128xf32, #tpu.memory_space<vmem>>)
      tpu.yield
    }) : () -> ()
    %mul3A_35 = arith.constant 10240 : i32
    %mul3A_36 = arith.muli %arg0, %mul3A_35 : i32
    %add3A_37 = arith.addi %mul3A_36, %mul3A_2 : i32
    %add3A_38 = arith.constant 256 : i32
    %add3A_39 = arith.addi %add3A_37, %add3A_38 : i32
    "tpu.region"() ({
      %run_scoped3A = tpu.sem_alloc : memref<!tpu.dma_semaphore, #tpu.memory_space<semaphore_mem>>
      %dma_start3A = arith.constant 0 : i32
      %dma_start3A_54 = tpu.memref_slice %arg6[%add3A_39, %dma_start3A] : memref<20480x128xf32, #tpu.memory_space<hbm>> -> memref<128x128xf32, #tpu.memory_space<hbm>>
      %dma_start3A_55 = arith.constant 0 : i32
      %dma_start3A_56 = tpu.memref_slice %arg6[%add3A_39, %dma_start3A_55] : memref<20480x128xf32, #tpu.memory_space<hbm>> -> memref<128x128xf32, #tpu.memory_space<hbm>>
      tpu.enqueue_dma source(%arg9 : memref<128x128xf32, #tpu.memory_space<vmem>>) target(%dma_start3A_56 : memref<128x128xf32, #tpu.memory_space<hbm>>) target_semaphore(%run_scoped3A : memref<!tpu.dma_semaphore, #tpu.memory_space<semaphore_mem>>)
      %dma_wait3A = arith.constant 0 : i32
      %dma_wait3A_57 = tpu.memref_slice %arg6[%add3A_39, %dma_wait3A] : memref<20480x128xf32, #tpu.memory_space<hbm>> -> memref<128x128xf32, #tpu.memory_space<hbm>>
      %dma_wait3A_58 = arith.constant 0 : i32
      %dma_wait3A_59 = tpu.memref_slice %arg6[%add3A_39, %dma_wait3A_58] : memref<20480x128xf32, #tpu.memory_space<hbm>> -> memref<128x128xf32, #tpu.memory_space<hbm>>
      tpu.wait_dma2 semaphore(%run_scoped3A : memref<!tpu.dma_semaphore, #tpu.memory_space<semaphore_mem>>) src(%arg9 : memref<128x128xf32, #tpu.memory_space<vmem>>) dst(%dma_wait3A_59 : memref<128x128xf32, #tpu.memory_space<hbm>>)
      tpu.yield
    }) : () -> ()
    %add3A_40 = arith.constant 384 : i32
    %add3A_41 = arith.addi %mul3A_2, %add3A_40 : i32
    "tpu.region"() ({
      %run_scoped3A = tpu.sem_alloc : memref<!tpu.dma_semaphore, #tpu.memory_space<semaphore_mem>>
      %dma_start3A = arith.constant 0 : i32
      %dma_start3A_54 = tpu.memref_slice %arg15[%add3A_41, %dma_start3A] : memref<10240x128xf32, #tpu.memory_space<vmem_shared>> -> memref<128x128xf32, #tpu.memory_space<vmem_shared>>
      %dma_start3A_55 = arith.constant 0 : i32
      %dma_start3A_56 = tpu.memref_slice %arg15[%add3A_41, %dma_start3A_55] : memref<10240x128xf32, #tpu.memory_space<vmem_shared>> -> memref<128x128xf32, #tpu.memory_space<vmem_shared>>
      tpu.enqueue_dma source(%dma_start3A_56 : memref<128x128xf32, #tpu.memory_space<vmem_shared>>) target(%arg9 : memref<128x128xf32, #tpu.memory_space<vmem>>) target_semaphore(%run_scoped3A : memref<!tpu.dma_semaphore, #tpu.memory_space<semaphore_mem>>)
      %dma_wait3A = arith.constant 0 : i32
      %dma_wait3A_57 = tpu.memref_slice %arg15[%add3A_41, %dma_wait3A] : memref<10240x128xf32, #tpu.memory_space<vmem_shared>> -> memref<128x128xf32, #tpu.memory_space<vmem_shared>>
      %dma_wait3A_58 = arith.constant 0 : i32
      %dma_wait3A_59 = tpu.memref_slice %arg15[%add3A_41, %dma_wait3A_58] : memref<10240x128xf32, #tpu.memory_space<vmem_shared>> -> memref<128x128xf32, #tpu.memory_space<vmem_shared>>
      tpu.wait_dma2 semaphore(%run_scoped3A : memref<!tpu.dma_semaphore, #tpu.memory_space<semaphore_mem>>) src(%dma_wait3A_59 : memref<128x128xf32, #tpu.memory_space<vmem_shared>>) dst(%arg9 : memref<128x128xf32, #tpu.memory_space<vmem>>)
      tpu.yield
    }) : () -> ()
    %mul3A_42 = arith.constant 10240 : i32
    %mul3A_43 = arith.muli %arg0, %mul3A_42 : i32
    %add3A_44 = arith.addi %mul3A_43, %mul3A_2 : i32
    %add3A_45 = arith.constant 384 : i32
    %add3A_46 = arith.addi %add3A_44, %add3A_45 : i32
    "tpu.region"() ({
      %run_scoped3A = tpu.sem_alloc : memref<!tpu.dma_semaphore, #tpu.memory_space<semaphore_mem>>
      %dma_start3A = arith.constant 0 : i32
      %dma_start3A_54 = tpu.memref_slice %arg6[%add3A_46, %dma_start3A] : memref<20480x128xf32, #tpu.memory_space<hbm>> -> memref<128x128xf32, #tpu.memory_space<hbm>>
      %dma_start3A_55 = arith.constant 0 : i32
      %dma_start3A_56 = tpu.memref_slice %arg6[%add3A_46, %dma_start3A_55] : memref<20480x128xf32, #tpu.memory_space<hbm>> -> memref<128x128xf32, #tpu.memory_space<hbm>>
      tpu.enqueue_dma source(%arg9 : memref<128x128xf32, #tpu.memory_space<vmem>>) target(%dma_start3A_56 : memref<128x128xf32, #tpu.memory_space<hbm>>) target_semaphore(%run_scoped3A : memref<!tpu.dma_semaphore, #tpu.memory_space<semaphore_mem>>)
      %dma_wait3A = arith.constant 0 : i32
      %dma_wait3A_57 = tpu.memref_slice %arg6[%add3A_46, %dma_wait3A] : memref<20480x128xf32, #tpu.memory_space<hbm>> -> memref<128x128xf32, #tpu.memory_space<hbm>>
      %dma_wait3A_58 = arith.constant 0 : i32
      %dma_wait3A_59 = tpu.memref_slice %arg6[%add3A_46, %dma_wait3A_58] : memref<20480x128xf32, #tpu.memory_space<hbm>> -> memref<128x128xf32, #tpu.memory_space<hbm>>
      tpu.wait_dma2 semaphore(%run_scoped3A : memref<!tpu.dma_semaphore, #tpu.memory_space<semaphore_mem>>) src(%arg9 : memref<128x128xf32, #tpu.memory_space<vmem>>) dst(%dma_wait3A_59 : memref<128x128xf32, #tpu.memory_space<hbm>>)
      tpu.yield
    }) : () -> ()
    %add3A_47 = arith.constant 512 : i32
    %add3A_48 = arith.addi %mul3A_2, %add3A_47 : i32
    "tpu.region"() ({
      %run_scoped3A = tpu.sem_alloc : memref<!tpu.dma_semaphore, #tpu.memory_space<semaphore_mem>>
      %dma_start3A = arith.constant 0 : i32
      %dma_start3A_54 = tpu.memref_slice %arg15[%add3A_48, %dma_start3A] : memref<10240x128xf32, #tpu.memory_space<vmem_shared>> -> memref<128x128xf32, #tpu.memory_space<vmem_shared>>
      %dma_start3A_55 = arith.constant 0 : i32
      %dma_start3A_56 = tpu.memref_slice %arg15[%add3A_48, %dma_start3A_55] : memref<10240x128xf32, #tpu.memory_space<vmem_shared>> -> memref<128x128xf32, #tpu.memory_space<vmem_shared>>
      tpu.enqueue_dma source(%dma_start3A_56 : memref<128x128xf32, #tpu.memory_space<vmem_shared>>) target(%arg9 : memref<128x128xf32, #tpu.memory_space<vmem>>) target_semaphore(%run_scoped3A : memref<!tpu.dma_semaphore, #tpu.memory_space<semaphore_mem>>)
      %dma_wait3A = arith.constant 0 : i32
      %dma_wait3A_57 = tpu.memref_slice %arg15[%add3A_48, %dma_wait3A] : memref<10240x128xf32, #tpu.memory_space<vmem_shared>> -> memref<128x128xf32, #tpu.memory_space<vmem_shared>>
      %dma_wait3A_58 = arith.constant 0 : i32
      %dma_wait3A_59 = tpu.memref_slice %arg15[%add3A_48, %dma_wait3A_58] : memref<10240x128xf32, #tpu.memory_space<vmem_shared>> -> memref<128x128xf32, #tpu.memory_space<vmem_shared>>
      tpu.wait_dma2 semaphore(%run_scoped3A : memref<!tpu.dma_semaphore, #tpu.memory_space<semaphore_mem>>) src(%dma_wait3A_59 : memref<128x128xf32, #tpu.memory_space<vmem_shared>>) dst(%arg9 : memref<128x128xf32, #tpu.memory_space<vmem>>)
      tpu.yield
    }) : () -> ()
    %mul3A_49 = arith.constant 10240 : i32
    %mul3A_50 = arith.muli %arg0, %mul3A_49 : i32
    %add3A_51 = arith.addi %mul3A_50, %mul3A_2 : i32
    %add3A_52 = arith.constant 512 : i32
    %add3A_53 = arith.addi %add3A_51, %add3A_52 : i32
    "tpu.region"() ({
      %run_scoped3A = tpu.sem_alloc : memref<!tpu.dma_semaphore, #tpu.memory_space<semaphore_mem>>
      %dma_start3A = arith.constant 0 : i32
      %dma_start3A_54 = tpu.memref_slice %arg6[%add3A_53, %dma_start3A] : memref<20480x128xf32, #tpu.memory_space<hbm>> -> memref<128x128xf32, #tpu.memory_space<hbm>>
      %dma_start3A_55 = arith.constant 0 : i32
      %dma_start3A_56 = tpu.memref_slice %arg6[%add3A_53, %dma_start3A_55] : memref<20480x128xf32, #tpu.memory_space<hbm>> -> memref<128x128xf32, #tpu.memory_space<hbm>>
      tpu.enqueue_dma source(%arg9 : memref<128x128xf32, #tpu.memory_space<vmem>>) target(%dma_start3A_56 : memref<128x128xf32, #tpu.memory_space<hbm>>) target_semaphore(%run_scoped3A : memref<!tpu.dma_semaphore, #tpu.memory_space<semaphore_mem>>)
      %dma_wait3A = arith.constant 0 : i32
      %dma_wait3A_57 = tpu.memref_slice %arg6[%add3A_53, %dma_wait3A] : memref<20480x128xf32, #tpu.memory_space<hbm>> -> memref<128x128xf32, #tpu.memory_space<hbm>>
      %dma_wait3A_58 = arith.constant 0 : i32
      %dma_wait3A_59 = tpu.memref_slice %arg6[%add3A_53, %dma_wait3A_58] : memref<20480x128xf32, #tpu.memory_space<hbm>> -> memref<128x128xf32, #tpu.memory_space<hbm>>
      tpu.wait_dma2 semaphore(%run_scoped3A : memref<!tpu.dma_semaphore, #tpu.memory_space<semaphore_mem>>) src(%arg9 : memref<128x128xf32, #tpu.memory_space<vmem>>) dst(%dma_wait3A_59 : memref<128x128xf32, #tpu.memory_space<hbm>>)
      tpu.yield
    }) : () -> ()
    return
  }
}

module attributes {stable_mosaic.version = 14 : i64} {
  func.func @_t1_body(%arg0: i32, %arg1: memref<1280x128xf32, #tpu.memory_space<vmem>>, %arg2: memref<1280x128xf32, #tpu.memory_space<vmem>>, %arg3: memref<128x128xf32, #tpu.memory_space<vmem>>, %arg4: memref<128x128xf32, #tpu.memory_space<vmem>>, %arg5: memref<1280x128xf32, #tpu.memory_space<vmem>>, %arg6: memref<1280x128xf32, #tpu.memory_space<vmem>>, %arg7: memref<1280x128xf32, #tpu.memory_space<vmem>>, %arg8: memref<1280x128xf32, #tpu.memory_space<vmem>>) attributes {dimension_semantics = [#tpu.dimension_semantics<arbitrary>], iteration_bounds = array<i64: 8>, scalar_prefetch = 0 : i64, scratch_operands = 0 : i64, tpu.core_type = #tpu.core_type<tc>, window_params = [{transform_indices = @transform_0, window_bounds = array<i64: 1280, 128>}, {transform_indices = @transform_1, window_bounds = array<i64: 1280, 128>}, {pipeline_mode = #tpu.pipeline_mode<synchronous>, transform_indices = @transform_2, window_bounds = array<i64: 128, 128>}, {pipeline_mode = #tpu.pipeline_mode<synchronous>, transform_indices = @transform_3, window_bounds = array<i64: 128, 128>}, {transform_indices = @transform_4, window_bounds = array<i64: 1280, 128>}, {transform_indices = @transform_5, window_bounds = array<i64: 1280, 128>}, {transform_indices = @transform_6, window_bounds = array<i64: 1280, 128>}, {transform_indices = @transform_7, window_bounds = array<i64: 1280, 128>}]} {
    %get3A = arith.constant 0 : index
    %get3A_0 = arith.constant 0 : index
    %get3A_1 = vector.load %arg1[%get3A, %get3A_0] : memref<1280x128xf32, #tpu.memory_space<vmem>>, vector<1280x128xf32>
    %get3A_2 = arith.constant 0 : index
    %get3A_3 = arith.constant 0 : index
    %get3A_4 = vector.load %arg2[%get3A_2, %get3A_3] : memref<1280x128xf32, #tpu.memory_space<vmem>>, vector<1280x128xf32>
    %sub3A = arith.subf %get3A_1, %get3A_4 : vector<1280x128xf32>
    %get3A_5 = arith.constant 0 : index
    %get3A_6 = arith.constant 0 : index
    %get3A_7 = vector.load %arg3[%get3A_5, %get3A_6] : memref<128x128xf32, #tpu.memory_space<vmem>>, vector<128x128xf32>
    %dot_general3A = arith.constant dense<0.000000e+00> : vector<1280x128xf32>
    %dot_general3A_8 = tpu.matmul %sub3A, %get3A_7, %dot_general3A {dimension_numbers = #tpu.dot_dimension_numbers<[1], [0], [0], [1], [0, 0, 1, 1], [], []>, transpose_lhs_hint = false} : vector<1280x128xf32>, vector<128x128xf32>, vector<1280x128xf32> -> vector<1280x128xf32>
    %get3A_9 = arith.constant 0 : index
    %get3A_10 = arith.constant 0 : index
    %get3A_11 = vector.load %arg2[%get3A_9, %get3A_10] : memref<1280x128xf32, #tpu.memory_space<vmem>>, vector<1280x128xf32>
    %get3A_12 = arith.constant 0 : index
    %get3A_13 = arith.constant 0 : index
    %get3A_14 = vector.load %arg4[%get3A_12, %get3A_13] : memref<128x128xf32, #tpu.memory_space<vmem>>, vector<128x128xf32>
    %dot_general3A_15 = arith.constant dense<0.000000e+00> : vector<1280x128xf32>
    %dot_general3A_16 = tpu.matmul %get3A_11, %get3A_14, %dot_general3A_15 {dimension_numbers = #tpu.dot_dimension_numbers<[1], [0], [0], [1], [0, 0, 1, 1], [], []>, transpose_lhs_hint = false} : vector<1280x128xf32>, vector<128x128xf32>, vector<1280x128xf32> -> vector<1280x128xf32>
    %add3A = arith.addf %dot_general3A_8, %dot_general3A_16 : vector<1280x128xf32>
    %get3A_17 = arith.constant 0 : index
    %get3A_18 = arith.constant 0 : index
    %get3A_19 = vector.load %arg5[%get3A_17, %get3A_18] : memref<1280x128xf32, #tpu.memory_space<vmem>>, vector<1280x128xf32>
    %get3A_20 = arith.constant 0 : index
    %get3A_21 = arith.constant 0 : index
    %get3A_22 = vector.load %arg6[%get3A_20, %get3A_21] : memref<1280x128xf32, #tpu.memory_space<vmem>>, vector<1280x128xf32>
    %add3A_23 = arith.addf %get3A_19, %get3A_22 : vector<1280x128xf32>
    %add3A_24 = arith.constant 1.000000e+00 : f32
    %add3A_25 = vector.broadcast %add3A_24 : f32 to vector<1280x128xf32>
    %add3A_26 = arith.addf %add3A_23, %add3A_25 : vector<1280x128xf32>
    %rsqrt3A = math.rsqrt %add3A_26 : vector<1280x128xf32>
    %swap3A = arith.constant 0 : index
    %swap3A_27 = arith.constant 0 : index
    %swap3A_28 = vector.load %arg8[%swap3A, %swap3A_27] : memref<1280x128xf32, #tpu.memory_space<vmem>>, vector<1280x128xf32>
    tpu.vector_store %arg8[%swap3A, %swap3A_27], %rsqrt3A {strides = array<i32>} : memref<1280x128xf32, #tpu.memory_space<vmem>>, vector<1280x128xf32>,
    %mul3A = arith.mulf %add3A, %rsqrt3A : vector<1280x128xf32>
    %swap3A_29 = arith.constant 0 : index
    %swap3A_30 = arith.constant 0 : index
    %swap3A_31 = vector.load %arg7[%swap3A_29, %swap3A_30] : memref<1280x128xf32, #tpu.memory_space<vmem>>, vector<1280x128xf32>
    tpu.vector_store %arg7[%swap3A_29, %swap3A_30], %mul3A {strides = array<i32>} : memref<1280x128xf32, #tpu.memory_space<vmem>>, vector<1280x128xf32>,
    return
  }
  func.func @transform_0(%arg0: i32) -> (i32, i32) {
    %c0_i32 = arith.constant 0 : i32
    %c0_i32_0 = arith.constant 0 : i32
    return %arg0, %c0_i32 : i32, i32
  }
  func.func @transform_1(%arg0: i32) -> (i32, i32) {
    %c0_i32 = arith.constant 0 : i32
    %c0_i32_0 = arith.constant 0 : i32
    return %arg0, %c0_i32 : i32, i32
  }
  func.func @transform_2(%arg0: i32) -> (i32, i32) {
    %c0_i32 = arith.constant 0 : i32
    %c0_i32_0 = arith.constant 0 : i32
    %c0_i32_1 = arith.constant 0 : i32
    return %c0_i32, %c0_i32_0 : i32, i32
  }
  func.func @transform_3(%arg0: i32) -> (i32, i32) {
    %c0_i32 = arith.constant 0 : i32
    %c0_i32_0 = arith.constant 0 : i32
    %c0_i32_1 = arith.constant 0 : i32
    return %c0_i32, %c0_i32_0 : i32, i32
  }
  func.func @transform_4(%arg0: i32) -> (i32, i32) {
    %c0_i32 = arith.constant 0 : i32
    %c0_i32_0 = arith.constant 0 : i32
    return %arg0, %c0_i32 : i32, i32
  }
  func.func @transform_5(%arg0: i32) -> (i32, i32) {
    %c0_i32 = arith.constant 0 : i32
    %c0_i32_0 = arith.constant 0 : i32
    return %arg0, %c0_i32 : i32, i32
  }
  func.func @transform_6(%arg0: i32) -> (i32, i32) {
    %c0_i32 = arith.constant 0 : i32
    %c0_i32_0 = arith.constant 0 : i32
    return %arg0, %c0_i32 : i32, i32
  }
  func.func @transform_7(%arg0: i32) -> (i32, i32) {
    %c0_i32 = arith.constant 0 : i32
    %c0_i32_0 = arith.constant 0 : i32
    return %arg0, %c0_i32 : i32, i32
  }
}

module attributes {stable_mosaic.version = 14 : i64} {
  func.func @_t2_body(%arg0: i32, %arg1: memref<1280x128xf32, #tpu.memory_space<vmem>>, %arg2: memref<1280x128xf32, #tpu.memory_space<vmem>>, %arg3: memref<1280x128xf32, #tpu.memory_space<vmem>>, %arg4: memref<1280x128xf32, #tpu.memory_space<vmem>>, %arg5: memref<128x128xf32, #tpu.memory_space<vmem>>, %arg6: memref<1x128xf32, #tpu.memory_space<vmem>>, %arg7: memref<1280x128xf32, #tpu.memory_space<vmem>>) attributes {dimension_semantics = [#tpu.dimension_semantics<arbitrary>], iteration_bounds = array<i64: 8>, scalar_prefetch = 0 : i64, scratch_operands = 0 : i64, tpu.core_type = #tpu.core_type<tc>, window_params = [{transform_indices = @transform_0, window_bounds = array<i64: 1280, 128>}, {transform_indices = @transform_1, window_bounds = array<i64: 1280, 128>}, {transform_indices = @transform_2, window_bounds = array<i64: 1280, 128>}, {transform_indices = @transform_3, window_bounds = array<i64: 1280, 128>}, {pipeline_mode = #tpu.pipeline_mode<synchronous>, transform_indices = @transform_4, window_bounds = array<i64: 128, 128>}, {pipeline_mode = #tpu.pipeline_mode<synchronous>, transform_indices = @transform_5, window_bounds = array<i64: 1, 128>}, {transform_indices = @transform_6, window_bounds = array<i64: 1280, 128>}]} {
    %get3A = arith.constant 0 : index
    %get3A_0 = arith.constant 0 : index
    %get3A_1 = vector.load %arg4[%get3A, %get3A_0] : memref<1280x128xf32, #tpu.memory_space<vmem>>, vector<1280x128xf32>
    %get3A_2 = arith.constant 0 : index
    %get3A_3 = arith.constant 0 : index
    %get3A_4 = vector.load %arg1[%get3A_2, %get3A_3] : memref<1280x128xf32, #tpu.memory_space<vmem>>, vector<1280x128xf32>
    %get3A_5 = arith.constant 0 : index
    %get3A_6 = arith.constant 0 : index
    %get3A_7 = vector.load %arg2[%get3A_5, %get3A_6] : memref<1280x128xf32, #tpu.memory_space<vmem>>, vector<1280x128xf32>
    %add3A = arith.addf %get3A_4, %get3A_7 : vector<1280x128xf32>
    %get3A_8 = arith.constant 0 : index
    %get3A_9 = arith.constant 0 : index
    %get3A_10 = vector.load %arg3[%get3A_8, %get3A_9] : memref<1280x128xf32, #tpu.memory_space<vmem>>, vector<1280x128xf32>
    %add3A_11 = arith.addf %add3A, %get3A_10 : vector<1280x128xf32>
    %mul3A = arith.mulf %get3A_1, %add3A_11 : vector<1280x128xf32>
    %get3A_12 = arith.constant 0 : index
    %get3A_13 = arith.constant 0 : index
    %get3A_14 = vector.load %arg6[%get3A_12, %get3A_13] : memref<1x128xf32, #tpu.memory_space<vmem>>, vector<1x128xf32>
    %add3A_15 = vector.broadcast %get3A_14 : vector<1x128xf32> to vector<1280x128xf32>
    %add3A_16 = arith.addf %mul3A, %add3A_15 : vector<1280x128xf32>
    %max3A = arith.constant 0.000000e+00 : f32
    %max3A_17 = vector.broadcast %max3A : f32 to vector<1280x128xf32>
    %max3A_18 = arith.maximumf %add3A_16, %max3A_17 : vector<1280x128xf32>
    %get3A_19 = arith.constant 0 : index
    %get3A_20 = arith.constant 0 : index
    %get3A_21 = vector.load %arg5[%get3A_19, %get3A_20] : memref<128x128xf32, #tpu.memory_space<vmem>>, vector<128x128xf32>
    %dot_general3A = arith.constant dense<0.000000e+00> : vector<1280x128xf32>
    %dot_general3A_22 = tpu.matmul %max3A_18, %get3A_21, %dot_general3A {dimension_numbers = #tpu.dot_dimension_numbers<[1], [0], [0], [1], [0, 0, 1, 1], [], []>, transpose_lhs_hint = false} : vector<1280x128xf32>, vector<128x128xf32>, vector<1280x128xf32> -> vector<1280x128xf32>
    %mul3A_23 = arith.mulf %dot_general3A_22, %get3A_1 : vector<1280x128xf32>
    %swap3A = arith.constant 0 : index
    %swap3A_24 = arith.constant 0 : index
    %swap3A_25 = vector.load %arg7[%swap3A, %swap3A_24] : memref<1280x128xf32, #tpu.memory_space<vmem>>, vector<1280x128xf32>
    tpu.vector_store %arg7[%swap3A, %swap3A_24], %mul3A_23 {strides = array<i32>} : memref<1280x128xf32, #tpu.memory_space<vmem>>, vector<1280x128xf32>,
    return
  }
  func.func @transform_0(%arg0: i32) -> (i32, i32) {
    %c0_i32 = arith.constant 0 : i32
    %c0_i32_0 = arith.constant 0 : i32
    return %arg0, %c0_i32 : i32, i32
  }
  func.func @transform_1(%arg0: i32) -> (i32, i32) {
    %c0_i32 = arith.constant 0 : i32
    %c0_i32_0 = arith.constant 0 : i32
    return %arg0, %c0_i32 : i32, i32
  }
  func.func @transform_2(%arg0: i32) -> (i32, i32) {
    %c0_i32 = arith.constant 0 : i32
    %c0_i32_0 = arith.constant 0 : i32
    return %arg0, %c0_i32 : i32, i32
  }
  func.func @transform_3(%arg0: i32) -> (i32, i32) {
    %c0_i32 = arith.constant 0 : i32
    %c0_i32_0 = arith.constant 0 : i32
    return %arg0, %c0_i32 : i32, i32
  }
  func.func @transform_4(%arg0: i32) -> (i32, i32) {
    %c0_i32 = arith.constant 0 : i32
    %c0_i32_0 = arith.constant 0 : i32
    %c0_i32_1 = arith.constant 0 : i32
    return %c0_i32, %c0_i32_0 : i32, i32
  }
  func.func @transform_5(%arg0: i32) -> (i32, i32) {
    %c0_i32 = arith.constant 0 : i32
    %c0_i32_0 = arith.constant 0 : i32
    %c0_i32_1 = arith.constant 0 : i32
    return %c0_i32, %c0_i32_0 : i32, i32
  }
  func.func @transform_6(%arg0: i32) -> (i32, i32) {
    %c0_i32 = arith.constant 0 : i32
    %c0_i32_0 = arith.constant 0 : i32
    return %arg0, %c0_i32 : i32, i32
  }
}

module attributes {stable_mosaic.version = 14 : i64} {
  func.func @_t3_body(%arg0: i32, %arg1: memref<1280x128xf32, #tpu.memory_space<vmem>>, %arg2: memref<1280x128xf32, #tpu.memory_space<vmem>>, %arg3: memref<1280x128xf32, #tpu.memory_space<vmem>>, %arg4: memref<1280x128xf32, #tpu.memory_space<vmem>>, %arg5: memref<1x128xf32, #tpu.memory_space<vmem>>, %arg6: memref<1280x128xf32, #tpu.memory_space<vmem>>) attributes {dimension_semantics = [#tpu.dimension_semantics<arbitrary>], iteration_bounds = array<i64: 8>, scalar_prefetch = 0 : i64, scratch_operands = 0 : i64, tpu.core_type = #tpu.core_type<tc>, window_params = [{transform_indices = @transform_0, window_bounds = array<i64: 1280, 128>}, {transform_indices = @transform_1, window_bounds = array<i64: 1280, 128>}, {transform_indices = @transform_2, window_bounds = array<i64: 1280, 128>}, {transform_indices = @transform_3, window_bounds = array<i64: 1280, 128>}, {pipeline_mode = #tpu.pipeline_mode<synchronous>, transform_indices = @transform_4, window_bounds = array<i64: 1, 128>}, {transform_indices = @transform_5, window_bounds = array<i64: 1280, 128>}]} {
    %get3A = arith.constant 0 : index
    %get3A_0 = arith.constant 0 : index
    %get3A_1 = vector.load %arg4[%get3A, %get3A_0] : memref<1280x128xf32, #tpu.memory_space<vmem>>, vector<1280x128xf32>
    %get3A_2 = arith.constant 0 : index
    %get3A_3 = arith.constant 0 : index
    %get3A_4 = vector.load %arg1[%get3A_2, %get3A_3] : memref<1280x128xf32, #tpu.memory_space<vmem>>, vector<1280x128xf32>
    %get3A_5 = arith.constant 0 : index
    %get3A_6 = arith.constant 0 : index
    %get3A_7 = vector.load %arg2[%get3A_5, %get3A_6] : memref<1280x128xf32, #tpu.memory_space<vmem>>, vector<1280x128xf32>
    %add3A = arith.addf %get3A_4, %get3A_7 : vector<1280x128xf32>
    %get3A_8 = arith.constant 0 : index
    %get3A_9 = arith.constant 0 : index
    %get3A_10 = vector.load %arg3[%get3A_8, %get3A_9] : memref<1280x128xf32, #tpu.memory_space<vmem>>, vector<1280x128xf32>
    %add3A_11 = arith.addf %add3A, %get3A_10 : vector<1280x128xf32>
    %mul3A = arith.mulf %get3A_1, %add3A_11 : vector<1280x128xf32>
    %get3A_12 = arith.constant 0 : index
    %get3A_13 = arith.constant 0 : index
    %get3A_14 = vector.load %arg5[%get3A_12, %get3A_13] : memref<1x128xf32, #tpu.memory_space<vmem>>, vector<1x128xf32>
    %add3A_15 = vector.broadcast %get3A_14 : vector<1x128xf32> to vector<1280x128xf32>
    %add3A_16 = arith.addf %mul3A, %add3A_15 : vector<1280x128xf32>
    %swap3A = arith.constant 0 : index
    %swap3A_17 = arith.constant 0 : index
    %swap3A_18 = vector.load %arg6[%swap3A, %swap3A_17] : memref<1280x128xf32, #tpu.memory_space<vmem>>, vector<1280x128xf32>
    tpu.vector_store %arg6[%swap3A, %swap3A_17], %add3A_16 {strides = array<i32>} : memref<1280x128xf32, #tpu.memory_space<vmem>>, vector<1280x128xf32>,
    return
  }
  func.func @transform_0(%arg0: i32) -> (i32, i32) {
    %c0_i32 = arith.constant 0 : i32
    %c0_i32_0 = arith.constant 0 : i32
    return %arg0, %c0_i32 : i32, i32
  }
  func.func @transform_1(%arg0: i32) -> (i32, i32) {
    %c0_i32 = arith.constant 0 : i32
    %c0_i32_0 = arith.constant 0 : i32
    return %arg0, %c0_i32 : i32, i32
  }
  func.func @transform_2(%arg0: i32) -> (i32, i32) {
    %c0_i32 = arith.constant 0 : i32
    %c0_i32_0 = arith.constant 0 : i32
    return %arg0, %c0_i32 : i32, i32
  }
  func.func @transform_3(%arg0: i32) -> (i32, i32) {
    %c0_i32 = arith.constant 0 : i32
    %c0_i32_0 = arith.constant 0 : i32
    return %arg0, %c0_i32 : i32, i32
  }
  func.func @transform_4(%arg0: i32) -> (i32, i32) {
    %c0_i32 = arith.constant 0 : i32
    %c0_i32_0 = arith.constant 0 : i32
    %c0_i32_1 = arith.constant 0 : i32
    return %c0_i32, %c0_i32_0 : i32, i32
  }
  func.func @transform_5(%arg0: i32) -> (i32, i32) {
    %c0_i32 = arith.constant 0 : i32
    %c0_i32_0 = arith.constant 0 : i32
    return %arg0, %c0_i32 : i32, i32
  }
}

</mosaic_0001>

<sc_bundles>
// kernel: kernel.11.cloned.1.call-start
scs
__scs_entry_jumppad:
0x0: {  	(pc) =	sbr.rel $0x88, $3  }
0x1: {  	(tag) =	ssettag $0x0;
	lr =	simm.s32 $0x1  }
0x2: {  	[smem:$0x3F9A] =	sst lr;
	_ =	strace $0xD0000000  }
0x3: {  	_ = 	snop  }
0x4: {  	_ = 	snop  }
0x5: {  	_ = 	snop  }
0x6: {  	_ = 	snop  }
0x7: {  	_ = 	snop  }
__scs_overlays_trampoline_lowered:
0x8: {  	[smem:$0x3FA9] =	sst s0  }
0x9: {  	[smem:$0x3FAA] =	sst s1  }
0xa: {  	[smem:$0x3FAB] =	sst s2  }
0xb: {  	[smem:$0x3FAC] =	sst s3  }
0xc: {  	[smem:$0x3FAD] =	sst s4  }
0xd: {  	[smem:$0x3FAE] =	sst s5  }
0xe: {  	[smem:$0x3FAF] =	sst s6  }
0xf: {  	[smem:$0x3FB0] =	sst s7  }
0x10: {  	[smem:$0x3FB1] =	sst s8  }
0x11: {  	[smem:$0x3FB2] =	sst s9;
	s0 =	simm.s32 @!p0 $0x0  }
0x12: {  	s1 =	sld [smem:$0x3F98];
	s0 =	simm.s32 @p0 $0x1  }
0x13: {  	[smem:$0x3FB3] =	sst s0;
	s0 =	simm.s32 @!p1 $0x0  }
0x14: {  	s2 =	sld [smem:$0x3F97];
	s0 =	simm.s32 @p1 $0x1  }
0x15: {  	[smem:$0x3FB4] =	sst s0;
	s0 =	simm.s32 @!p2 $0x0  }
0x16: {  	s3 =	sld [smem:$0x3FDB];
	s0 =	simm.s32 @p2 $0x1  }
0x17: {  	s4 =	simm.s32 $0x1BF5;
	[smem:$0x3FB6] =	sst s0  }
0x18: {  	s0 =	sld [smem:$0x3F99];
	_ =	swait.ge [sflag:s4], $0x0  }
0x19: {  	s7 =	sld [smem:$0x3F9A]  }
0x1a: {  	s8 =	sadd.s32 $0xFFFFE003, lr  }
0x1b: {  	s9 =	sadd.s32 $0xFFFFFEF7, lr;
	s5 =	simm.s32 $0xFFFFFFFF;
	p2 =	slt.u32 s8, $0xFFFFF086  }
0x1c: {  	p1 =	slt.u32 s9, $0xF7A;
	s5 =	simm.s32 @!p2 $0x0  }
0x1d: {  	s5 =	simm.s32 @p1 $0x1;
	p0 =	seq.s32 s7, s2  }
0x1e: {  	s7 =	smul.u32 @!p0 $0xF7A, s2;
	p2 =	seq.s32 @!p0 s5, $0x0  }
0x1f: {  	s9 =	smul.u32 $0xF7A, s1;
	s8 =	simm.s32 @!p0 $0x1BF5;
	p2 =	por !p2, p0  }
0x20: {  	[sflag:s8] =	ssyncset.s32 @!p0 $0xFFFFF086;
	s6 =	sadd.s32 @!p0 s3, s7;
	s7 =	simm.s32 @!p0 $0x108  }
0x21: {  	s3 =	sadd.s32 s3, s9;
	s6 =	sadd.s32 @!p0 $0x88, s6;
	s7 =	simm.s32 @p2 $0x1082  }
0x22: {  	[simem:s7], [sflag:s8] =	dma.local @!p0 [hbm:s6], $0xF7A  }
0x23: {  	s9 =	sor.u32 $0xD0000000, s2;
	s6 =	simm.s32 $0x108;
	_ =	swait.ge @!p0 [sflag:s8], $0x0  }
0x24: {  	s3 =	sadd.s32 $0x88, s3;
	s6 =	simm.s32 @!p1 $0x1082;
	[sflag:s4] =	ssyncset.s32 $0xFFFFF086  }
0x25: {  	[simem:s6], [sflag:s4] =	dma.local [hbm:s3], $0xF7A  }
0x26: {  	[smem:$0x3F9A] =	sst s1;
	(tag) =	ssettag s2;
	_ =	strace s9  }
0x27: {  	s1 =	sld [smem:$0x3FAA]  }
0x28: {  	s2 =	sld [smem:$0x3FAB]  }
0x29: {  	s4 =	sld [smem:$0x3FAD]  }
0x2a: {  	p0 =	seq.s32 s5, $0x0;
	s5 =	sld [smem:$0x3FAE]  }
0x2b: {  	s6 =	sld [smem:$0x3FAF]  }
0x2c: {  	s7 =	sld [smem:$0x3FB0]  }
0x2d: {  	s3 =	simm.s32 $0x108;
	s8 =	sld [smem:$0x3FB1]  }
0x2e: {  	s3 =	simm.s32 @!p0 $0x1082;
	s9 =	sld [smem:$0x3FB2]  }
0x2f: {  	lr =	sadd.s32 s0, s3;
	s0 =	sld [smem:$0x3FA9]  }
0x30: {  	s3 =	sld [smem:$0x3FAC]  }
0x31: {  	[smem:$0x3FB5] =	sst s10  }
0x32: {  	s10 =	sld [smem:$0x3FB3];
	_ =	sdelay $0x3  }
0x33: {  	p0 =	seq.s32 s10, $0x1;
	s10 =	sld [smem:$0x3FB5];
	_ =	sdelay $0x3  }
0x34: {  	[smem:$0x3FB5] =	sst s10  }
0x35: {  	s10 =	sld [smem:$0x3FB4];
	_ =	sdelay $0x3  }
0x36: {  	p1 =	seq.s32 s10, $0x1;
	s10 =	sld [smem:$0x3FB5];
	_ =	sdelay $0x3  }
0x37: {  	[smem:$0x3FB5] =	sst s10  }
0x38: {  	s10 =	sld [smem:$0x3FB6]  }
0x39: {  	_ = 	snop;
	(pc) =	sbr.ind lr, $3  }
0x3a: {  	_ = 	snop  }
0x3b: {  	_ = 	snop  }
0x3c: {  	p2 =	seq.s32 s10, $0x1;
	s10 =	sld [smem:$0x3FB5]  }
0x3d: {  	_ =	shalt  }
0x3e: {  	_ =	shalt  }
0x3f: {  	_ =	shalt  }
0x40: {  	_ =	shalt  }
0x41: {  	_ =	shalt  }
0x42: {  	_ =	shalt  }
0x43: {  	_ =	shalt  }
0x44: {  	_ =	shalt  }
0x45: {  	_ =	shalt  }
0x46: {  	_ =	shalt  }
0x47: {  	_ =	shalt  }
0x48: {  	_ =	shalt  }
0x49: {  	_ =	shalt  }
0x4a: {  	_ =	shalt  }
0x4b: {  	_ =	shalt  }
0x4c: {  	_ =	shalt  }
0x4d: {  	_ =	shalt  }
0x4e: {  	_ =	shalt  }
0x4f: {  	_ =	shalt  }
0x50: {  	_ =	shalt  }
0x51: {  	_ =	shalt  }
0x52: {  	_ =	shalt  }
0x53: {  	_ =	shalt  }
0x54: {  	_ =	shalt  }
0x55: {  	_ =	shalt  }
0x56: {  	_ =	shalt  }
0x57: {  	_ =	shalt  }
0x58: {  	_ =	shalt  }
0x59: {  	_ =	shalt  }
0x5a: {  	_ =	shalt  }
0x5b: {  	_ =	shalt  }
0x5c: {  	_ =	shalt  }
0x5d: {  	_ =	shalt  }
0x5e: {  	_ =	shalt  }
0x5f: {  	_ =	shalt  }
0x60: {  	_ =	shalt  }
0x61: {  	_ =	shalt  }
0x62: {  	_ =	shalt  }
0x63: {  	_ =	shalt  }
0x64: {  	_ =	shalt  }
0x65: {  	_ =	shalt  }
0x66: {  	_ =	shalt  }
0x67: {  	_ =	shalt  }
0x68: {  	_ =	shalt  }
0x69: {  	_ =	shalt  }
0x6a: {  	_ =	shalt  }
0x6b: {  	_ =	shalt  }
0x6c: {  	_ =	shalt  }
0x6d: {  	_ =	shalt  }
0x6e: {  	_ =	shalt  }
0x6f: {  	_ =	shalt  }
0x70: {  	_ =	shalt  }
0x71: {  	_ =	shalt  }
0x72: {  	_ =	shalt  }
0x73: {  	_ =	shalt  }
0x74: {  	_ =	shalt  }
0x75: {  	_ =	shalt  }
0x76: {  	_ =	shalt  }
0x77: {  	_ =	shalt  }
0x78: {  	_ =	shalt  }
0x79: {  	_ =	shalt  }
0x7a: {  	_ =	shalt  }
0x7b: {  	_ =	shalt  }
0x7c: {  	_ =	shalt  }
0x7d: {  	_ =	shalt  }
0x7e: {  	_ =	shalt  }
0x7f: {  	_ =	shalt  }
0x80: {  	_ =	shalt  }
0x81: {  	_ =	shalt  }
0x82: {  	_ =	shalt  }
0x83: {  	_ =	shalt  }
0x84: {  	_ =	shalt  }
0x85: {  	_ =	shalt  }
0x86: {  	_ =	shalt  }
0x87: {  	_ =	shalt  }
.Lfunc_end0:
.L_simem_size_0:
called_computation.1_lowered:
.L_overlay_start_0:
0x88: {  	s2 =	sld [smem:$0x3FD9]  }
0x89: {  	s3 =	sld [smem:$0x3FFE];
	_ =	sdelay $0x1  }
0x8a: {  	s1 =	srdreg.scid  }
0x8b: {  	s0 =	sand.u32 $0x1, s1  }
0x8c: {  	s17 =	sshll.u32 s0, $0xA;
	s2 =	sadd.s32 s3, s2  }
0x8d: {  	s2 =	sadd.s32 s2, s17  }
0x8e: {  	[smem:$0x3FC1] =	sst s2  }
0x8f: {  	_ = 	snop  }
0x90: {  	s2 =	sld [smem:$0x3FD0];
	(tm) =	ssettm $0x1  }
0x91: {  	s18 =	sld [smem:$0x3FFB];
	_ =	sdelay $0x3  }
0x92: {  	_ =	strace s18  }
0x93: {  	s3 =	sld [smem:$0x3FFC];
	_ =	sdelay $0x3  }
0x94: {  	_ =	strace s3  }
0x95: {  	s3 =	sld [smem:$0x3FFD];
	_ =	sdelay $0x3  }
0x96: {  	_ =	strace s3  }
0x97: {  	_ =	strace $0x8FFFFFFF  }
0x98: {  	s19 =	sld [smem:$0x3FDB];
	_ =	sdelay $0x1  }
0x99: {  	s4 =	simm.s32 $_scs_section_size  }
0x9a: {  	s5 =	simm.s32 $_size__tile_overlayer_lowered;
	s6 =	simm.s32 $_tile_overlayer_lowered  }
0x9b: {  	s22 =	simm.s32 $0x1BFF;
	s21 =	sshll.u32 s6, $0x1;
	s3 =	sadd.s32 s4, s19  }
0x9c: {  	s7 =	simm.s32 $0x0;
	s20 =	sshll.u32 s5, $0x1;
	s5 =	sadd.s32 s21, s3  }
0x9d: {  	[timem:s7], [sflag:s22] =	dma.local [hbm:s5], s20  }
0x9e: {  	_ =	swait.ge [sflag:s22], s20  }
0x9f: {  	s4 =	ssub.s32 $0x0, s20;
	[sflag:s22] =	ssyncset.done $0x0  }
0xa0: {  	[sflag:s22] =	ssyncadd.s32 s4;
	_ =	sdelay $0x1  }
0xa1: {  	s23 =	simm.s32 $0x1B8B  }
0xa2: {  	_ =	swait.ge [sflag:s23], $0x1  }
0xa3: {  	[sflag:s23] =	ssyncset.done $0x0  }
0xa4: {  	s25 =	simm.s32 $0x1B8E;
	s24 =	sld [smem:$0x3FFE];
	[sflag:s23] =	ssyncadd.s32 $0xFFFFFFFF  }
0xa5: {  	s26 =	simm.s32 $execute0_lowered;
	[smem:$0x3FD2] =	sst s25  }
0xa6: {  	s5 =	sshll.u32 s26, $0x1;
	_ =	strace $0x80000049;
	[dreg:$0x1] =	wrdreg $0xFFFFFFFF  }
0xa7: {  	s28 =	simm.s32 $_size_execute0_lowered;
	s3 =	sadd.s32 s3, s5;
	[dreg:$0x0] =	wrdreg $0x0  }
0xa8: {  	s5 =	sshll.u32 s28, $0x1;
	[dreg:$0x2] =	wrdreg s3  }
0xa9: {  	[dreg:$0x3] =	wrdreg s5  }
0xaa: {  	[dreg:$0x4] =	wrdreg $0xC0  }
0xab: {  	_ =	task [dreg:s7], $0x5FFFF  }
0xac: {  	[dreg:$0x1] =	wrdreg $0xFFFFFFFF  }
0xad: {  	[dreg:$0x0] =	wrdreg $0x60  }
0xae: {  	[dreg:$0x2] =	wrdreg s24  }
0xaf: {  	[dreg:$0x3] =	wrdreg s2  }
0xb0: {  	[dreg:$0x4] =	wrdreg $0xA8000  }
0xb1: {  	[dreg:$0x5] =	wrdreg $0x9  }
0xb2: {  	_ =	task.clear_ibuf [dreg:s7], $0x6FFFF;
	_ =	strace $0x90000049  }
0xb3: {  	s29 =	simm.s32 $0x9;
	_ =	strace $0x8000004B  }
0xb4: {  	_ =	swait.ge [sflag:s29], $0x1  }
0xb5: {  	[sflag:s29] =	ssyncadd.s32 $0xFFFFFFFF  }
0xb6: {  	_ =	strace $0x9000004B  }
0xb7: {  	_ =	sfence  }
0xb8: {  	s30 =	sld [smem:$0x0];
	_ =	sdelay $0x2  }
0xb9: {  	s31 =	sshll.u32 s1, $0xD;
	s1 =	sshrl.u32 s1, $0x2  }
0xba: {  	s3 =	sand.u32 $0x4000, s31;
	s1 =	sadd.s32 s1, s30  }
0xbb: {  	s0 =	sor.u32 s3, s0;
	s1 =	sshll.u32 s1, $0x11  }
0xbc: {  	s0 =	sor.u32 s1, s0  }
0xbd: {  	s0 =	sadd.s32 $0x8F2B, s0  }
0xbe: {  	[sflag:s0] =	ssyncadd.remote.s32 $0x1  }
0xbf: {  	_ =	sfence.sel $0xFFFF  }
0xc0: {  	[dreg:$0x0] =	wrdreg $0xFFFFFFFF;
	(pc) =	sbr.abs _section_cstart, $3  }
0xc1: {  	[dreg:$0x1] =	wrdreg $0xFFFFFFFF  }
0xc2: {  	_ =	task.clear_ibuf [dreg:s7], $0x2FFFF;
	_ =	strace $0x9FFFFFFF  }
0xc3: {  	(tm) =	ssettm $0x7FFFFFFF  }
tec
execute0_lowered:
.L_overlay_start_1:
0x0: {  	(tag) =	ssettag $0x1  }
0x1: {  	s0 =	rddreg [dreg:$0x0];
	s1 =	srdreg.scid  }
0x2: {  	s8 =	stileid.u32;
	s5 =	rddreg [dreg:$0x1]  }
0x3: {  	s2 =	rddreg [dreg:$0x2];
	s19 =	simm.s32 $0x2800;
	s20 =	simm.s32 $0x5  }
0x4: {  	s21 =	simm.s32 $0x1400;
	s22 =	simm.s32 $0x80;
	s23 =	simm.s32 $0x1  }
0x5: {  	s24 =	simm.s32 $0x6800;
	s25 =	simm.s32 $0x2;
	s28 =	simm.s32 $0x100  }
0x6: {  	s29 =	simm.s32 $0x1480;
	s30 =	simm.s32 $0x4;
	s31 =	simm.s32 $0x0  }
0x7: {  	s1 =	sand.u32 $0x1, s1;
	s3 =	sshll.u32 s8, $0x1;
	s6 =	smul.u32 $0x280, s8  }
0x8: {  	s8 =	smul.u32 $0x50000, s8;
	s9 =	sadd.s32 $0x3600, s0;
	s4 =	sor.u32 s1, s3  }
0x9: {  	s3 =	simm.s32 $0x0;
	s7 =	smul.u32 $0x2800, s1;
	s1 =	ssub.s32 $0x2, s1  }
0xa: {  	s12 =	smul.u32 $0x500, s4;
	[smem:$0x7FF] =	sst s3;
	s4 =	sadd.s32 $0x3E00, s0  }
0xb: {  	s26 =	sshrl.u32 s1, $0x1;
	s8 =	sshrl.u32 s8, $0x2;
	_ =	strace $0x8000004A  }
0xc: {  	[dreg:$0x4] =	wrdreg s9;
	s6 =	sadd.s32 s6, s7;
	s1 =	ssub.s32 s1, s26  }
0xd: {  	s26 =	simm.s32 $0x3;
	s11 =	sadd.s32 s12, s0;
	s6 =	sshll.u32 s6, $0x4  }
.Ltmp0:
0xe: {  	s12 =	sadd.s32 s5, s12;
	s18 =	smax.u32 s1, $0x1;
	(pc) =	sbr.rel .LBB2_1-.Ltmp0, $4  }
0xf: {  	s0 =	sadd.s32 s6, s0;
	s6 =	sadd.s32 s8, s2;
	s11 =	sadd.s32 $0x54600, s11  }
0x10: {  	s7 =	sadd.s32 $0x4000, s6;
	s8 =	sadd.s32 $0x8000, s6;
	s9 =	sadd.s32 $0xC000, s6  }
0x11: {  	s10 =	sadd.s32 $0x10000, s6;
	s13 =	sadd.s32 $0x5E600, s0;
	s14 =	sadd.s32 $0x5EE00, s0  }
0x12: {  	s15 =	sadd.s32 $0x5F600, s0;
	s16 =	sadd.s32 $0x5FE00, s0;
	s17 =	sadd.s32 $0x60600, s0  }
.LBB2_7:
0x13: {  	[spmem:s2] =	stream.indirect.scatter.add.f32 [tilespmem:s24], [sflag:$0x4], $0x80, s5, s22, $0xb8;
	[tilespmem:$0x1E800] =	vst v63  }
0x14: {  	_ =	swait.ge [sflag:s30], $0x4000  }
0x15: {  	[sflag:s30] =	ssyncset.done $0x0  }
0x16: {  	[sflag:s30] =	ssyncadd.s32 $0xFFFFC000  }
0x17: {  	[bflag:$0x0] =	sbarrier.arrive $0xFFFF  }
0x18: {  	[tilespmem:s19], [sflag:$0x5] =	stream.linear.gather [spmem:s6], $0x4000, $0x38;
	[tilespmem:$0x1E800] =	vst v63  }
0x19: {  	_ =	swait.ge [sflag:s20], $0x4000  }
0x1a: {  	[sflag:s20] =	ssyncset.done $0x0  }
0x1b: {  	[sflag:s20] =	ssyncadd.s32 $0xFFFFC000  }
0x1c: {  	[hbm4b:s13+s3] =	stream.linear.scatter [tilespmem:s19], [sflag:$0x5], $0x4000, $0x38;
	[tilespmem:$0x1E800] =	vst v63  }
0x1d: {  	_ =	swait.ge [sflag:s20], $0x4000  }
0x1e: {  	[sflag:s20] =	ssyncset.done $0x0  }
0x1f: {  	[sflag:s20] =	ssyncadd.s32 $0xFFFFC000  }
0x20: {  	[tilespmem:s19], [sflag:$0x5] =	stream.linear.gather [spmem:s7], $0x4000, $0x38;
	[tilespmem:$0x1E800] =	vst v63  }
0x21: {  	_ =	swait.ge [sflag:s20], $0x4000  }
0x22: {  	[sflag:s20] =	ssyncset.done $0x0  }
0x23: {  	[sflag:s20] =	ssyncadd.s32 $0xFFFFC000  }
0x24: {  	[hbm4b:s14+s3] =	stream.linear.scatter [tilespmem:s19], [sflag:$0x5], $0x4000, $0x38;
	[tilespmem:$0x1E800] =	vst v63  }
0x25: {  	_ =	swait.ge [sflag:s20], $0x4000  }
0x26: {  	[sflag:s20] =	ssyncset.done $0x0  }
0x27: {  	[sflag:s20] =	ssyncadd.s32 $0xFFFFC000  }
0x28: {  	[tilespmem:s19], [sflag:$0x5] =	stream.linear.gather [spmem:s8], $0x4000, $0x38;
	[tilespmem:$0x1E800] =	vst v63  }
0x29: {  	_ =	swait.ge [sflag:s20], $0x4000  }
0x2a: {  	[sflag:s20] =	ssyncset.done $0x0  }
0x2b: {  	[sflag:s20] =	ssyncadd.s32 $0xFFFFC000  }
0x2c: {  	[hbm4b:s15+s3] =	stream.linear.scatter [tilespmem:s19], [sflag:$0x5], $0x4000, $0x38;
	[tilespmem:$0x1E800] =	vst v63  }
0x2d: {  	_ =	swait.ge [sflag:s20], $0x4000  }
0x2e: {  	[sflag:s20] =	ssyncset.done $0x0  }
0x2f: {  	[sflag:s20] =	ssyncadd.s32 $0xFFFFC000  }
0x30: {  	[tilespmem:s19], [sflag:$0x5] =	stream.linear.gather [spmem:s9], $0x4000, $0x38;
	[tilespmem:$0x1E800] =	vst v63  }
0x31: {  	_ =	swait.ge [sflag:s20], $0x4000  }
0x32: {  	[sflag:s20] =	ssyncset.done $0x0  }
0x33: {  	[sflag:s20] =	ssyncadd.s32 $0xFFFFC000  }
0x34: {  	[hbm4b:s16+s3] =	stream.linear.scatter [tilespmem:s19], [sflag:$0x5], $0x4000, $0x38;
	[tilespmem:$0x1E800] =	vst v63  }
0x35: {  	_ =	swait.ge [sflag:s20], $0x4000  }
0x36: {  	[sflag:s20] =	ssyncset.done $0x0  }
0x37: {  	[sflag:s20] =	ssyncadd.s32 $0xFFFFC000  }
0x38: {  	[tilespmem:s19], [sflag:$0x5] =	stream.linear.gather [spmem:s10], $0x4000, $0x38;
	[tilespmem:$0x1E800] =	vst v63  }
0x39: {  	s31 =	sadd.s32 $0x1, s31;
	_ =	swait.ge [sflag:s20], $0x4000  }
0x3a: {  	p0 =	sne.s32 s31, s18;
	[sflag:s20] =	ssyncset.done $0x0  }
.Ltmp1:
0x3b: {  	[sflag:s20] =	ssyncadd.s32 $0xFFFFC000;
	(pc) =	sbr.rel @!p0 .LBB2_8-.Ltmp1, $4  }
0x3c: {  	[hbm4b:s17+s3] =	stream.linear.scatter [tilespmem:s19], [sflag:$0x5], $0x4000, $0x38;
	[tilespmem:$0x1E800] =	vst v63  }
0x3d: {  	_ =	swait.ge [sflag:s20], $0x4000  }
0x3e: {  	[sflag:s20] =	ssyncset.done $0x0  }
0x3f: {  	[sflag:s20] =	ssyncadd.s32 $0xFFFFC000  }
.LBB2_1:
0x40: {  	s0 =	rddreg [dreg:$0x4]  }
0x41: {  	[tilespmem:s19], [sflag:$0x5] =	stream.linear.gather [hbm4b:s0+s3], $0x4000, $0x38;
	[tilespmem:$0x1E800] =	vst v63  }
0x42: {  	_ =	swait.ge [sflag:s20], $0x4000  }
0x43: {  	[sflag:s20] =	ssyncset.done $0x0  }
0x44: {  	[sflag:s20] =	ssyncadd.s32 $0xFFFFC000  }
0x45: {  	[spmem:s6] =	stream.linear.scatter [tilespmem:s19], [sflag:$0x5], $0x4000, $0x38;
	[tilespmem:$0x1E800] =	vst v63  }
0x46: {  	_ =	swait.ge [sflag:s20], $0x4000  }
0x47: {  	[sflag:s20] =	ssyncset.done $0x0  }
0x48: {  	[sflag:s20] =	ssyncadd.s32 $0xFFFFC000  }
0x49: {  	[spmem:s7] =	stream.linear.scatter [tilespmem:s19], [sflag:$0x5], $0x4000, $0x38;
	[tilespmem:$0x1E800] =	vst v63  }
0x4a: {  	_ =	swait.ge [sflag:s20], $0x4000  }
0x4b: {  	[sflag:s20] =	ssyncset.done $0x0  }
0x4c: {  	[sflag:s20] =	ssyncadd.s32 $0xFFFFC000  }
0x4d: {  	[spmem:s8] =	stream.linear.scatter [tilespmem:s19], [sflag:$0x5], $0x4000, $0x38;
	[tilespmem:$0x1E800] =	vst v63  }
0x4e: {  	_ =	swait.ge [sflag:s20], $0x4000  }
0x4f: {  	[sflag:s20] =	ssyncset.done $0x0  }
0x50: {  	[sflag:s20] =	ssyncadd.s32 $0xFFFFC000  }
0x51: {  	[spmem:s9] =	stream.linear.scatter [tilespmem:s19], [sflag:$0x5], $0x4000, $0x38;
	[tilespmem:$0x1E800] =	vst v63  }
0x52: {  	_ =	swait.ge [sflag:s20], $0x4000  }
0x53: {  	[sflag:s20] =	ssyncset.done $0x0  }
0x54: {  	[sflag:s20] =	ssyncadd.s32 $0xFFFFC000  }
0x55: {  	[spmem:s10] =	stream.linear.scatter [tilespmem:s19], [sflag:$0x5], $0x4000, $0x38;
	[tilespmem:$0x1E800] =	vst v63  }
0x56: {  	_ =	swait.ge [sflag:s20], $0x4000  }
0x57: {  	[sflag:s20] =	ssyncset.done $0x0  }
0x58: {  	[sflag:s20] =	ssyncadd.s32 $0xFFFFC000  }
0x59: {  	[bflag:$0x0] =	sbarrier.arrive $0xFFFF  }
0x5a: {  	[tilespmem:s3], [sflag:$0x5] =	stream.linear.gather [hbm4b:s11+s3], $0x1400, $0x38;
	[tilespmem:$0x1E800] =	vst v63  }
0x5b: {  	_ =	swait.ge [sflag:s20], $0x1400  }
0x5c: {  	[sflag:s20] =	ssyncset.done $0x0  }
0x5d: {  	[sflag:s20] =	ssyncadd.s32 $0xFFFFEC00  }
0x5e: {  	[tilespmem:s21], [sflag:$0x5] =	stream.linear.gather [hbm4b:s12+s3], $0x1400, $0x38;
	[tilespmem:$0x1E800] =	vst v63  }
0x5f: {  	_ =	swait.ge [sflag:s20], $0x1400  }
0x60: {  	[sflag:s20] =	ssyncset.done $0x0  }
0x61: {  	[sflag:s20] =	ssyncadd.s32 $0xFFFFEC00  }
0x62: {  	[tilespmem:s19], [sflag:$0x1] =	stream.indirect.gather [hbm4b:s4+s22], $0x80, s3, s22, $0xb8;
	[tilespmem:$0x1E800] =	vst v63  }
0x63: {  	_ =	swait.ge [sflag:s23], $0x4000  }
0x64: {  	[sflag:s23] =	ssyncset.done $0x0  }
0x65: {  	[sflag:s23] =	ssyncadd.s32 $0xFFFFC000  }
0x66: {  	[tilespmem:s24], [sflag:$0x2] =	stream.indirect.gather [hbm4b:s4+s22], $0x80, s22, s22, $0xb8;
	[tilespmem:$0x1E800] =	vst v63  }
0x67: {  	_ = 	snop  }
0x68: {  	[spmem:s2] =	stream.indirect.scatter.add.f32 [tilespmem:s19], [sflag:$0x3], $0x80, s21, s22, $0xb8;
	[tilespmem:$0x1E800] =	vst v63  }
0x69: {  	_ =	swait.ge [sflag:s25], $0x4000  }
0x6a: {  	[sflag:s25] =	ssyncset.done $0x0  }
0x6b: {  	[sflag:s25] =	ssyncadd.s32 $0xFFFFC000  }
0x6c: {  	_ =	swait.ge [sflag:s26], $0x4000  }
0x6d: {  	[sflag:s26] =	ssyncset.done $0x0  }
0x6e: {  	[sflag:s26] =	ssyncadd.s32 $0xFFFFC000  }
0x6f: {  	[tilespmem:s19], [sflag:$0x1] =	stream.indirect.gather [hbm4b:s4+s22], $0x80, s28, s22, $0xb8;
	[tilespmem:$0x1E800] =	vst v63  }
0x70: {  	s1 =	simm.s32 $0xFFFFB800  }
0x71: {  	[spmem:s2] =	stream.indirect.scatter.add.f32 [tilespmem:s24], [sflag:$0x4], $0x80, s29, s22, $0xb8;
	[tilespmem:$0x1E800] =	vst v63  }
.LBB2_2:
0x72: {  	_ =	swait.ge [sflag:s23], $0x4000  }
0x73: {  	[sflag:s23] =	ssyncset.done $0x0  }
0x74: {  	[sflag:s23] =	ssyncadd.s32 $0xFFFFC000  }
0x75: {  	_ =	swait.ge [sflag:s30], $0x4000  }
0x76: {  	s0 =	sshra.s32 s1, $0x2;
	[sflag:s30] =	ssyncset.done $0x0  }
0x77: {  	s5 =	sadd.s32 $0x1380, s0;
	[sflag:s30] =	ssyncadd.s32 $0xFFFFC000  }
0x78: {  	[tilespmem:s24], [sflag:$0x2] =	stream.indirect.gather [hbm4b:s4+s22], $0x80, s5, s22, $0xb8;
	[tilespmem:$0x1E800] =	vst v63  }
0x79: {  	s5 =	sadd.s32 $0x2700, s0  }
0x7a: {  	[spmem:s2] =	stream.indirect.scatter.add.f32 [tilespmem:s19], [sflag:$0x3], $0x80, s5, s22, $0xb8;
	[tilespmem:$0x1E800] =	vst v63  }
0x7b: {  	p0 =	seq.s32 s1, $0x0;
	_ =	swait.ge [sflag:s25], $0x4000  }
.Ltmp2:
0x7c: {  	[sflag:s25] =	ssyncset.done $0x0;
	(pc) =	sbr.rel @p0 .LBB2_4-.Ltmp2, $4  }
0x7d: {  	[sflag:s25] =	ssyncadd.s32 $0xFFFFC000  }
0x7e: {  	_ =	swait.ge [sflag:s26], $0x4000  }
0x7f: {  	[sflag:s26] =	ssyncset.done $0x0  }
0x80: {  	s5 =	sadd.s32 $0x2780, s0;
	[sflag:s26] =	ssyncadd.s32 $0xFFFFC000  }
.Ltmp3:
0x81: {  	(pc) =	sbr.rel .LBB2_2-.Ltmp3, $4  }
0x82: {  	s0 =	sadd.s32 $0x1400, s0  }
0x83: {  	[tilespmem:s19], [sflag:$0x1] =	stream.indirect.gather [hbm4b:s4+s22], $0x80, s0, s22, $0xb8;
	[tilespmem:$0x1E800] =	vst v63  }
0x84: {  	s1 =	sadd.s32 $0x400, s1  }
0x85: {  	[spmem:s2] =	stream.indirect.scatter.add.f32 [tilespmem:s24], [sflag:$0x4], $0x80, s5, s22, $0xb8;
	[tilespmem:$0x1E800] =	vst v63  }
.LBB2_4:
0x86: {  	[spmem:s2] =	stream.indirect.scatter.add.f32 [tilespmem:s24], [sflag:$0x4], $0x80, s5, s22, $0xb8;
	[tilespmem:$0x1E800] =	vst v63  }
0x87: {  	_ =	swait.ge [sflag:s30], $0x4000  }
0x88: {  	[sflag:s30] =	ssyncset.done $0x0  }
0x89: {  	s0 =	sadd.s32 $0x280, s11;
	[sflag:s30] =	ssyncadd.s32 $0xFFFFC000  }
0x8a: {  	[tilespmem:s3], [sflag:$0x5] =	stream.linear.gather [hbm4b:s0+s3], $0x1400, $0x38;
	[tilespmem:$0x1E800] =	vst v63  }
0x8b: {  	_ =	swait.ge [sflag:s20], $0x1400  }
0x8c: {  	[sflag:s20] =	ssyncset.done $0x0  }
0x8d: {  	s5 =	sadd.s32 $0x280, s12;
	[sflag:s20] =	ssyncadd.s32 $0xFFFFEC00  }
0x8e: {  	[tilespmem:s21], [sflag:$0x5] =	stream.linear.gather [hbm4b:s5+s3], $0x1400, $0x38;
	[tilespmem:$0x1E800] =	vst v63  }
0x8f: {  	_ =	swait.ge [sflag:s20], $0x1400  }
0x90: {  	[sflag:s20] =	ssyncset.done $0x0  }
0x91: {  	[sflag:s20] =	ssyncadd.s32 $0xFFFFEC00  }
0x92: {  	[tilespmem:s19], [sflag:$0x1] =	stream.indirect.gather [hbm4b:s4+s22], $0x80, s3, s22, $0xb8;
	[tilespmem:$0x1E800] =	vst v63  }
0x93: {  	_ =	swait.ge [sflag:s23], $0x4000  }
0x94: {  	[sflag:s23] =	ssyncset.done $0x0  }
0x95: {  	[sflag:s23] =	ssyncadd.s32 $0xFFFFC000  }
0x96: {  	[tilespmem:s24], [sflag:$0x2] =	stream.indirect.gather [hbm4b:s4+s22], $0x80, s22, s22, $0xb8;
	[tilespmem:$0x1E800] =	vst v63  }
0x97: {  	_ = 	snop  }
0x98: {  	[spmem:s2] =	stream.indirect.scatter.add.f32 [tilespmem:s19], [sflag:$0x3], $0x80, s21, s22, $0xb8;
	[tilespmem:$0x1E800] =	vst v63  }
0x99: {  	_ =	swait.ge [sflag:s25], $0x4000  }
0x9a: {  	[sflag:s25] =	ssyncset.done $0x0  }
0x9b: {  	[sflag:s25] =	ssyncadd.s32 $0xFFFFC000  }
0x9c: {  	_ =	swait.ge [sflag:s26], $0x4000  }
0x9d: {  	[sflag:s26] =	ssyncset.done $0x0  }
0x9e: {  	[sflag:s26] =	ssyncadd.s32 $0xFFFFC000  }
0x9f: {  	[tilespmem:s19], [sflag:$0x1] =	stream.indirect.gather [hbm4b:s4+s22], $0x80, s28, s22, $0xb8;
	[tilespmem:$0x1E800] =	vst v63  }
0xa0: {  	s1 =	simm.s32 $0xFFFFB800  }
0xa1: {  	[spmem:s2] =	stream.indirect.scatter.add.f32 [tilespmem:s24], [sflag:$0x4], $0x80, s29, s22, $0xb8;
	[tilespmem:$0x1E800] =	vst v63  }
.LBB2_5:
0xa2: {  	_ =	swait.ge [sflag:s23], $0x4000  }
0xa3: {  	[sflag:s23] =	ssyncset.done $0x0  }
0xa4: {  	[sflag:s23] =	ssyncadd.s32 $0xFFFFC000  }
0xa5: {  	_ =	swait.ge [sflag:s30], $0x4000  }
0xa6: {  	s0 =	sshra.s32 s1, $0x2;
	[sflag:s30] =	ssyncset.done $0x0  }
0xa7: {  	s5 =	sadd.s32 $0x1380, s0;
	[sflag:s30] =	ssyncadd.s32 $0xFFFFC000  }
0xa8: {  	[tilespmem:s24], [sflag:$0x2] =	stream.indirect.gather [hbm4b:s4+s22], $0x80, s5, s22, $0xb8;
	[tilespmem:$0x1E800] =	vst v63  }
0xa9: {  	s5 =	sadd.s32 $0x2700, s0  }
0xaa: {  	[spmem:s2] =	stream.indirect.scatter.add.f32 [tilespmem:s19], [sflag:$0x3], $0x80, s5, s22, $0xb8;
	[tilespmem:$0x1E800] =	vst v63  }
0xab: {  	p0 =	seq.s32 s1, $0x0;
	_ =	swait.ge [sflag:s25], $0x4000  }
.Ltmp4:
0xac: {  	[sflag:s25] =	ssyncset.done $0x0;
	(pc) =	sbr.rel @p0 .LBB2_7-.Ltmp4, $4  }
0xad: {  	[sflag:s25] =	ssyncadd.s32 $0xFFFFC000  }
0xae: {  	_ =	swait.ge [sflag:s26], $0x4000  }
0xaf: {  	[sflag:s26] =	ssyncset.done $0x0  }
0xb0: {  	s5 =	sadd.s32 $0x2780, s0;
	[sflag:s26] =	ssyncadd.s32 $0xFFFFC000  }
.Ltmp5:
0xb1: {  	(pc) =	sbr.rel .LBB2_5-.Ltmp5, $4  }
0xb2: {  	s0 =	sadd.s32 $0x1400, s0  }
0xb3: {  	[tilespmem:s19], [sflag:$0x1] =	stream.indirect.gather [hbm4b:s4+s22], $0x80, s0, s22, $0xb8;
	[tilespmem:$0x1E800] =	vst v63  }
0xb4: {  	s1 =	sadd.s32 $0x400, s1  }
0xb5: {  	[spmem:s2] =	stream.indirect.scatter.add.f32 [tilespmem:s24], [sflag:$0x4], $0x80, s5, s22, $0xb8;
	[tilespmem:$0x1E800] =	vst v63  }
.LBB2_8:
0xb6: {  	_ =	sfence.sel $0x180000  }
0xb7: {  	[bflag:$0x0] =	sbarrier.arrive $0xFFFF  }
0xb8: {  	_ =	strace $0x9000004A  }
0xb9: {  	s0 =	stileid.u32;
	[bflag:$0x2] =	sbarrier.arrive $0xFFFF  }
0xba: {  	p0 =	sne.s32 s0, $0x0;
	s0 =	rddreg [dreg:$0x3]  }
0xbb: {  	s0 =	sadd.s32 @!p0 $0x100000, s0  }
0xbc: {  	[sflag:s0] =	ssyncadd.tile.s32 @!p0 $0x1;
	_ =	shalt  }
.Lfunc_end2:
_tile_overlayer_lowered:
.L_overlay_start_2:
0xbd: {  	(tag) =	ssettag $0x2  }
0xbe: {  	s0 =	rddreg [dreg:$0x0];
	s2 =	stileid.u32  }
0xbf: {  	s1 =	rddreg [dreg:$0x1];
	p0 =	sne.s32 s2, $0x0  }
0xc0: {  	s3 =	rddreg [dreg:$0x2];
	[bflag:$0x3] =	sbarrier.arrive $0xFFFF;
	s2 =	simm.s32 @!p0 $0x1C05  }
0xc1: {  	[timem:s3], [sflag:s2] =	dma.local @!p0 [hbm:s0], s1  }
0xc2: {  	s0 =	simm.s32 @!p0 $0x5  }
0xc3: {  	_ =	swait.ge @!p0 [sflag:s0], s1  }
0xc4: {  	s1 =	ssub.s32 @!p0 $0x0, s1;
	[sflag:s0] =	ssyncset.done @!p0 $0x0  }
0xc5: {  	[sflag:s0] =	ssyncadd.s32 @!p0 s1  }
0xc6: {  	[bflag:$0x3] =	sbarrier.arrive $0xFFFF  }
0xc7: {  	_ =	shalt  }

// kernel: kernel.14.cloned.1.call-start
scs
__scs_entry_jumppad:
0x0: {  	(pc) =	sbr.rel $0x88, $3  }
0x1: {  	(tag) =	ssettag $0x0;
	lr =	simm.s32 $0x1  }
0x2: {  	[smem:$0x3F9A] =	sst lr;
	_ =	strace $0xD0000000  }
0x3: {  	_ = 	snop  }
0x4: {  	_ = 	snop  }
0x5: {  	_ = 	snop  }
0x6: {  	_ = 	snop  }
0x7: {  	_ = 	snop  }
__scs_overlays_trampoline_lowered:
0x8: {  	[smem:$0x3FA9] =	sst s0  }
0x9: {  	[smem:$0x3FAA] =	sst s1  }
0xa: {  	[smem:$0x3FAB] =	sst s2  }
0xb: {  	[smem:$0x3FAC] =	sst s3  }
0xc: {  	[smem:$0x3FAD] =	sst s4  }
0xd: {  	[smem:$0x3FAE] =	sst s5  }
0xe: {  	[smem:$0x3FAF] =	sst s6  }
0xf: {  	[smem:$0x3FB0] =	sst s7  }
0x10: {  	[smem:$0x3FB1] =	sst s8  }
0x11: {  	[smem:$0x3FB2] =	sst s9;
	s0 =	simm.s32 @!p0 $0x0  }
0x12: {  	s1 =	sld [smem:$0x3F98];
	s0 =	simm.s32 @p0 $0x1  }
0x13: {  	[smem:$0x3FB3] =	sst s0;
	s0 =	simm.s32 @!p1 $0x0  }
0x14: {  	s2 =	sld [smem:$0x3F97];
	s0 =	simm.s32 @p1 $0x1  }
0x15: {  	[smem:$0x3FB4] =	sst s0;
	s0 =	simm.s32 @!p2 $0x0  }
0x16: {  	s3 =	sld [smem:$0x3FDB];
	s0 =	simm.s32 @p2 $0x1  }
0x17: {  	s4 =	simm.s32 $0x1BF5;
	[smem:$0x3FB6] =	sst s0  }
0x18: {  	s0 =	sld [smem:$0x3F99];
	_ =	swait.ge [sflag:s4], $0x0  }
0x19: {  	s7 =	sld [smem:$0x3F9A]  }
0x1a: {  	s8 =	sadd.s32 $0xFFFFE003, lr  }
0x1b: {  	s9 =	sadd.s32 $0xFFFFFEF7, lr;
	s5 =	simm.s32 $0xFFFFFFFF;
	p2 =	slt.u32 s8, $0xFFFFF086  }
0x1c: {  	p1 =	slt.u32 s9, $0xF7A;
	s5 =	simm.s32 @!p2 $0x0  }
0x1d: {  	s5 =	simm.s32 @p1 $0x1;
	p0 =	seq.s32 s7, s2  }
0x1e: {  	s7 =	smul.u32 @!p0 $0xF7A, s2;
	p2 =	seq.s32 @!p0 s5, $0x0  }
0x1f: {  	s9 =	smul.u32 $0xF7A, s1;
	s8 =	simm.s32 @!p0 $0x1BF5;
	p2 =	por !p2, p0  }
0x20: {  	[sflag:s8] =	ssyncset.s32 @!p0 $0xFFFFF086;
	s6 =	sadd.s32 @!p0 s3, s7;
	s7 =	simm.s32 @!p0 $0x108  }
0x21: {  	s3 =	sadd.s32 s3, s9;
	s6 =	sadd.s32 @!p0 $0x88, s6;
	s7 =	simm.s32 @p2 $0x1082  }
0x22: {  	[simem:s7], [sflag:s8] =	dma.local @!p0 [hbm:s6], $0xF7A  }
0x23: {  	s9 =	sor.u32 $0xD0000000, s2;
	s6 =	simm.s32 $0x108;
	_ =	swait.ge @!p0 [sflag:s8], $0x0  }
0x24: {  	s3 =	sadd.s32 $0x88, s3;
	s6 =	simm.s32 @!p1 $0x1082;
	[sflag:s4] =	ssyncset.s32 $0xFFFFF086  }
0x25: {  	[simem:s6], [sflag:s4] =	dma.local [hbm:s3], $0xF7A  }
0x26: {  	[smem:$0x3F9A] =	sst s1;
	(tag) =	ssettag s2;
	_ =	strace s9  }
0x27: {  	s1 =	sld [smem:$0x3FAA]  }
0x28: {  	s2 =	sld [smem:$0x3FAB]  }
0x29: {  	s4 =	sld [smem:$0x3FAD]  }
0x2a: {  	p0 =	seq.s32 s5, $0x0;
	s5 =	sld [smem:$0x3FAE]  }
0x2b: {  	s6 =	sld [smem:$0x3FAF]  }
0x2c: {  	s7 =	sld [smem:$0x3FB0]  }
0x2d: {  	s3 =	simm.s32 $0x108;
	s8 =	sld [smem:$0x3FB1]  }
0x2e: {  	s3 =	simm.s32 @!p0 $0x1082;
	s9 =	sld [smem:$0x3FB2]  }
0x2f: {  	lr =	sadd.s32 s0, s3;
	s0 =	sld [smem:$0x3FA9]  }
0x30: {  	s3 =	sld [smem:$0x3FAC]  }
0x31: {  	[smem:$0x3FB5] =	sst s10  }
0x32: {  	s10 =	sld [smem:$0x3FB3];
	_ =	sdelay $0x3  }
0x33: {  	p0 =	seq.s32 s10, $0x1;
	s10 =	sld [smem:$0x3FB5];
	_ =	sdelay $0x3  }
0x34: {  	[smem:$0x3FB5] =	sst s10  }
0x35: {  	s10 =	sld [smem:$0x3FB4];
	_ =	sdelay $0x3  }
0x36: {  	p1 =	seq.s32 s10, $0x1;
	s10 =	sld [smem:$0x3FB5];
	_ =	sdelay $0x3  }
0x37: {  	[smem:$0x3FB5] =	sst s10  }
0x38: {  	s10 =	sld [smem:$0x3FB6]  }
0x39: {  	_ = 	snop;
	(pc) =	sbr.ind lr, $3  }
0x3a: {  	_ = 	snop  }
0x3b: {  	_ = 	snop  }
0x3c: {  	p2 =	seq.s32 s10, $0x1;
	s10 =	sld [smem:$0x3FB5]  }
0x3d: {  	_ =	shalt  }
0x3e: {  	_ =	shalt  }
0x3f: {  	_ =	shalt  }
0x40: {  	_ =	shalt  }
0x41: {  	_ =	shalt  }
0x42: {  	_ =	shalt  }
0x43: {  	_ =	shalt  }
0x44: {  	_ =	shalt  }
0x45: {  	_ =	shalt  }
0x46: {  	_ =	shalt  }
0x47: {  	_ =	shalt  }
0x48: {  	_ =	shalt  }
0x49: {  	_ =	shalt  }
0x4a: {  	_ =	shalt  }
0x4b: {  	_ =	shalt  }
0x4c: {  	_ =	shalt  }
0x4d: {  	_ =	shalt  }
0x4e: {  	_ =	shalt  }
0x4f: {  	_ =	shalt  }
0x50: {  	_ =	shalt  }
0x51: {  	_ =	shalt  }
0x52: {  	_ =	shalt  }
0x53: {  	_ =	shalt  }
0x54: {  	_ =	shalt  }
0x55: {  	_ =	shalt  }
0x56: {  	_ =	shalt  }
0x57: {  	_ =	shalt  }
0x58: {  	_ =	shalt  }
0x59: {  	_ =	shalt  }
0x5a: {  	_ =	shalt  }
0x5b: {  	_ =	shalt  }
0x5c: {  	_ =	shalt  }
0x5d: {  	_ =	shalt  }
0x5e: {  	_ =	shalt  }
0x5f: {  	_ =	shalt  }
0x60: {  	_ =	shalt  }
0x61: {  	_ =	shalt  }
0x62: {  	_ =	shalt  }
0x63: {  	_ =	shalt  }
0x64: {  	_ =	shalt  }
0x65: {  	_ =	shalt  }
0x66: {  	_ =	shalt  }
0x67: {  	_ =	shalt  }
0x68: {  	_ =	shalt  }
0x69: {  	_ =	shalt  }
0x6a: {  	_ =	shalt  }
0x6b: {  	_ =	shalt  }
0x6c: {  	_ =	shalt  }
0x6d: {  	_ =	shalt  }
0x6e: {  	_ =	shalt  }
0x6f: {  	_ =	shalt  }
0x70: {  	_ =	shalt  }
0x71: {  	_ =	shalt  }
0x72: {  	_ =	shalt  }
0x73: {  	_ =	shalt  }
0x74: {  	_ =	shalt  }
0x75: {  	_ =	shalt  }
0x76: {  	_ =	shalt  }
0x77: {  	_ =	shalt  }
0x78: {  	_ =	shalt  }
0x79: {  	_ =	shalt  }
0x7a: {  	_ =	shalt  }
0x7b: {  	_ =	shalt  }
0x7c: {  	_ =	shalt  }
0x7d: {  	_ =	shalt  }
0x7e: {  	_ =	shalt  }
0x7f: {  	_ =	shalt  }
0x80: {  	_ =	shalt  }
0x81: {  	_ =	shalt  }
0x82: {  	_ =	shalt  }
0x83: {  	_ =	shalt  }
0x84: {  	_ =	shalt  }
0x85: {  	_ =	shalt  }
0x86: {  	_ =	shalt  }
0x87: {  	_ =	shalt  }
.Lfunc_end0:
.L_simem_size_0:
called_computation.2_lowered:
.L_overlay_start_0:
0x88: {  	s2 =	sld [smem:$0x3FD9]  }
0x89: {  	s3 =	sld [smem:$0x3FFE];
	_ =	sdelay $0x1  }
0x8a: {  	s1 =	srdreg.scid  }
0x8b: {  	s0 =	sand.u32 $0x1, s1  }
0x8c: {  	s17 =	sshll.u32 s0, $0xA;
	s2 =	sadd.s32 s3, s2  }
0x8d: {  	s2 =	sadd.s32 s2, s17  }
0x8e: {  	[smem:$0x3FC1] =	sst s2  }
0x8f: {  	_ = 	snop  }
0x90: {  	s2 =	sld [smem:$0x3FD0];
	(tm) =	ssettm $0x1  }
0x91: {  	s18 =	sld [smem:$0x3FFB];
	_ =	sdelay $0x3  }
0x92: {  	_ =	strace s18  }
0x93: {  	s3 =	sld [smem:$0x3FFC];
	_ =	sdelay $0x3  }
0x94: {  	_ =	strace s3  }
0x95: {  	s3 =	sld [smem:$0x3FFD];
	_ =	sdelay $0x3  }
0x96: {  	_ =	strace s3  }
0x97: {  	_ =	strace $0x8FFFFFFF  }
0x98: {  	s19 =	sld [smem:$0x3FDB];
	_ =	sdelay $0x1  }
0x99: {  	s4 =	simm.s32 $_scs_section_size  }
0x9a: {  	s5 =	simm.s32 $_size__tile_overlayer_lowered;
	s6 =	simm.s32 $_tile_overlayer_lowered  }
0x9b: {  	s22 =	simm.s32 $0x1BFF;
	s21 =	sshll.u32 s6, $0x1;
	s3 =	sadd.s32 s4, s19  }
0x9c: {  	s7 =	simm.s32 $0x0;
	s20 =	sshll.u32 s5, $0x1;
	s5 =	sadd.s32 s21, s3  }
0x9d: {  	[timem:s7], [sflag:s22] =	dma.local [hbm:s5], s20  }
0x9e: {  	_ =	swait.ge [sflag:s22], s20  }
0x9f: {  	s4 =	ssub.s32 $0x0, s20;
	[sflag:s22] =	ssyncset.done $0x0  }
0xa0: {  	[sflag:s22] =	ssyncadd.s32 s4;
	_ =	sdelay $0x1  }
0xa1: {  	s23 =	simm.s32 $0x1B8B  }
0xa2: {  	_ =	swait.ge [sflag:s23], $0x1  }
0xa3: {  	[sflag:s23] =	ssyncset.done $0x0  }
0xa4: {  	s25 =	simm.s32 $0x1B8E;
	s24 =	sld [smem:$0x3FFE];
	[sflag:s23] =	ssyncadd.s32 $0xFFFFFFFF  }
0xa5: {  	s26 =	simm.s32 $execute0_lowered;
	[smem:$0x3FD2] =	sst s25  }
0xa6: {  	s5 =	sshll.u32 s26, $0x1;
	_ =	strace $0x8000004C;
	[dreg:$0x1] =	wrdreg $0xFFFFFFFF  }
0xa7: {  	s28 =	simm.s32 $_size_execute0_lowered;
	s3 =	sadd.s32 s3, s5;
	[dreg:$0x0] =	wrdreg $0x0  }
0xa8: {  	s5 =	sshll.u32 s28, $0x1;
	[dreg:$0x2] =	wrdreg s3  }
0xa9: {  	[dreg:$0x3] =	wrdreg s5  }
0xaa: {  	[dreg:$0x4] =	wrdreg $0xC0  }
0xab: {  	_ =	task [dreg:s7], $0x5FFFF  }
0xac: {  	[dreg:$0x1] =	wrdreg $0xFFFFFFFF  }
0xad: {  	[dreg:$0x0] =	wrdreg $0x60  }
0xae: {  	[dreg:$0x2] =	wrdreg s24  }
0xaf: {  	[dreg:$0x3] =	wrdreg s2  }
0xb0: {  	[dreg:$0x4] =	wrdreg $0xA8000  }
0xb1: {  	[dreg:$0x5] =	wrdreg $0x9  }
0xb2: {  	_ =	task.clear_ibuf [dreg:s7], $0x6FFFF;
	_ =	strace $0x9000004C  }
0xb3: {  	s29 =	simm.s32 $0x9;
	_ =	strace $0x8000004E  }
0xb4: {  	_ =	swait.ge [sflag:s29], $0x1  }
0xb5: {  	[sflag:s29] =	ssyncadd.s32 $0xFFFFFFFF  }
0xb6: {  	_ =	strace $0x9000004E  }
0xb7: {  	_ =	sfence  }
0xb8: {  	s30 =	sld [smem:$0x0];
	_ =	sdelay $0x2  }
0xb9: {  	s31 =	sshll.u32 s1, $0xD;
	s1 =	sshrl.u32 s1, $0x2  }
0xba: {  	s3 =	sand.u32 $0x4000, s31;
	s1 =	sadd.s32 s1, s30  }
0xbb: {  	s0 =	sor.u32 s3, s0;
	s1 =	sshll.u32 s1, $0x11  }
0xbc: {  	s0 =	sor.u32 s1, s0  }
0xbd: {  	s0 =	sadd.s32 $0x8F2B, s0  }
0xbe: {  	[sflag:s0] =	ssyncadd.remote.s32 $0x1  }
0xbf: {  	_ =	sfence.sel $0xFFFF  }
0xc0: {  	[dreg:$0x0] =	wrdreg $0xFFFFFFFF;
	(pc) =	sbr.abs _section_cstart, $3  }
0xc1: {  	[dreg:$0x1] =	wrdreg $0xFFFFFFFF  }
0xc2: {  	_ =	task.clear_ibuf [dreg:s7], $0x2FFFF;
	_ =	strace $0x9FFFFFFF  }
0xc3: {  	(tm) =	ssettm $0x7FFFFFFF  }
tec
execute0_lowered:
.L_overlay_start_1:
0x0: {  	(tag) =	ssettag $0x1  }
0x1: {  	s0 =	rddreg [dreg:$0x0];
	s1 =	srdreg.scid  }
0x2: {  	s8 =	stileid.u32;
	s5 =	rddreg [dreg:$0x1]  }
0x3: {  	s2 =	rddreg [dreg:$0x2];
	s19 =	simm.s32 $0x2800;
	s20 =	simm.s32 $0x5  }
0x4: {  	s21 =	simm.s32 $0x1400;
	s22 =	simm.s32 $0x80;
	s23 =	simm.s32 $0x1  }
0x5: {  	s24 =	simm.s32 $0x6800;
	s25 =	simm.s32 $0x2;
	s28 =	simm.s32 $0x100  }
0x6: {  	s29 =	simm.s32 $0x1480;
	s30 =	simm.s32 $0x4;
	s31 =	simm.s32 $0x0  }
0x7: {  	s1 =	sand.u32 $0x1, s1;
	s3 =	sshll.u32 s8, $0x1;
	s6 =	smul.u32 $0x280, s8  }
0x8: {  	s8 =	smul.u32 $0x50000, s8;
	s9 =	sadd.s32 $0x3600, s0;
	s4 =	sor.u32 s1, s3  }
0x9: {  	s3 =	simm.s32 $0x0;
	s7 =	smul.u32 $0x2800, s1;
	s1 =	ssub.s32 $0x2, s1  }
0xa: {  	s12 =	smul.u32 $0x500, s4;
	[smem:$0x7FF] =	sst s3;
	s4 =	sadd.s32 $0x3E00, s0  }
0xb: {  	s26 =	sshrl.u32 s1, $0x1;
	s8 =	sshrl.u32 s8, $0x2;
	_ =	strace $0x8000004D  }
0xc: {  	[dreg:$0x4] =	wrdreg s9;
	s6 =	sadd.s32 s6, s7;
	s1 =	ssub.s32 s1, s26  }
0xd: {  	s26 =	simm.s32 $0x3;
	s11 =	sadd.s32 s12, s0;
	s6 =	sshll.u32 s6, $0x4  }
.Ltmp0:
0xe: {  	s12 =	sadd.s32 s5, s12;
	s18 =	smax.u32 s1, $0x1;
	(pc) =	sbr.rel .LBB2_1-.Ltmp0, $4  }
0xf: {  	s0 =	sadd.s32 s6, s0;
	s6 =	sadd.s32 s8, s2;
	s11 =	sadd.s32 $0x54600, s11  }
0x10: {  	s7 =	sadd.s32 $0x4000, s6;
	s8 =	sadd.s32 $0x8000, s6;
	s9 =	sadd.s32 $0xC000, s6  }
0x11: {  	s10 =	sadd.s32 $0x10000, s6;
	s13 =	sadd.s32 $0x5E600, s0;
	s14 =	sadd.s32 $0x5EE00, s0  }
0x12: {  	s15 =	sadd.s32 $0x5F600, s0;
	s16 =	sadd.s32 $0x5FE00, s0;
	s17 =	sadd.s32 $0x60600, s0  }
.LBB2_7:
0x13: {  	[spmem:s2] =	stream.indirect.scatter.add.f32 [tilespmem:s24], [sflag:$0x4], $0x80, s5, s22, $0xb8;
	[tilespmem:$0x1E800] =	vst v63  }
0x14: {  	_ =	swait.ge [sflag:s30], $0x4000  }
0x15: {  	[sflag:s30] =	ssyncset.done $0x0  }
0x16: {  	[sflag:s30] =	ssyncadd.s32 $0xFFFFC000  }
0x17: {  	[bflag:$0x0] =	sbarrier.arrive $0xFFFF  }
0x18: {  	[tilespmem:s19], [sflag:$0x5] =	stream.linear.gather [spmem:s6], $0x4000, $0x38;
	[tilespmem:$0x1E800] =	vst v63  }
0x19: {  	_ =	swait.ge [sflag:s20], $0x4000  }
0x1a: {  	[sflag:s20] =	ssyncset.done $0x0  }
0x1b: {  	[sflag:s20] =	ssyncadd.s32 $0xFFFFC000  }
0x1c: {  	[hbm4b:s13+s3] =	stream.linear.scatter [tilespmem:s19], [sflag:$0x5], $0x4000, $0x38;
	[tilespmem:$0x1E800] =	vst v63  }
0x1d: {  	_ =	swait.ge [sflag:s20], $0x4000  }
0x1e: {  	[sflag:s20] =	ssyncset.done $0x0  }
0x1f: {  	[sflag:s20] =	ssyncadd.s32 $0xFFFFC000  }
0x20: {  	[tilespmem:s19], [sflag:$0x5] =	stream.linear.gather [spmem:s7], $0x4000, $0x38;
	[tilespmem:$0x1E800] =	vst v63  }
0x21: {  	_ =	swait.ge [sflag:s20], $0x4000  }
0x22: {  	[sflag:s20] =	ssyncset.done $0x0  }
0x23: {  	[sflag:s20] =	ssyncadd.s32 $0xFFFFC000  }
0x24: {  	[hbm4b:s14+s3] =	stream.linear.scatter [tilespmem:s19], [sflag:$0x5], $0x4000, $0x38;
	[tilespmem:$0x1E800] =	vst v63  }
0x25: {  	_ =	swait.ge [sflag:s20], $0x4000  }
0x26: {  	[sflag:s20] =	ssyncset.done $0x0  }
0x27: {  	[sflag:s20] =	ssyncadd.s32 $0xFFFFC000  }
0x28: {  	[tilespmem:s19], [sflag:$0x5] =	stream.linear.gather [spmem:s8], $0x4000, $0x38;
	[tilespmem:$0x1E800] =	vst v63  }
0x29: {  	_ =	swait.ge [sflag:s20], $0x4000  }
0x2a: {  	[sflag:s20] =	ssyncset.done $0x0  }
0x2b: {  	[sflag:s20] =	ssyncadd.s32 $0xFFFFC000  }
0x2c: {  	[hbm4b:s15+s3] =	stream.linear.scatter [tilespmem:s19], [sflag:$0x5], $0x4000, $0x38;
	[tilespmem:$0x1E800] =	vst v63  }
0x2d: {  	_ =	swait.ge [sflag:s20], $0x4000  }
0x2e: {  	[sflag:s20] =	ssyncset.done $0x0  }
0x2f: {  	[sflag:s20] =	ssyncadd.s32 $0xFFFFC000  }
0x30: {  	[tilespmem:s19], [sflag:$0x5] =	stream.linear.gather [spmem:s9], $0x4000, $0x38;
	[tilespmem:$0x1E800] =	vst v63  }
0x31: {  	_ =	swait.ge [sflag:s20], $0x4000  }
0x32: {  	[sflag:s20] =	ssyncset.done $0x0  }
0x33: {  	[sflag:s20] =	ssyncadd.s32 $0xFFFFC000  }
0x34: {  	[hbm4b:s16+s3] =	stream.linear.scatter [tilespmem:s19], [sflag:$0x5], $0x4000, $0x38;
	[tilespmem:$0x1E800] =	vst v63  }
0x35: {  	_ =	swait.ge [sflag:s20], $0x4000  }
0x36: {  	[sflag:s20] =	ssyncset.done $0x0  }
0x37: {  	[sflag:s20] =	ssyncadd.s32 $0xFFFFC000  }
0x38: {  	[tilespmem:s19], [sflag:$0x5] =	stream.linear.gather [spmem:s10], $0x4000, $0x38;
	[tilespmem:$0x1E800] =	vst v63  }
0x39: {  	s31 =	sadd.s32 $0x1, s31;
	_ =	swait.ge [sflag:s20], $0x4000  }
0x3a: {  	p0 =	sne.s32 s31, s18;
	[sflag:s20] =	ssyncset.done $0x0  }
.Ltmp1:
0x3b: {  	[sflag:s20] =	ssyncadd.s32 $0xFFFFC000;
	(pc) =	sbr.rel @!p0 .LBB2_8-.Ltmp1, $4  }
0x3c: {  	[hbm4b:s17+s3] =	stream.linear.scatter [tilespmem:s19], [sflag:$0x5], $0x4000, $0x38;
	[tilespmem:$0x1E800] =	vst v63  }
0x3d: {  	_ =	swait.ge [sflag:s20], $0x4000  }
0x3e: {  	[sflag:s20] =	ssyncset.done $0x0  }
0x3f: {  	[sflag:s20] =	ssyncadd.s32 $0xFFFFC000  }
.LBB2_1:
0x40: {  	s0 =	rddreg [dreg:$0x4]  }
0x41: {  	[tilespmem:s19], [sflag:$0x5] =	stream.linear.gather [hbm4b:s0+s3], $0x4000, $0x38;
	[tilespmem:$0x1E800] =	vst v63  }
0x42: {  	_ =	swait.ge [sflag:s20], $0x4000  }
0x43: {  	[sflag:s20] =	ssyncset.done $0x0  }
0x44: {  	[sflag:s20] =	ssyncadd.s32 $0xFFFFC000  }
0x45: {  	[spmem:s6] =	stream.linear.scatter [tilespmem:s19], [sflag:$0x5], $0x4000, $0x38;
	[tilespmem:$0x1E800] =	vst v63  }
0x46: {  	_ =	swait.ge [sflag:s20], $0x4000  }
0x47: {  	[sflag:s20] =	ssyncset.done $0x0  }
0x48: {  	[sflag:s20] =	ssyncadd.s32 $0xFFFFC000  }
0x49: {  	[spmem:s7] =	stream.linear.scatter [tilespmem:s19], [sflag:$0x5], $0x4000, $0x38;
	[tilespmem:$0x1E800] =	vst v63  }
0x4a: {  	_ =	swait.ge [sflag:s20], $0x4000  }
0x4b: {  	[sflag:s20] =	ssyncset.done $0x0  }
0x4c: {  	[sflag:s20] =	ssyncadd.s32 $0xFFFFC000  }
0x4d: {  	[spmem:s8] =	stream.linear.scatter [tilespmem:s19], [sflag:$0x5], $0x4000, $0x38;
	[tilespmem:$0x1E800] =	vst v63  }
0x4e: {  	_ =	swait.ge [sflag:s20], $0x4000  }
0x4f: {  	[sflag:s20] =	ssyncset.done $0x0  }
0x50: {  	[sflag:s20] =	ssyncadd.s32 $0xFFFFC000  }
0x51: {  	[spmem:s9] =	stream.linear.scatter [tilespmem:s19], [sflag:$0x5], $0x4000, $0x38;
	[tilespmem:$0x1E800] =	vst v63  }
0x52: {  	_ =	swait.ge [sflag:s20], $0x4000  }
0x53: {  	[sflag:s20] =	ssyncset.done $0x0  }
0x54: {  	[sflag:s20] =	ssyncadd.s32 $0xFFFFC000  }
0x55: {  	[spmem:s10] =	stream.linear.scatter [tilespmem:s19], [sflag:$0x5], $0x4000, $0x38;
	[tilespmem:$0x1E800] =	vst v63  }
0x56: {  	_ =	swait.ge [sflag:s20], $0x4000  }
0x57: {  	[sflag:s20] =	ssyncset.done $0x0  }
0x58: {  	[sflag:s20] =	ssyncadd.s32 $0xFFFFC000  }
0x59: {  	[bflag:$0x0] =	sbarrier.arrive $0xFFFF  }
0x5a: {  	[tilespmem:s3], [sflag:$0x5] =	stream.linear.gather [hbm4b:s11+s3], $0x1400, $0x38;
	[tilespmem:$0x1E800] =	vst v63  }
0x5b: {  	_ =	swait.ge [sflag:s20], $0x1400  }
0x5c: {  	[sflag:s20] =	ssyncset.done $0x0  }
0x5d: {  	[sflag:s20] =	ssyncadd.s32 $0xFFFFEC00  }
0x5e: {  	[tilespmem:s21], [sflag:$0x5] =	stream.linear.gather [hbm4b:s12+s3], $0x1400, $0x38;
	[tilespmem:$0x1E800] =	vst v63  }
0x5f: {  	_ =	swait.ge [sflag:s20], $0x1400  }
0x60: {  	[sflag:s20] =	ssyncset.done $0x0  }
0x61: {  	[sflag:s20] =	ssyncadd.s32 $0xFFFFEC00  }
0x62: {  	[tilespmem:s19], [sflag:$0x1] =	stream.indirect.gather [hbm4b:s4+s22], $0x80, s3, s22, $0xb8;
	[tilespmem:$0x1E800] =	vst v63  }
0x63: {  	_ =	swait.ge [sflag:s23], $0x4000  }
0x64: {  	[sflag:s23] =	ssyncset.done $0x0  }
0x65: {  	[sflag:s23] =	ssyncadd.s32 $0xFFFFC000  }
0x66: {  	[tilespmem:s24], [sflag:$0x2] =	stream.indirect.gather [hbm4b:s4+s22], $0x80, s22, s22, $0xb8;
	[tilespmem:$0x1E800] =	vst v63  }
0x67: {  	_ = 	snop  }
0x68: {  	[spmem:s2] =	stream.indirect.scatter.add.f32 [tilespmem:s19], [sflag:$0x3], $0x80, s21, s22, $0xb8;
	[tilespmem:$0x1E800] =	vst v63  }
0x69: {  	_ =	swait.ge [sflag:s25], $0x4000  }
0x6a: {  	[sflag:s25] =	ssyncset.done $0x0  }
0x6b: {  	[sflag:s25] =	ssyncadd.s32 $0xFFFFC000  }
0x6c: {  	_ =	swait.ge [sflag:s26], $0x4000  }
0x6d: {  	[sflag:s26] =	ssyncset.done $0x0  }
0x6e: {  	[sflag:s26] =	ssyncadd.s32 $0xFFFFC000  }
0x6f: {  	[tilespmem:s19], [sflag:$0x1] =	stream.indirect.gather [hbm4b:s4+s22], $0x80, s28, s22, $0xb8;
	[tilespmem:$0x1E800] =	vst v63  }
0x70: {  	s1 =	simm.s32 $0xFFFFB800  }
0x71: {  	[spmem:s2] =	stream.indirect.scatter.add.f32 [tilespmem:s24], [sflag:$0x4], $0x80, s29, s22, $0xb8;
	[tilespmem:$0x1E800] =	vst v63  }
.LBB2_2:
0x72: {  	_ =	swait.ge [sflag:s23], $0x4000  }
0x73: {  	[sflag:s23] =	ssyncset.done $0x0  }
0x74: {  	[sflag:s23] =	ssyncadd.s32 $0xFFFFC000  }
0x75: {  	_ =	swait.ge [sflag:s30], $0x4000  }
0x76: {  	s0 =	sshra.s32 s1, $0x2;
	[sflag:s30] =	ssyncset.done $0x0  }
0x77: {  	s5 =	sadd.s32 $0x1380, s0;
	[sflag:s30] =	ssyncadd.s32 $0xFFFFC000  }
0x78: {  	[tilespmem:s24], [sflag:$0x2] =	stream.indirect.gather [hbm4b:s4+s22], $0x80, s5, s22, $0xb8;
	[tilespmem:$0x1E800] =	vst v63  }
0x79: {  	s5 =	sadd.s32 $0x2700, s0  }
0x7a: {  	[spmem:s2] =	stream.indirect.scatter.add.f32 [tilespmem:s19], [sflag:$0x3], $0x80, s5, s22, $0xb8;
	[tilespmem:$0x1E800] =	vst v63  }
0x7b: {  	p0 =	seq.s32 s1, $0x0;
	_ =	swait.ge [sflag:s25], $0x4000  }
.Ltmp2:
0x7c: {  	[sflag:s25] =	ssyncset.done $0x0;
	(pc) =	sbr.rel @p0 .LBB2_4-.Ltmp2, $4  }
0x7d: {  	[sflag:s25] =	ssyncadd.s32 $0xFFFFC000  }
0x7e: {  	_ =	swait.ge [sflag:s26], $0x4000  }
0x7f: {  	[sflag:s26] =	ssyncset.done $0x0  }
0x80: {  	s5 =	sadd.s32 $0x2780, s0;
	[sflag:s26] =	ssyncadd.s32 $0xFFFFC000  }
.Ltmp3:
0x81: {  	(pc) =	sbr.rel .LBB2_2-.Ltmp3, $4  }
0x82: {  	s0 =	sadd.s32 $0x1400, s0  }
0x83: {  	[tilespmem:s19], [sflag:$0x1] =	stream.indirect.gather [hbm4b:s4+s22], $0x80, s0, s22, $0xb8;
	[tilespmem:$0x1E800] =	vst v63  }
0x84: {  	s1 =	sadd.s32 $0x400, s1  }
0x85: {  	[spmem:s2] =	stream.indirect.scatter.add.f32 [tilespmem:s24], [sflag:$0x4], $0x80, s5, s22, $0xb8;
	[tilespmem:$0x1E800] =	vst v63  }
.LBB2_4:
0x86: {  	[spmem:s2] =	stream.indirect.scatter.add.f32 [tilespmem:s24], [sflag:$0x4], $0x80, s5, s22, $0xb8;
	[tilespmem:$0x1E800] =	vst v63  }
0x87: {  	_ =	swait.ge [sflag:s30], $0x4000  }
0x88: {  	[sflag:s30] =	ssyncset.done $0x0  }
0x89: {  	s0 =	sadd.s32 $0x280, s11;
	[sflag:s30] =	ssyncadd.s32 $0xFFFFC000  }
0x8a: {  	[tilespmem:s3], [sflag:$0x5] =	stream.linear.gather [hbm4b:s0+s3], $0x1400, $0x38;
	[tilespmem:$0x1E800] =	vst v63  }
0x8b: {  	_ =	swait.ge [sflag:s20], $0x1400  }
0x8c: {  	[sflag:s20] =	ssyncset.done $0x0  }
0x8d: {  	s5 =	sadd.s32 $0x280, s12;
	[sflag:s20] =	ssyncadd.s32 $0xFFFFEC00  }
0x8e: {  	[tilespmem:s21], [sflag:$0x5] =	stream.linear.gather [hbm4b:s5+s3], $0x1400, $0x38;
	[tilespmem:$0x1E800] =	vst v63  }
0x8f: {  	_ =	swait.ge [sflag:s20], $0x1400  }
0x90: {  	[sflag:s20] =	ssyncset.done $0x0  }
0x91: {  	[sflag:s20] =	ssyncadd.s32 $0xFFFFEC00  }
0x92: {  	[tilespmem:s19], [sflag:$0x1] =	stream.indirect.gather [hbm4b:s4+s22], $0x80, s3, s22, $0xb8;
	[tilespmem:$0x1E800] =	vst v63  }
0x93: {  	_ =	swait.ge [sflag:s23], $0x4000  }
0x94: {  	[sflag:s23] =	ssyncset.done $0x0  }
0x95: {  	[sflag:s23] =	ssyncadd.s32 $0xFFFFC000  }
0x96: {  	[tilespmem:s24], [sflag:$0x2] =	stream.indirect.gather [hbm4b:s4+s22], $0x80, s22, s22, $0xb8;
	[tilespmem:$0x1E800] =	vst v63  }
0x97: {  	_ = 	snop  }
0x98: {  	[spmem:s2] =	stream.indirect.scatter.add.f32 [tilespmem:s19], [sflag:$0x3], $0x80, s21, s22, $0xb8;
	[tilespmem:$0x1E800] =	vst v63  }
0x99: {  	_ =	swait.ge [sflag:s25], $0x4000  }
0x9a: {  	[sflag:s25] =	ssyncset.done $0x0  }
0x9b: {  	[sflag:s25] =	ssyncadd.s32 $0xFFFFC000  }
0x9c: {  	_ =	swait.ge [sflag:s26], $0x4000  }
0x9d: {  	[sflag:s26] =	ssyncset.done $0x0  }
0x9e: {  	[sflag:s26] =	ssyncadd.s32 $0xFFFFC000  }
0x9f: {  	[tilespmem:s19], [sflag:$0x1] =	stream.indirect.gather [hbm4b:s4+s22], $0x80, s28, s22, $0xb8;
	[tilespmem:$0x1E800] =	vst v63  }
0xa0: {  	s1 =	simm.s32 $0xFFFFB800  }
0xa1: {  	[spmem:s2] =	stream.indirect.scatter.add.f32 [tilespmem:s24], [sflag:$0x4], $0x80, s29, s22, $0xb8;
	[tilespmem:$0x1E800] =	vst v63  }
.LBB2_5:
0xa2: {  	_ =	swait.ge [sflag:s23], $0x4000  }
0xa3: {  	[sflag:s23] =	ssyncset.done $0x0  }
0xa4: {  	[sflag:s23] =	ssyncadd.s32 $0xFFFFC000  }
0xa5: {  	_ =	swait.ge [sflag:s30], $0x4000  }
0xa6: {  	s0 =	sshra.s32 s1, $0x2;
	[sflag:s30] =	ssyncset.done $0x0  }
0xa7: {  	s5 =	sadd.s32 $0x1380, s0;
	[sflag:s30] =	ssyncadd.s32 $0xFFFFC000  }
0xa8: {  	[tilespmem:s24], [sflag:$0x2] =	stream.indirect.gather [hbm4b:s4+s22], $0x80, s5, s22, $0xb8;
	[tilespmem:$0x1E800] =	vst v63  }
0xa9: {  	s5 =	sadd.s32 $0x2700, s0  }
0xaa: {  	[spmem:s2] =	stream.indirect.scatter.add.f32 [tilespmem:s19], [sflag:$0x3], $0x80, s5, s22, $0xb8;
	[tilespmem:$0x1E800] =	vst v63  }
0xab: {  	p0 =	seq.s32 s1, $0x0;
	_ =	swait.ge [sflag:s25], $0x4000  }
.Ltmp4:
0xac: {  	[sflag:s25] =	ssyncset.done $0x0;
	(pc) =	sbr.rel @p0 .LBB2_7-.Ltmp4, $4  }
0xad: {  	[sflag:s25] =	ssyncadd.s32 $0xFFFFC000  }
0xae: {  	_ =	swait.ge [sflag:s26], $0x4000  }
0xaf: {  	[sflag:s26] =	ssyncset.done $0x0  }
0xb0: {  	s5 =	sadd.s32 $0x2780, s0;
	[sflag:s26] =	ssyncadd.s32 $0xFFFFC000  }
.Ltmp5:
0xb1: {  	(pc) =	sbr.rel .LBB2_5-.Ltmp5, $4  }
0xb2: {  	s0 =	sadd.s32 $0x1400, s0  }
0xb3: {  	[tilespmem:s19], [sflag:$0x1] =	stream.indirect.gather [hbm4b:s4+s22], $0x80, s0, s22, $0xb8;
	[tilespmem:$0x1E800] =	vst v63  }
0xb4: {  	s1 =	sadd.s32 $0x400, s1  }
0xb5: {  	[spmem:s2] =	stream.indirect.scatter.add.f32 [tilespmem:s24], [sflag:$0x4], $0x80, s5, s22, $0xb8;
	[tilespmem:$0x1E800] =	vst v63  }
.LBB2_8:
0xb6: {  	_ =	sfence.sel $0x180000  }
0xb7: {  	[bflag:$0x0] =	sbarrier.arrive $0xFFFF  }
0xb8: {  	_ =	strace $0x9000004D  }
0xb9: {  	s0 =	stileid.u32;
	[bflag:$0x2] =	sbarrier.arrive $0xFFFF  }
0xba: {  	p0 =	sne.s32 s0, $0x0;
	s0 =	rddreg [dreg:$0x3]  }
0xbb: {  	s0 =	sadd.s32 @!p0 $0x100000, s0  }
0xbc: {  	[sflag:s0] =	ssyncadd.tile.s32 @!p0 $0x1;
	_ =	shalt  }
.Lfunc_end2:
_tile_overlayer_lowered:
.L_overlay_start_2:
0xbd: {  	(tag) =	ssettag $0x2  }
0xbe: {  	s0 =	rddreg [dreg:$0x0];
	s2 =	stileid.u32  }
0xbf: {  	s1 =	rddreg [dreg:$0x1];
	p0 =	sne.s32 s2, $0x0  }
0xc0: {  	s3 =	rddreg [dreg:$0x2];
	[bflag:$0x3] =	sbarrier.arrive $0xFFFF;
	s2 =	simm.s32 @!p0 $0x1C05  }
0xc1: {  	[timem:s3], [sflag:s2] =	dma.local @!p0 [hbm:s0], s1  }
0xc2: {  	s0 =	simm.s32 @!p0 $0x5  }
0xc3: {  	_ =	swait.ge @!p0 [sflag:s0], s1  }
0xc4: {  	s1 =	ssub.s32 @!p0 $0x0, s1;
	[sflag:s0] =	ssyncset.done @!p0 $0x0  }
0xc5: {  	[sflag:s0] =	ssyncadd.s32 @!p0 s1  }
0xc6: {  	[bflag:$0x3] =	sbarrier.arrive $0xFFFF  }
0xc7: {  	_ =	shalt  }

// kernel: kernel.8.cloned.1.call-start
scs
__scs_entry_jumppad:
0x0: {  	(pc) =	sbr.rel $0x88, $3  }
0x1: {  	(tag) =	ssettag $0x0;
	lr =	simm.s32 $0x1  }
0x2: {  	[smem:$0x3F9A] =	sst lr;
	_ =	strace $0xD0000000  }
0x3: {  	_ = 	snop  }
0x4: {  	_ = 	snop  }
0x5: {  	_ = 	snop  }
0x6: {  	_ = 	snop  }
0x7: {  	_ = 	snop  }
__scs_overlays_trampoline_lowered:
0x8: {  	[smem:$0x3FA9] =	sst s0  }
0x9: {  	[smem:$0x3FAA] =	sst s1  }
0xa: {  	[smem:$0x3FAB] =	sst s2  }
0xb: {  	[smem:$0x3FAC] =	sst s3  }
0xc: {  	[smem:$0x3FAD] =	sst s4  }
0xd: {  	[smem:$0x3FAE] =	sst s5  }
0xe: {  	[smem:$0x3FAF] =	sst s6  }
0xf: {  	[smem:$0x3FB0] =	sst s7  }
0x10: {  	[smem:$0x3FB1] =	sst s8  }
0x11: {  	[smem:$0x3FB2] =	sst s9;
	s0 =	simm.s32 @!p0 $0x0  }
0x12: {  	s1 =	sld [smem:$0x3F98];
	s0 =	simm.s32 @p0 $0x1  }
0x13: {  	[smem:$0x3FB3] =	sst s0;
	s0 =	simm.s32 @!p1 $0x0  }
0x14: {  	s2 =	sld [smem:$0x3F97];
	s0 =	simm.s32 @p1 $0x1  }
0x15: {  	[smem:$0x3FB4] =	sst s0;
	s0 =	simm.s32 @!p2 $0x0  }
0x16: {  	s3 =	sld [smem:$0x3FDB];
	s0 =	simm.s32 @p2 $0x1  }
0x17: {  	s4 =	simm.s32 $0x1BF5;
	[smem:$0x3FB6] =	sst s0  }
0x18: {  	s0 =	sld [smem:$0x3F99];
	_ =	swait.ge [sflag:s4], $0x0  }
0x19: {  	s7 =	sld [smem:$0x3F9A]  }
0x1a: {  	s8 =	sadd.s32 $0xFFFFE003, lr  }
0x1b: {  	s9 =	sadd.s32 $0xFFFFFEF7, lr;
	s5 =	simm.s32 $0xFFFFFFFF;
	p2 =	slt.u32 s8, $0xFFFFF086  }
0x1c: {  	p1 =	slt.u32 s9, $0xF7A;
	s5 =	simm.s32 @!p2 $0x0  }
0x1d: {  	s5 =	simm.s32 @p1 $0x1;
	p0 =	seq.s32 s7, s2  }
0x1e: {  	s7 =	smul.u32 @!p0 $0xF7A, s2;
	p2 =	seq.s32 @!p0 s5, $0x0  }
0x1f: {  	s9 =	smul.u32 $0xF7A, s1;
	s8 =	simm.s32 @!p0 $0x1BF5;
	p2 =	por !p2, p0  }
0x20: {  	[sflag:s8] =	ssyncset.s32 @!p0 $0xFFFFF086;
	s6 =	sadd.s32 @!p0 s3, s7;
	s7 =	simm.s32 @!p0 $0x108  }
0x21: {  	s3 =	sadd.s32 s3, s9;
	s6 =	sadd.s32 @!p0 $0x88, s6;
	s7 =	simm.s32 @p2 $0x1082  }
0x22: {  	[simem:s7], [sflag:s8] =	dma.local @!p0 [hbm:s6], $0xF7A  }
0x23: {  	s9 =	sor.u32 $0xD0000000, s2;
	s6 =	simm.s32 $0x108;
	_ =	swait.ge @!p0 [sflag:s8], $0x0  }
0x24: {  	s3 =	sadd.s32 $0x88, s3;
	s6 =	simm.s32 @!p1 $0x1082;
	[sflag:s4] =	ssyncset.s32 $0xFFFFF086  }
0x25: {  	[simem:s6], [sflag:s4] =	dma.local [hbm:s3], $0xF7A  }
0x26: {  	[smem:$0x3F9A] =	sst s1;
	(tag) =	ssettag s2;
	_ =	strace s9  }
0x27: {  	s1 =	sld [smem:$0x3FAA]  }
0x28: {  	s2 =	sld [smem:$0x3FAB]  }
0x29: {  	s4 =	sld [smem:$0x3FAD]  }
0x2a: {  	p0 =	seq.s32 s5, $0x0;
	s5 =	sld [smem:$0x3FAE]  }
0x2b: {  	s6 =	sld [smem:$0x3FAF]  }
0x2c: {  	s7 =	sld [smem:$0x3FB0]  }
0x2d: {  	s3 =	simm.s32 $0x108;
	s8 =	sld [smem:$0x3FB1]  }
0x2e: {  	s3 =	simm.s32 @!p0 $0x1082;
	s9 =	sld [smem:$0x3FB2]  }
0x2f: {  	lr =	sadd.s32 s0, s3;
	s0 =	sld [smem:$0x3FA9]  }
0x30: {  	s3 =	sld [smem:$0x3FAC]  }
0x31: {  	[smem:$0x3FB5] =	sst s10  }
0x32: {  	s10 =	sld [smem:$0x3FB3];
	_ =	sdelay $0x3  }
0x33: {  	p0 =	seq.s32 s10, $0x1;
	s10 =	sld [smem:$0x3FB5];
	_ =	sdelay $0x3  }
0x34: {  	[smem:$0x3FB5] =	sst s10  }
0x35: {  	s10 =	sld [smem:$0x3FB4];
	_ =	sdelay $0x3  }
0x36: {  	p1 =	seq.s32 s10, $0x1;
	s10 =	sld [smem:$0x3FB5];
	_ =	sdelay $0x3  }
0x37: {  	[smem:$0x3FB5] =	sst s10  }
0x38: {  	s10 =	sld [smem:$0x3FB6]  }
0x39: {  	_ = 	snop;
	(pc) =	sbr.ind lr, $3  }
0x3a: {  	_ = 	snop  }
0x3b: {  	_ = 	snop  }
0x3c: {  	p2 =	seq.s32 s10, $0x1;
	s10 =	sld [smem:$0x3FB5]  }
0x3d: {  	_ =	shalt  }
0x3e: {  	_ =	shalt  }
0x3f: {  	_ =	shalt  }
0x40: {  	_ =	shalt  }
0x41: {  	_ =	shalt  }
0x42: {  	_ =	shalt  }
0x43: {  	_ =	shalt  }
0x44: {  	_ =	shalt  }
0x45: {  	_ =	shalt  }
0x46: {  	_ =	shalt  }
0x47: {  	_ =	shalt  }
0x48: {  	_ =	shalt  }
0x49: {  	_ =	shalt  }
0x4a: {  	_ =	shalt  }
0x4b: {  	_ =	shalt  }
0x4c: {  	_ =	shalt  }
0x4d: {  	_ =	shalt  }
0x4e: {  	_ =	shalt  }
0x4f: {  	_ =	shalt  }
0x50: {  	_ =	shalt  }
0x51: {  	_ =	shalt  }
0x52: {  	_ =	shalt  }
0x53: {  	_ =	shalt  }
0x54: {  	_ =	shalt  }
0x55: {  	_ =	shalt  }
0x56: {  	_ =	shalt  }
0x57: {  	_ =	shalt  }
0x58: {  	_ =	shalt  }
0x59: {  	_ =	shalt  }
0x5a: {  	_ =	shalt  }
0x5b: {  	_ =	shalt  }
0x5c: {  	_ =	shalt  }
0x5d: {  	_ =	shalt  }
0x5e: {  	_ =	shalt  }
0x5f: {  	_ =	shalt  }
0x60: {  	_ =	shalt  }
0x61: {  	_ =	shalt  }
0x62: {  	_ =	shalt  }
0x63: {  	_ =	shalt  }
0x64: {  	_ =	shalt  }
0x65: {  	_ =	shalt  }
0x66: {  	_ =	shalt  }
0x67: {  	_ =	shalt  }
0x68: {  	_ =	shalt  }
0x69: {  	_ =	shalt  }
0x6a: {  	_ =	shalt  }
0x6b: {  	_ =	shalt  }
0x6c: {  	_ =	shalt  }
0x6d: {  	_ =	shalt  }
0x6e: {  	_ =	shalt  }
0x6f: {  	_ =	shalt  }
0x70: {  	_ =	shalt  }
0x71: {  	_ =	shalt  }
0x72: {  	_ =	shalt  }
0x73: {  	_ =	shalt  }
0x74: {  	_ =	shalt  }
0x75: {  	_ =	shalt  }
0x76: {  	_ =	shalt  }
0x77: {  	_ =	shalt  }
0x78: {  	_ =	shalt  }
0x79: {  	_ =	shalt  }
0x7a: {  	_ =	shalt  }
0x7b: {  	_ =	shalt  }
0x7c: {  	_ =	shalt  }
0x7d: {  	_ =	shalt  }
0x7e: {  	_ =	shalt  }
0x7f: {  	_ =	shalt  }
0x80: {  	_ =	shalt  }
0x81: {  	_ =	shalt  }
0x82: {  	_ =	shalt  }
0x83: {  	_ =	shalt  }
0x84: {  	_ =	shalt  }
0x85: {  	_ =	shalt  }
0x86: {  	_ =	shalt  }
0x87: {  	_ =	shalt  }
.Lfunc_end0:
.L_simem_size_0:
called_computation_lowered:
.L_overlay_start_0:
0x88: {  	s2 =	sld [smem:$0x3FD9]  }
0x89: {  	s3 =	sld [smem:$0x3FFE];
	_ =	sdelay $0x1  }
0x8a: {  	s1 =	srdreg.scid  }
0x8b: {  	s0 =	sand.u32 $0x1, s1  }
0x8c: {  	s17 =	sshll.u32 s0, $0xA;
	s2 =	sadd.s32 s3, s2  }
0x8d: {  	s2 =	sadd.s32 s2, s17  }
0x8e: {  	[smem:$0x3FC1] =	sst s2  }
0x8f: {  	_ = 	snop  }
0x90: {  	s2 =	sld [smem:$0x3FD0];
	(tm) =	ssettm $0x1  }
0x91: {  	s18 =	sld [smem:$0x3FFB];
	_ =	sdelay $0x3  }
0x92: {  	_ =	strace s18  }
0x93: {  	s3 =	sld [smem:$0x3FFC];
	_ =	sdelay $0x3  }
0x94: {  	_ =	strace s3  }
0x95: {  	s3 =	sld [smem:$0x3FFD];
	_ =	sdelay $0x3  }
0x96: {  	_ =	strace s3  }
0x97: {  	_ =	strace $0x8FFFFFFF  }
0x98: {  	s19 =	sld [smem:$0x3FDB];
	_ =	sdelay $0x1  }
0x99: {  	s4 =	simm.s32 $_scs_section_size  }
0x9a: {  	s5 =	simm.s32 $_size__tile_overlayer_lowered;
	s6 =	simm.s32 $_tile_overlayer_lowered  }
0x9b: {  	s22 =	simm.s32 $0x1BFF;
	s21 =	sshll.u32 s6, $0x1;
	s3 =	sadd.s32 s4, s19  }
0x9c: {  	s7 =	simm.s32 $0x0;
	s20 =	sshll.u32 s5, $0x1;
	s5 =	sadd.s32 s21, s3  }
0x9d: {  	[timem:s7], [sflag:s22] =	dma.local [hbm:s5], s20  }
0x9e: {  	_ =	swait.ge [sflag:s22], s20  }
0x9f: {  	s4 =	ssub.s32 $0x0, s20;
	[sflag:s22] =	ssyncset.done $0x0  }
0xa0: {  	[sflag:s22] =	ssyncadd.s32 s4;
	_ =	sdelay $0x1  }
0xa1: {  	s23 =	simm.s32 $0x1B8B  }
0xa2: {  	_ =	swait.ge [sflag:s23], $0x1  }
0xa3: {  	[sflag:s23] =	ssyncset.done $0x0  }
0xa4: {  	s25 =	simm.s32 $0x1B8E;
	s24 =	sld [smem:$0x3FFE];
	[sflag:s23] =	ssyncadd.s32 $0xFFFFFFFF  }
0xa5: {  	s26 =	simm.s32 $execute0_lowered;
	[smem:$0x3FD2] =	sst s25  }
0xa6: {  	s5 =	sshll.u32 s26, $0x1;
	_ =	strace $0x80000046;
	[dreg:$0x1] =	wrdreg $0xFFFFFFFF  }
0xa7: {  	s28 =	simm.s32 $_size_execute0_lowered;
	s3 =	sadd.s32 s3, s5;
	[dreg:$0x0] =	wrdreg $0x0  }
0xa8: {  	s5 =	sshll.u32 s28, $0x1;
	[dreg:$0x2] =	wrdreg s3  }
0xa9: {  	[dreg:$0x3] =	wrdreg s5  }
0xaa: {  	[dreg:$0x4] =	wrdreg $0xC0  }
0xab: {  	_ =	task [dreg:s7], $0x5FFFF  }
0xac: {  	[dreg:$0x1] =	wrdreg $0xFFFFFFFF  }
0xad: {  	[dreg:$0x0] =	wrdreg $0x60  }
0xae: {  	[dreg:$0x2] =	wrdreg s2  }
0xaf: {  	[dreg:$0x3] =	wrdreg s24  }
0xb0: {  	[dreg:$0x4] =	wrdreg $0x54000  }
0xb1: {  	[dreg:$0x5] =	wrdreg $0x9  }
0xb2: {  	_ =	task.clear_ibuf [dreg:s7], $0x6FFFF;
	_ =	strace $0x90000046  }
0xb3: {  	s29 =	simm.s32 $0x9;
	_ =	strace $0x80000048  }
0xb4: {  	_ =	swait.ge [sflag:s29], $0x1  }
0xb5: {  	[sflag:s29] =	ssyncadd.s32 $0xFFFFFFFF  }
0xb6: {  	_ =	strace $0x90000048  }
0xb7: {  	_ =	sfence  }
0xb8: {  	s30 =	sld [smem:$0x0];
	_ =	sdelay $0x2  }
0xb9: {  	s31 =	sshll.u32 s1, $0xD;
	s1 =	sshrl.u32 s1, $0x2  }
0xba: {  	s3 =	sand.u32 $0x4000, s31;
	s1 =	sadd.s32 s1, s30  }
0xbb: {  	s0 =	sor.u32 s3, s0;
	s1 =	sshll.u32 s1, $0x11  }
0xbc: {  	s0 =	sor.u32 s1, s0  }
0xbd: {  	s0 =	sadd.s32 $0x8F2B, s0  }
0xbe: {  	[sflag:s0] =	ssyncadd.remote.s32 $0x1  }
0xbf: {  	_ =	sfence.sel $0xFFFF  }
0xc0: {  	[dreg:$0x0] =	wrdreg $0xFFFFFFFF;
	(pc) =	sbr.abs _section_cstart, $3  }
0xc1: {  	[dreg:$0x1] =	wrdreg $0xFFFFFFFF  }
0xc2: {  	_ =	task.clear_ibuf [dreg:s7], $0x2FFFF;
	_ =	strace $0x9FFFFFFF  }
0xc3: {  	(tm) =	ssettm $0x7FFFFFFF  }
tec
execute0_lowered:
.L_overlay_start_1:
0x0: {  	(tag) =	ssettag $0x1  }
0x1: {  	s11 =	rddreg [dreg:$0x0]  }
0x2: {  	s1 =	srdreg.scid;
	s6 =	rddreg [dreg:$0x1]  }
0x3: {  	s0 =	stileid.u32;
	s2 =	rddreg [dreg:$0x2];
	s3 =	simm.s32 $0x0  }
0x4: {  	s18 =	simm.s32 $0x1400;
	s19 =	simm.s32 $0x1;
	s20 =	simm.s32 $0x80  }
0x5: {  	s7 =	sand.u32 $0x1, s1;
	s4 =	smul.u32 $0x280, s0;
	s1 =	rddreg [dreg:$0x3]  }
0x6: {  	s22 =	simm.s32 $0x0;
	[smem:$0x7FF] =	sst s3;
	s9 =	smul.u32 $0x50000, s0  }
0x7: {  	s31 =	sshll.u32 s0, $0x1;
	s5 =	smul.u32 $0x2800, s7;
	_ =	strace $0x80000047  }
0x8: {  	s30 =	ssub.s32 $0x2, s7;
	s12 =	sor.u32 s7, s31;
	s9 =	sshrl.u32 s9, $0x2  }
0x9: {  	s10 =	sshrl.u32 s30, $0x1;
	s12 =	smul.u32 $0x500, s12;
	s4 =	sadd.s32 s4, s5  }
0xa: {  	s5 =	sadd.s32 $0x3600, s6;
	s17 =	ssub.s32 s30, s10;
	s8 =	sshll.u32 s4, $0x4  }
0xb: {  	s4 =	sadd.s32 $0x3E00, s6;
	s11 =	sadd.s32 s11, s12;
	s17 =	smax.u32 s17, $0x1  }
0xc: {  	s16 =	sadd.s32 s8, s6;
	s6 =	sadd.s32 s9, s2;
	s21 =	sadd.s32 $0x280, s11  }
0xd: {  	s7 =	sadd.s32 $0x4000, s6;
	s8 =	sadd.s32 $0x8000, s6;
	s9 =	sadd.s32 $0xC000, s6  }
0xe: {  	s10 =	sadd.s32 $0x10000, s6;
	s12 =	sadd.s32 $0x4600, s16;
	s13 =	sadd.s32 $0x4E00, s16  }
0xf: {  	s14 =	sadd.s32 $0x5600, s16;
	s15 =	sadd.s32 $0x5E00, s16;
	s16 =	sadd.s32 $0x6600, s16  }
.LBB2_1:
0x10: {  	[tilespmem:s18], [sflag:$0x1] =	stream.linear.gather [hbm4b:s5+s3], $0x4000, $0x38;
	[tilespmem:$0x19400] =	vst v63  }
0x11: {  	_ =	swait.ge [sflag:s19], $0x4000  }
0x12: {  	[sflag:s19] =	ssyncset.done $0x0  }
0x13: {  	[sflag:s19] =	ssyncadd.s32 $0xFFFFC000  }
0x14: {  	[spmem:s6] =	stream.linear.scatter [tilespmem:s18], [sflag:$0x1], $0x4000, $0x38;
	[tilespmem:$0x19400] =	vst v63  }
0x15: {  	_ =	swait.ge [sflag:s19], $0x4000  }
0x16: {  	[sflag:s19] =	ssyncset.done $0x0  }
0x17: {  	[sflag:s19] =	ssyncadd.s32 $0xFFFFC000  }
0x18: {  	[spmem:s7] =	stream.linear.scatter [tilespmem:s18], [sflag:$0x1], $0x4000, $0x38;
	[tilespmem:$0x19400] =	vst v63  }
0x19: {  	_ =	swait.ge [sflag:s19], $0x4000  }
0x1a: {  	[sflag:s19] =	ssyncset.done $0x0  }
0x1b: {  	[sflag:s19] =	ssyncadd.s32 $0xFFFFC000  }
0x1c: {  	[spmem:s8] =	stream.linear.scatter [tilespmem:s18], [sflag:$0x1], $0x4000, $0x38;
	[tilespmem:$0x19400] =	vst v63  }
0x1d: {  	_ =	swait.ge [sflag:s19], $0x4000  }
0x1e: {  	[sflag:s19] =	ssyncset.done $0x0  }
0x1f: {  	[sflag:s19] =	ssyncadd.s32 $0xFFFFC000  }
0x20: {  	[spmem:s9] =	stream.linear.scatter [tilespmem:s18], [sflag:$0x1], $0x4000, $0x38;
	[tilespmem:$0x19400] =	vst v63  }
0x21: {  	_ =	swait.ge [sflag:s19], $0x4000  }
0x22: {  	[sflag:s19] =	ssyncset.done $0x0  }
0x23: {  	[sflag:s19] =	ssyncadd.s32 $0xFFFFC000  }
0x24: {  	[spmem:s10] =	stream.linear.scatter [tilespmem:s18], [sflag:$0x1], $0x4000, $0x38;
	[tilespmem:$0x19400] =	vst v63  }
0x25: {  	_ =	swait.ge [sflag:s19], $0x4000  }
0x26: {  	[sflag:s19] =	ssyncset.done $0x0  }
0x27: {  	[sflag:s19] =	ssyncadd.s32 $0xFFFFC000  }
0x28: {  	[tilespmem:s18], [sflag:$0x1] =	stream.linear.gather [hbm4b:s4+s3], $0x4000, $0x38;
	[tilespmem:$0x19400] =	vst v63  }
0x29: {  	_ =	swait.ge [sflag:s19], $0x4000  }
0x2a: {  	[sflag:s19] =	ssyncset.done $0x0  }
0x2b: {  	[sflag:s19] =	ssyncadd.s32 $0xFFFFC000  }
0x2c: {  	[bflag:$0x0] =	sbarrier.arrive $0xFFFF  }
0x2d: {  	[tilespmem:s3], [sflag:$0x1] =	stream.linear.gather [hbm4b:s11+s3], $0x1400, $0x38;
	[tilespmem:$0x19400] =	vst v63  }
0x2e: {  	_ =	swait.ge [sflag:s19], $0x1400  }
0x2f: {  	[sflag:s19] =	ssyncset.done $0x0  }
0x30: {  	s23 =	simm.s32 $0x0;
	[sflag:s19] =	ssyncadd.s32 $0xFFFFEC00  }
0x31: {  	[spmem:s2] =	stream.indirect.scatter.add.f32 [tilespmem:s18], [sflag:$0x1], $0x80, s23, s20, $0xb8;
	[tilespmem:$0x19400] =	vst v63  }
0x32: {  	_ =	swait.ge [sflag:s19], $0x4000  }
0x33: {  	s23 =	simm.s32 $0x200;
	[sflag:s19] =	ssyncset.done $0x0  }
.LBB2_2:
0x34: {  	s24 =	sshra.s32 s23, $0x2;
	[sflag:s19] =	ssyncadd.s32 $0xFFFFC000;
	p0 =	sne.s32 s23, $0x4E00  }
0x35: {  	[spmem:s2] =	stream.indirect.scatter.add.f32 [tilespmem:s18], [sflag:$0x1], $0x80, s24, s20, $0xb8;
	[tilespmem:$0x19400] =	vst v63  }
.Ltmp0:
0x36: {  	_ = 	snop;
	(pc) =	sbr.rel @p0 .LBB2_2-.Ltmp0, $4  }
0x37: {  	_ = 	snop  }
0x38: {  	s23 =	sadd.s32 $0x200, s23  }
0x39: {  	_ =	swait.ge [sflag:s19], $0x4000  }
0x3a: {  	[sflag:s19] =	ssyncset.done $0x0  }
0x3b: {  	[sflag:s19] =	ssyncadd.s32 $0xFFFFC000;
	s23 =	simm.s32 $0x0  }
0x3c: {  	[tilespmem:s23], [sflag:$0x1] =	stream.linear.gather [hbm4b:s21+s23], $0x1400, $0x38;
	[tilespmem:$0x19400] =	vst v63  }
0x3d: {  	_ =	swait.ge [sflag:s19], $0x1400  }
0x3e: {  	[sflag:s19] =	ssyncset.done $0x0  }
0x3f: {  	s31 =	simm.s32 $0x0;
	[sflag:s19] =	ssyncadd.s32 $0xFFFFEC00  }
0x40: {  	[spmem:s2] =	stream.indirect.scatter.add.f32 [tilespmem:s18], [sflag:$0x1], $0x80, s31, s20, $0xb8;
	[tilespmem:$0x19400] =	vst v63  }
0x41: {  	_ =	swait.ge [sflag:s19], $0x4000  }
0x42: {  	s23 =	simm.s32 $0x200;
	[sflag:s19] =	ssyncset.done $0x0  }
.LBB2_4:
0x43: {  	s24 =	sshra.s32 s23, $0x2;
	[sflag:s19] =	ssyncadd.s32 $0xFFFFC000;
	p0 =	sne.s32 s23, $0x4E00  }
0x44: {  	[spmem:s2] =	stream.indirect.scatter.add.f32 [tilespmem:s18], [sflag:$0x1], $0x80, s24, s20, $0xb8;
	[tilespmem:$0x19400] =	vst v63  }
.Ltmp1:
0x45: {  	_ = 	snop;
	(pc) =	sbr.rel @p0 .LBB2_4-.Ltmp1, $4  }
0x46: {  	_ = 	snop  }
0x47: {  	s23 =	sadd.s32 $0x200, s23  }
0x48: {  	_ =	swait.ge [sflag:s19], $0x4000  }
0x49: {  	[sflag:s19] =	ssyncset.done $0x0  }
0x4a: {  	[sflag:s19] =	ssyncadd.s32 $0xFFFFC000  }
0x4b: {  	[bflag:$0x0] =	sbarrier.arrive $0xFFFF  }
0x4c: {  	[tilespmem:s18], [sflag:$0x1] =	stream.linear.gather [spmem:s6], $0x4000, $0x38;
	[tilespmem:$0x19400] =	vst v63  }
0x4d: {  	_ =	swait.ge [sflag:s19], $0x4000  }
0x4e: {  	[sflag:s19] =	ssyncset.done $0x0  }
0x4f: {  	[sflag:s19] =	ssyncadd.s32 $0xFFFFC000  }
0x50: {  	[hbm4b:s12+s3] =	stream.linear.scatter [tilespmem:s18], [sflag:$0x1], $0x4000, $0x38;
	[tilespmem:$0x19400] =	vst v63  }
0x51: {  	_ =	swait.ge [sflag:s19], $0x4000  }
0x52: {  	[sflag:s19] =	ssyncset.done $0x0  }
0x53: {  	[sflag:s19] =	ssyncadd.s32 $0xFFFFC000  }
0x54: {  	[tilespmem:s18], [sflag:$0x1] =	stream.linear.gather [spmem:s7], $0x4000, $0x38;
	[tilespmem:$0x19400] =	vst v63  }
0x55: {  	_ =	swait.ge [sflag:s19], $0x4000  }
0x56: {  	[sflag:s19] =	ssyncset.done $0x0  }
0x57: {  	[sflag:s19] =	ssyncadd.s32 $0xFFFFC000  }
0x58: {  	[hbm4b:s13+s3] =	stream.linear.scatter [tilespmem:s18], [sflag:$0x1], $0x4000, $0x38;
	[tilespmem:$0x19400] =	vst v63  }
0x59: {  	_ =	swait.ge [sflag:s19], $0x4000  }
0x5a: {  	[sflag:s19] =	ssyncset.done $0x0  }
0x5b: {  	[sflag:s19] =	ssyncadd.s32 $0xFFFFC000  }
0x5c: {  	[tilespmem:s18], [sflag:$0x1] =	stream.linear.gather [spmem:s8], $0x4000, $0x38;
	[tilespmem:$0x19400] =	vst v63  }
0x5d: {  	_ =	swait.ge [sflag:s19], $0x4000  }
0x5e: {  	[sflag:s19] =	ssyncset.done $0x0  }
0x5f: {  	[sflag:s19] =	ssyncadd.s32 $0xFFFFC000  }
0x60: {  	[hbm4b:s14+s3] =	stream.linear.scatter [tilespmem:s18], [sflag:$0x1], $0x4000, $0x38;
	[tilespmem:$0x19400] =	vst v63  }
0x61: {  	_ =	swait.ge [sflag:s19], $0x4000  }
0x62: {  	[sflag:s19] =	ssyncset.done $0x0  }
0x63: {  	[sflag:s19] =	ssyncadd.s32 $0xFFFFC000  }
0x64: {  	[tilespmem:s18], [sflag:$0x1] =	stream.linear.gather [spmem:s9], $0x4000, $0x38;
	[tilespmem:$0x19400] =	vst v63  }
0x65: {  	_ =	swait.ge [sflag:s19], $0x4000  }
0x66: {  	[sflag:s19] =	ssyncset.done $0x0  }
0x67: {  	[sflag:s19] =	ssyncadd.s32 $0xFFFFC000  }
0x68: {  	[hbm4b:s15+s3] =	stream.linear.scatter [tilespmem:s18], [sflag:$0x1], $0x4000, $0x38;
	[tilespmem:$0x19400] =	vst v63  }
0x69: {  	_ =	swait.ge [sflag:s19], $0x4000  }
0x6a: {  	[sflag:s19] =	ssyncset.done $0x0  }
0x6b: {  	[sflag:s19] =	ssyncadd.s32 $0xFFFFC000  }
0x6c: {  	[tilespmem:s18], [sflag:$0x1] =	stream.linear.gather [spmem:s10], $0x4000, $0x38;
	[tilespmem:$0x19400] =	vst v63  }
0x6d: {  	s22 =	sadd.s32 $0x1, s22;
	_ =	swait.ge [sflag:s19], $0x4000  }
0x6e: {  	p0 =	sne.s32 s22, s17;
	[sflag:s19] =	ssyncset.done $0x0  }
.Ltmp2:
0x6f: {  	[sflag:s19] =	ssyncadd.s32 $0xFFFFC000;
	(pc) =	sbr.rel @p0 .LBB2_1-.Ltmp2, $4  }
0x70: {  	[hbm4b:s16+s3] =	stream.linear.scatter [tilespmem:s18], [sflag:$0x1], $0x4000, $0x38;
	[tilespmem:$0x19400] =	vst v63  }
0x71: {  	_ =	swait.ge [sflag:s19], $0x4000  }
0x72: {  	[sflag:s19] =	ssyncset.done $0x0  }
0x73: {  	[sflag:s19] =	ssyncadd.s32 $0xFFFFC000  }
0x74: {  	_ =	sfence.sel $0x180000  }
0x75: {  	[bflag:$0x0] =	sbarrier.arrive $0xFFFF  }
0x76: {  	p0 =	sne.s32 s0, $0x0;
	_ =	strace $0x90000047  }
0x77: {  	s0 =	sadd.s32 @!p0 $0x100000, s1;
	[bflag:$0x2] =	sbarrier.arrive $0xFFFF  }
0x78: {  	[sflag:s0] =	ssyncadd.tile.s32 @!p0 $0x1;
	_ =	shalt  }
.Lfunc_end2:
_tile_overlayer_lowered:
.L_overlay_start_2:
0x79: {  	(tag) =	ssettag $0x2  }
0x7a: {  	s0 =	rddreg [dreg:$0x0];
	s2 =	stileid.u32  }
0x7b: {  	s1 =	rddreg [dreg:$0x1];
	p0 =	sne.s32 s2, $0x0  }
0x7c: {  	s3 =	rddreg [dreg:$0x2];
	[bflag:$0x3] =	sbarrier.arrive $0xFFFF;
	s2 =	simm.s32 @!p0 $0x1C01  }
0x7d: {  	[timem:s3], [sflag:s2] =	dma.local @!p0 [hbm:s0], s1  }
0x7e: {  	s0 =	simm.s32 @!p0 $0x1  }
0x7f: {  	_ =	swait.ge @!p0 [sflag:s0], s1  }
0x80: {  	s1 =	ssub.s32 @!p0 $0x0, s1;
	[sflag:s0] =	ssyncset.done @!p0 $0x0  }
0x81: {  	[sflag:s0] =	ssyncadd.s32 @!p0 s1  }
0x82: {  	[bflag:$0x3] =	sbarrier.arrive $0xFFFF  }
0x83: {  	_ =	shalt  }

</sc_bundles>
